<compile_context>
chip_gen: v7x
topology: tpu7x:2x2x1
jax: 0.10.2.dev20260603
libtpu: 0.0.44.dev20260713+nightly
codegen_flags: <defaults>
</compile_context>

<pallas_src>
import functools

import jax
import jax.numpy as jnp
from jax import lax
from jax.experimental import pallas as pl
from jax.experimental.pallas import tpu as pltpu
from jax.experimental.pallas import tpu_sc as plsc

_N = 10000
_E = 320000
_F = 128
_H = 64
_C = 16

_ROW_BLK = 1000


def _tc1_body(x_ref, wn_ref, ws_ref, p_ref, s_ref):
    h = jnp.log(x_ref[...] + 1.0)
    p_ref[...] = jnp.dot(h, wn_ref[...], preferred_element_type=jnp.float32)
    s_ref[...] = jnp.dot(h, ws_ref[...], preferred_element_type=jnp.float32)


def _tc1(x, wn, ws):
    grid = (_N // _ROW_BLK,)
    return pl.pallas_call(
        _tc1_body,
        grid=grid,
        in_specs=[
            pl.BlockSpec((_ROW_BLK, _F), lambda i: (i, 0)),
            pl.BlockSpec((_F, _H), lambda i: (0, 0)),
            pl.BlockSpec((_F, _H), lambda i: (0, 0)),
        ],
        out_specs=[
            pl.BlockSpec((_ROW_BLK, _H), lambda i: (i, 0)),
            pl.BlockSpec((_ROW_BLK, _H), lambda i: (i, 0)),
        ],
        out_shape=[
            jax.ShapeDtypeStruct((_N, _H), jnp.float32),
            jax.ShapeDtypeStruct((_N, _H), jnp.float32),
        ],
    )(x, wn, ws)


def _tc2_body(sum_ref, cnt_ref, s1_ref, b1_ref, wn2_ref, ws2_ref,
              p2_ref, s2_ref, rc_ref):
    sum_nb = sum_ref[0] + sum_ref[1]
    cnt = cnt_ref[0, :, :1] + cnt_ref[1, :, :1]
    rc = 1.0 / jnp.maximum(cnt, 1.0)
    pre = s1_ref[...] + sum_nb * rc + b1_ref[...]
    h = jnp.maximum(pre, 0.0)
    nrm = jnp.sqrt(jnp.sum(h * h, axis=1, keepdims=True))
    h = h / (nrm + 1e-12)
    p2_ref[...] = jnp.dot(h, wn2_ref[...], preferred_element_type=jnp.float32)
    s2_ref[...] = jnp.dot(h, ws2_ref[...], preferred_element_type=jnp.float32)
    rc_ref[...] = rc


def _tc2(sum1, cnt1, s1, b1, wn2, ws2):
    grid = (_N // _ROW_BLK,)
    return pl.pallas_call(
        _tc2_body,
        grid=grid,
        in_specs=[
            pl.BlockSpec((2, _ROW_BLK, _H), lambda i: (0, i, 0)),
            pl.BlockSpec((2, _ROW_BLK, _C), lambda i: (0, i, 0)),
            pl.BlockSpec((_ROW_BLK, _H), lambda i: (i, 0)),
            pl.BlockSpec((1, _H), lambda i: (0, 0)),
            pl.BlockSpec((_H, _H), lambda i: (0, 0)),
            pl.BlockSpec((_H, _H), lambda i: (0, 0)),
        ],
        out_specs=[
            pl.BlockSpec((_ROW_BLK, _H), lambda i: (i, 0)),
            pl.BlockSpec((_ROW_BLK, _H), lambda i: (i, 0)),
            pl.BlockSpec((_ROW_BLK, 1), lambda i: (i, 0)),
        ],
        out_shape=[
            jax.ShapeDtypeStruct((_N, _H), jnp.float32),
            jax.ShapeDtypeStruct((_N, _H), jnp.float32),
            jax.ShapeDtypeStruct((_N, 1), jnp.float32),
        ],
    )(sum1, cnt1, s1, b1, wn2, ws2)


def _tc3_body(acc_ref, s2_ref, rc_ref, b2_ref, wmu_ref, bmu_ref, wvar_ref,
              bvar_ref, zl_ref, zs_ref):
    sum_nb = acc_ref[0] + acc_ref[1]
    pre = s2_ref[...] + sum_nb * rc_ref[...] + b2_ref[...]
    h = jnp.maximum(pre, 0.0)
    nrm = jnp.sqrt(jnp.sum(h * h, axis=1, keepdims=True))
    h = h / (nrm + 1e-12)
    zl_ref[...] = jnp.dot(h, wmu_ref[...], preferred_element_type=jnp.float32) + bmu_ref[...]
    zs_ref[...] = jnp.exp(
        jnp.dot(h, wvar_ref[...], preferred_element_type=jnp.float32) + bvar_ref[...])


def _tc3(acc2, s2, rc, b2, wmu, bmu, wvar, bvar):
    grid = (_N // _ROW_BLK,)
    return pl.pallas_call(
        _tc3_body,
        grid=grid,
        in_specs=[
            pl.BlockSpec((2, _ROW_BLK, _H), lambda i: (0, i, 0)),
            pl.BlockSpec((_ROW_BLK, _H), lambda i: (i, 0)),
            pl.BlockSpec((_ROW_BLK, 1), lambda i: (i, 0)),
            pl.BlockSpec((1, _H), lambda i: (0, 0)),
            pl.BlockSpec((_H, _H), lambda i: (0, 0)),
            pl.BlockSpec((1, _H), lambda i: (0, 0)),
            pl.BlockSpec((_H, _H), lambda i: (0, 0)),
            pl.BlockSpec((1, _H), lambda i: (0, 0)),
        ],
        out_specs=[
            pl.BlockSpec((_ROW_BLK, _H), lambda i: (i, 0)),
            pl.BlockSpec((_ROW_BLK, _H), lambda i: (i, 0)),
        ],
        out_shape=[
            jax.ShapeDtypeStruct((_N, _H), jnp.float32),
            jax.ShapeDtypeStruct((_N, _H), jnp.float32),
        ],
    )(acc2, s2, rc, b2, wmu, bmu, wvar, bvar)


_CHUNK = 80
_NBUF = 5


def _make_sc_segsum(d, with_cnt):
    nc, ns = 2, 16
    n_tiles = nc * ns
    edges_per_tile = _E // n_tiles
    min_chunks = (edges_per_tile + _CHUNK - 1) // _CHUNK
    n_chunks = (min_chunks + _NBUF - 1) // _NBUF * _NBUF
    padded_edges = n_chunks * _CHUNK
    n_pad16 = (padded_edges - edges_per_tile) // 16
    rows_per_tile = (_N // ns) // 8 * 8
    tail_row0 = ns * rows_per_tile
    tail_rows = _N - tail_row0
    mesh = plsc.VectorSubcoreMesh(core_axis_name="c", subcore_axis_name="s",
                                  num_cores=nc, num_subcores=ns)

    if with_cnt:
        out_type = (jax.ShapeDtypeStruct((nc, _N, d), jnp.float32),
                    jax.ShapeDtypeStruct((nc, _N, _C), jnp.float32))
    else:
        out_type = jax.ShapeDtypeStruct((nc, _N, d), jnp.float32)

    scratch = [
        pltpu.VMEM((padded_edges,), jnp.int32),
        pltpu.VMEM((padded_edges,), jnp.int32),
        pltpu.VMEM((_NBUF, _CHUNK, d), jnp.float32),
        pltpu.VMEM_SHARED((_N + 16, d), jnp.float32),
        [pltpu.SemaphoreType.DMA] * _NBUF,
    ]
    if with_cnt:
        scratch += [
            pltpu.VMEM((_CHUNK, _C), jnp.float32),
            pltpu.VMEM_SHARED((_N + 16, _C), jnp.float32),
        ]

    @functools.partial(pl.kernel, out_type=out_type, mesh=mesh,
                       scratch_types=scratch,
                       compiler_params=pltpu.CompilerParams(
                           use_tc_tiling_on_sc=False))
    def segsum(table_hbm, edges_hbm, zeros_hbm, *rest):
        if with_cnt:
            (zeros_c_hbm, out_hbm, cnt_out_hbm,
             sidx, didx, rows, acc, gsems, ones, cacc) = rest
        else:
            (out_hbm, sidx, didx, rows, acc, gsems) = rest
        c = lax.axis_index("c")
        s = lax.axis_index("s")
        wid = c * ns + s
        row0 = s * rows_per_tile
        e0 = wid * edges_per_tile
        pltpu.sync_copy(zeros_hbm.at[pl.ds(0, rows_per_tile)],
                        acc.at[pl.ds(row0, rows_per_tile)])
        pltpu.sync_copy(edges_hbm.at[0, pl.ds(e0, edges_per_tile)],
                        sidx.at[pl.ds(0, edges_per_tile)])
        pltpu.sync_copy(edges_hbm.at[1, pl.ds(e0, edges_per_tile)],
                        didx.at[pl.ds(0, edges_per_tile)])
        for k in range(n_pad16):
            off = edges_per_tile + k * 16
            sidx[pl.ds(off, 16)] = jnp.zeros((16,), jnp.int32)
            didx[pl.ds(off, 16)] = jnp.full((16,), _N, jnp.int32) + s
        if with_cnt:
            pltpu.sync_copy(zeros_c_hbm.at[pl.ds(0, rows_per_tile)],
                            cacc.at[pl.ds(row0, rows_per_tile)])
            for i in range(_CHUNK):
                ones[i] = jnp.ones((_C,), jnp.float32)

        @pl.when(s == 0)
        def _zero_tail():
            pltpu.sync_copy(zeros_hbm.at[pl.ds(0, tail_rows)],
                            acc.at[pl.ds(tail_row0, tail_rows)])
            if with_cnt:
                pltpu.sync_copy(zeros_c_hbm.at[pl.ds(0, tail_rows)],
                                cacc.at[pl.ds(tail_row0, tail_rows)])

        plsc.subcore_barrier()

        for b in range(_NBUF):
            pltpu.async_copy(table_hbm.at[sidx.at[pl.ds(b * _CHUNK, _CHUNK)]],
                             rows.at[b], gsems[b])

        def outer(jo, carry):
            for b in range(_NBUF):
                j = jo * _NBUF + b
                dslc = didx.at[pl.ds(j * _CHUNK, _CHUNK)]
                pltpu.make_async_copy(
                    table_hbm.at[sidx.at[pl.ds(j * _CHUNK, _CHUNK)]],
                    rows.at[b], gsems[b]).wait()
                pltpu.sync_copy(rows.at[b], acc.at[dslc], add=True)
                if with_cnt:
                    pltpu.sync_copy(ones, cacc.at[dslc], add=True)

                @pl.when(j + _NBUF < n_chunks)
                def _next():
                    nslc = sidx.at[pl.ds((j + _NBUF) * _CHUNK, _CHUNK)]
                    pltpu.async_copy(table_hbm.at[nslc], rows.at[b], gsems[b])
            return carry

        lax.fori_loop(0, n_chunks // _NBUF, outer, 0)
        plsc.subcore_barrier()
        pltpu.sync_copy(acc.at[pl.ds(row0, rows_per_tile)],
                        out_hbm.at[c, pl.ds(row0, rows_per_tile)])
        if with_cnt:
            pltpu.sync_copy(cacc.at[pl.ds(row0, rows_per_tile)],
                            cnt_out_hbm.at[c, pl.ds(row0, rows_per_tile)])

        @pl.when(s == 0)
        def _copy_tail():
            pltpu.sync_copy(acc.at[pl.ds(tail_row0, tail_rows)],
                            out_hbm.at[c, pl.ds(tail_row0, tail_rows)])
            if with_cnt:
                pltpu.sync_copy(cacc.at[pl.ds(tail_row0, tail_rows)],
                                cnt_out_hbm.at[c, pl.ds(tail_row0, tail_rows)])

    return segsum


_sc_segsum = functools.cache(_make_sc_segsum)


def kernel(x, edge_index, Ws1, Wn1, b1, Ws2, Wn2, b2, Wmu, bmu, Wvar, bvar):
    e1d = edge_index.astype(jnp.int32)
    zh = jnp.zeros((_N // 16, _H), jnp.float32)
    zc = jnp.zeros((_N // 16, _C), jnp.float32)

    p1, s1 = _tc1(x, Wn1, Ws1)
    sum1, cnt1 = _sc_segsum(_H, True)(p1, e1d, zh, zc)
    p2, s2, rc = _tc2(sum1, cnt1, s1, b1.reshape(1, _H), Wn2, Ws2)
    sum2 = _sc_segsum(_H, False)(p2, e1d, zh)
    z_loc, z_scale = _tc3(sum2, s2, rc, b2.reshape(1, _H),
                          Wmu, bmu.reshape(1, _H), Wvar, bvar.reshape(1, _H))
    return (z_loc, z_scale)

# --- scband reference (transcript-rebuilt; emitter-appended) ---
"""Pipeline reference for scband-sagelightning-69355131895827 (READ-ONLY COPY).

The authoritative reference and input builder live on the scoring server;
editing this copy changes nothing except your own understanding.
"""

import jax, jax.numpy as jnp
import numpy as np

N_NODES = 10000
N_EDGES = 320000
IN_FEATS = 128
N_HIDDEN = 64


def _l2norm(h):
    return h / (jnp.linalg.norm(h, axis=-1, keepdims=True) + 1e-12)


def _sage_mean_layer(h, src, dst, Ws, Wn, b, n_nodes):
    # DGL SAGEConv with aggregator_type='mean': fc_self(h) + fc_neigh(mean_{u in N(v)} h_u)
    msg = h[src]  # gather over edges
    summed = jax.ops.segment_sum(msg, dst, num_segments=n_nodes)
    cnt = jax.ops.segment_sum(jnp.ones((src.shape[0], 1), h.dtype), dst, num_segments=n_nodes)
    mean_nb = summed / jnp.maximum(cnt, 1.0)
    return h @ Ws + mean_nb @ Wn + b


def setup_inputs(seed: int = 0) -> dict:
    key = jax.random.key(seed)
    ks = jax.random.split(key, 12)
    x = jax.random.uniform(ks[0], (N_NODES, IN_FEATS), dtype=jnp.float32)
    edge_index = jax.random.randint(ks[1], (2, N_EDGES), 0, N_NODES, dtype=jnp.int64)
    s1 = 1.0 / np.sqrt(IN_FEATS)
    s2 = 1.0 / np.sqrt(N_HIDDEN)
    Ws1 = jax.random.normal(ks[2], (IN_FEATS, N_HIDDEN), jnp.float32) * s1
    Wn1 = jax.random.normal(ks[3], (IN_FEATS, N_HIDDEN), jnp.float32) * s1
    b1 = jnp.zeros((N_HIDDEN,), jnp.float32)
    Ws2 = jax.random.normal(ks[4], (N_HIDDEN, N_HIDDEN), jnp.float32) * s2
    Wn2 = jax.random.normal(ks[5], (N_HIDDEN, N_HIDDEN), jnp.float32) * s2
    b2 = jnp.zeros((N_HIDDEN,), jnp.float32)
    Wmu = jax.random.normal(ks[6], (N_HIDDEN, N_HIDDEN), jnp.float32) * s2
    bmu = jnp.zeros((N_HIDDEN,), jnp.float32)
    Wvar = jax.random.normal(ks[7], (N_HIDDEN, N_HIDDEN), jnp.float32) * s2 * 0.1
    bvar = jnp.zeros((N_HIDDEN,), jnp.float32)
    return {"x": x, "edge_index": edge_index, "Ws1": Ws1, "Wn1": Wn1, "b1": b1,
            "Ws2": Ws2, "Wn2": Wn2, "b2": b2, "Wmu": Wmu, "bmu": bmu,
            "Wvar": Wvar, "bvar": bvar}


def reference(x, edge_index, Ws1, Wn1, b1, Ws2, Wn2, b2, Wmu, bmu, Wvar, bvar):
    n_nodes = x.shape[0]
    src = edge_index[0]
    dst = edge_index[1]
    # Encoder.forward: h = log(x + 1); SAGEConv layers with relu activation and
    # norm=F.normalize (L2 row-normalize); dropout is inactive at inference.
    h = jnp.log(x + 1.0)
    h = _l2norm(jax.nn.relu(_sage_mean_layer(h, src, dst, Ws1, Wn1, b1, n_nodes)))
    h = _l2norm(jax.nn.relu(_sage_mean_layer(h, src, dst, Ws2, Wn2, b2, n_nodes)))
    z_loc = h @ Wmu + bmu
    z_scale = jnp.exp(h @ Wvar + bvar)
    return (z_loc, z_scale)

if __name__ == "__main__":
    import jax
    _d = setup_inputs()
    print(jax.jit(kernel)(*tuple(_d.values())))

</pallas_src>

<mosaic_0001>
#map = affine_map<(d0, d1) -> (0, 0)>
#map1 = affine_map<(d0, d1) -> (0, 0, 0)>
module attributes {stable_mosaic.version = 14 : i64} {
  func.func @segsum(%arg0: i32, %arg1: i32, %arg2: memref<10000x64xf32, #tpu.memory_space<hbm>>, %arg3: memref<2x320000xi32, #tpu.memory_space<hbm>>, %arg4: memref<625x64xf32, #tpu.memory_space<hbm>>, %arg5: memref<625x16xf32, #tpu.memory_space<hbm>>, %arg6: memref<2x10000x64xf32, #tpu.memory_space<hbm>>, %arg7: memref<2x10000x16xf32, #tpu.memory_space<hbm>>, %arg8: memref<10000xi32, #tpu.memory_space<vmem>>, %arg9: memref<10000xi32, #tpu.memory_space<vmem>>, %arg10: memref<5x80x64xf32, #tpu.memory_space<vmem>>, %arg11: memref<10016x64xf32, #tpu.memory_space<vmem_shared>>, %arg12: memref<!tpu.dma_semaphore, #tpu.memory_space<semaphore_mem>>, %arg13: memref<!tpu.dma_semaphore, #tpu.memory_space<semaphore_mem>>, %arg14: memref<!tpu.dma_semaphore, #tpu.memory_space<semaphore_mem>>, %arg15: memref<!tpu.dma_semaphore, #tpu.memory_space<semaphore_mem>>, %arg16: memref<!tpu.dma_semaphore, #tpu.memory_space<semaphore_mem>>, %arg17: memref<80x16xf32, #tpu.memory_space<vmem>>, %arg18: memref<10016x16xf32, #tpu.memory_space<vmem_shared>>) attributes {dimension_semantics = [#tpu.dimension_semantics<core_parallel>, #tpu.dimension_semantics<subcore_parallel>], iteration_bounds = array<i64: 2, 16>, scalar_prefetch = 0 : i64, scratch_operands = 11 : i64, tpu.core_type = #tpu.core_type<sc_vector_subcore>, window_params = [{transform_indices = #map}, {transform_indices = #map}, {transform_indices = #map}, {transform_indices = #map}, {transform_indices = #map1}, {transform_indices = #map1}]} {
    %mul3A = arith.constant 16 : i32
    %mul3A_0 = arith.muli %arg0, %mul3A : i32
    %add3A = arith.addi %mul3A_0, %arg1 : i32
    %mul3A_1 = arith.constant 624 : i32
    %mul3A_2 = arith.muli %arg1, %mul3A_1 : i32
    %mul3A_3 = arith.constant 10000 : i32
    %mul3A_4 = arith.muli %add3A, %mul3A_3 : i32
    "tpu.region"() ({
      %run_scoped3A_706 = tpu.sem_alloc : memref<!tpu.dma_semaphore, #tpu.memory_space<semaphore_mem>>
      %dma_start3A_707 = arith.constant 0 : i32
      %dma_start3A_708 = tpu.memref_slice %arg11[%mul3A_2, %dma_start3A_707] : memref<10016x64xf32, #tpu.memory_space<vmem_shared>> -> memref<624x64xf32, #tpu.memory_space<vmem_shared>>
      %dma_start3A_709 = arith.constant 0 : i32
      %dma_start3A_710 = arith.constant 0 : i32
      %dma_start3A_711 = tpu.memref_slice %arg4[%dma_start3A_709, %dma_start3A_710] : memref<625x64xf32, #tpu.memory_space<hbm>> -> memref<624x64xf32, #tpu.memory_space<hbm>>
      tpu.enqueue_dma source(%dma_start3A_711 : memref<624x64xf32, #tpu.memory_space<hbm>>) target(%dma_start3A_708 : memref<624x64xf32, #tpu.memory_space<vmem_shared>>) target_semaphore(%run_scoped3A_706 : memref<!tpu.dma_semaphore, #tpu.memory_space<semaphore_mem>>)
      %dma_wait3A = arith.constant 0 : i32
      %dma_wait3A_712 = tpu.memref_slice %arg11[%mul3A_2, %dma_wait3A] : memref<10016x64xf32, #tpu.memory_space<vmem_shared>> -> memref<624x64xf32, #tpu.memory_space<vmem_shared>>
      %dma_wait3A_713 = arith.constant 0 : i32
      %dma_wait3A_714 = arith.constant 0 : i32
      %dma_wait3A_715 = tpu.memref_slice %arg4[%dma_wait3A_713, %dma_wait3A_714] : memref<625x64xf32, #tpu.memory_space<hbm>> -> memref<624x64xf32, #tpu.memory_space<hbm>>
      tpu.wait_dma2 semaphore(%run_scoped3A_706 : memref<!tpu.dma_semaphore, #tpu.memory_space<semaphore_mem>>) src(%dma_wait3A_715 : memref<624x64xf32, #tpu.memory_space<hbm>>) dst(%dma_wait3A_712 : memref<624x64xf32, #tpu.memory_space<vmem_shared>>)
      tpu.yield
    }) : () -> ()
    %run_scoped3A = arith.constant 0 : i32
    "tpu.region"() ({
      %run_scoped3A_706 = tpu.sem_alloc : memref<!tpu.dma_semaphore, #tpu.memory_space<semaphore_mem>>
      %dma_start3A_707 = arith.constant 0 : i32
      %dma_start3A_708 = tpu.memref_slice %arg8[%dma_start3A_707] : memref<10000xi32, #tpu.memory_space<vmem>> -> memref<10000xi32, #tpu.memory_space<vmem>>
      %dma_start3A_709 = tpu.memref_slice %arg3[%run_scoped3A, %mul3A_4] : memref<2x320000xi32, #tpu.memory_space<hbm>> -> memref<1x10000xi32, #tpu.memory_space<hbm>>
      %dma_start3A_710 = tpu.memref_squeeze %dma_start3A_709 : memref<1x10000xi32, #tpu.memory_space<hbm>> -> memref<10000xi32, #tpu.memory_space<hbm>>
      %dma_start3A_711 = arith.constant 0 : i32
      %dma_start3A_712 = tpu.memref_slice %arg8[%dma_start3A_711] : memref<10000xi32, #tpu.memory_space<vmem>> -> memref<10000xi32, #tpu.memory_space<vmem>>
      %dma_start3A_713 = tpu.memref_slice %arg3[%run_scoped3A, %mul3A_4] : memref<2x320000xi32, #tpu.memory_space<hbm>> -> memref<1x10000xi32, #tpu.memory_space<hbm>>
      %dma_start3A_714 = tpu.memref_squeeze %dma_start3A_713 : memref<1x10000xi32, #tpu.memory_space<hbm>> -> memref<10000xi32, #tpu.memory_space<hbm>>
      tpu.enqueue_dma source(%dma_start3A_714 : memref<10000xi32, #tpu.memory_space<hbm>>) target(%dma_start3A_712 : memref<10000xi32, #tpu.memory_space<vmem>>) target_semaphore(%run_scoped3A_706 : memref<!tpu.dma_semaphore, #tpu.memory_space<semaphore_mem>>)
      %dma_wait3A = arith.constant 0 : i32
      %dma_wait3A_715 = tpu.memref_slice %arg8[%dma_wait3A] : memref<10000xi32, #tpu.memory_space<vmem>> -> memref<10000xi32, #tpu.memory_space<vmem>>
      %dma_wait3A_716 = tpu.memref_slice %arg3[%run_scoped3A, %mul3A_4] : memref<2x320000xi32, #tpu.memory_space<hbm>> -> memref<1x10000xi32, #tpu.memory_space<hbm>>
      %dma_wait3A_717 = tpu.memref_squeeze %dma_wait3A_716 : memref<1x10000xi32, #tpu.memory_space<hbm>> -> memref<10000xi32, #tpu.memory_space<hbm>>
      %dma_wait3A_718 = arith.constant 0 : i32
      %dma_wait3A_719 = tpu.memref_slice %arg8[%dma_wait3A_718] : memref<10000xi32, #tpu.memory_space<vmem>> -> memref<10000xi32, #tpu.memory_space<vmem>>
      %dma_wait3A_720 = tpu.memref_slice %arg3[%run_scoped3A, %mul3A_4] : memref<2x320000xi32, #tpu.memory_space<hbm>> -> memref<1x10000xi32, #tpu.memory_space<hbm>>
      %dma_wait3A_721 = tpu.memref_squeeze %dma_wait3A_720 : memref<1x10000xi32, #tpu.memory_space<hbm>> -> memref<10000xi32, #tpu.memory_space<hbm>>
      tpu.wait_dma2 semaphore(%run_scoped3A_706 : memref<!tpu.dma_semaphore, #tpu.memory_space<semaphore_mem>>) src(%dma_wait3A_721 : memref<10000xi32, #tpu.memory_space<hbm>>) dst(%dma_wait3A_719 : memref<10000xi32, #tpu.memory_space<vmem>>)
      tpu.yield
    }) : () -> ()
    %run_scoped3A_5 = arith.constant 1 : i32
    "tpu.region"() ({
      %run_scoped3A_706 = tpu.sem_alloc : memref<!tpu.dma_semaphore, #tpu.memory_space<semaphore_mem>>
      %dma_start3A_707 = arith.constant 0 : i32
      %dma_start3A_708 = tpu.memref_slice %arg9[%dma_start3A_707] : memref<10000xi32, #tpu.memory_space<vmem>> -> memref<10000xi32, #tpu.memory_space<vmem>>
      %dma_start3A_709 = tpu.memref_slice %arg3[%run_scoped3A_5, %mul3A_4] : memref<2x320000xi32, #tpu.memory_space<hbm>> -> memref<1x10000xi32, #tpu.memory_space<hbm>>
      %dma_start3A_710 = tpu.memref_squeeze %dma_start3A_709 : memref<1x10000xi32, #tpu.memory_space<hbm>> -> memref<10000xi32, #tpu.memory_space<hbm>>
      %dma_start3A_711 = arith.constant 0 : i32
      %dma_start3A_712 = tpu.memref_slice %arg9[%dma_start3A_711] : memref<10000xi32, #tpu.memory_space<vmem>> -> memref<10000xi32, #tpu.memory_space<vmem>>
      %dma_start3A_713 = tpu.memref_slice %arg3[%run_scoped3A_5, %mul3A_4] : memref<2x320000xi32, #tpu.memory_space<hbm>> -> memref<1x10000xi32, #tpu.memory_space<hbm>>
      %dma_start3A_714 = tpu.memref_squeeze %dma_start3A_713 : memref<1x10000xi32, #tpu.memory_space<hbm>> -> memref<10000xi32, #tpu.memory_space<hbm>>
      tpu.enqueue_dma source(%dma_start3A_714 : memref<10000xi32, #tpu.memory_space<hbm>>) target(%dma_start3A_712 : memref<10000xi32, #tpu.memory_space<vmem>>) target_semaphore(%run_scoped3A_706 : memref<!tpu.dma_semaphore, #tpu.memory_space<semaphore_mem>>)
      %dma_wait3A = arith.constant 0 : i32
      %dma_wait3A_715 = tpu.memref_slice %arg9[%dma_wait3A] : memref<10000xi32, #tpu.memory_space<vmem>> -> memref<10000xi32, #tpu.memory_space<vmem>>
      %dma_wait3A_716 = tpu.memref_slice %arg3[%run_scoped3A_5, %mul3A_4] : memref<2x320000xi32, #tpu.memory_space<hbm>> -> memref<1x10000xi32, #tpu.memory_space<hbm>>
      %dma_wait3A_717 = tpu.memref_squeeze %dma_wait3A_716 : memref<1x10000xi32, #tpu.memory_space<hbm>> -> memref<10000xi32, #tpu.memory_space<hbm>>
      %dma_wait3A_718 = arith.constant 0 : i32
      %dma_wait3A_719 = tpu.memref_slice %arg9[%dma_wait3A_718] : memref<10000xi32, #tpu.memory_space<vmem>> -> memref<10000xi32, #tpu.memory_space<vmem>>
      %dma_wait3A_720 = tpu.memref_slice %arg3[%run_scoped3A_5, %mul3A_4] : memref<2x320000xi32, #tpu.memory_space<hbm>> -> memref<1x10000xi32, #tpu.memory_space<hbm>>
      %dma_wait3A_721 = tpu.memref_squeeze %dma_wait3A_720 : memref<1x10000xi32, #tpu.memory_space<hbm>> -> memref<10000xi32, #tpu.memory_space<hbm>>
      tpu.wait_dma2 semaphore(%run_scoped3A_706 : memref<!tpu.dma_semaphore, #tpu.memory_space<semaphore_mem>>) src(%dma_wait3A_721 : memref<10000xi32, #tpu.memory_space<hbm>>) dst(%dma_wait3A_719 : memref<10000xi32, #tpu.memory_space<vmem>>)
      tpu.yield
    }) : () -> ()
    "tpu.region"() ({
      %run_scoped3A_706 = tpu.sem_alloc : memref<!tpu.dma_semaphore, #tpu.memory_space<semaphore_mem>>
      %dma_start3A_707 = arith.constant 0 : i32
      %dma_start3A_708 = tpu.memref_slice %arg18[%mul3A_2, %dma_start3A_707] : memref<10016x16xf32, #tpu.memory_space<vmem_shared>> -> memref<624x16xf32, #tpu.memory_space<vmem_shared>>
      %dma_start3A_709 = arith.constant 0 : i32
      %dma_start3A_710 = arith.constant 0 : i32
      %dma_start3A_711 = tpu.memref_slice %arg5[%dma_start3A_709, %dma_start3A_710] : memref<625x16xf32, #tpu.memory_space<hbm>> -> memref<624x16xf32, #tpu.memory_space<hbm>>
      tpu.enqueue_dma source(%dma_start3A_711 : memref<624x16xf32, #tpu.memory_space<hbm>>) target(%dma_start3A_708 : memref<624x16xf32, #tpu.memory_space<vmem_shared>>) target_semaphore(%run_scoped3A_706 : memref<!tpu.dma_semaphore, #tpu.memory_space<semaphore_mem>>)
      %dma_wait3A = arith.constant 0 : i32
      %dma_wait3A_712 = tpu.memref_slice %arg18[%mul3A_2, %dma_wait3A] : memref<10016x16xf32, #tpu.memory_space<vmem_shared>> -> memref<624x16xf32, #tpu.memory_space<vmem_shared>>
      %dma_wait3A_713 = arith.constant 0 : i32
      %dma_wait3A_714 = arith.constant 0 : i32
      %dma_wait3A_715 = tpu.memref_slice %arg5[%dma_wait3A_713, %dma_wait3A_714] : memref<625x16xf32, #tpu.memory_space<hbm>> -> memref<624x16xf32, #tpu.memory_space<hbm>>
      tpu.wait_dma2 semaphore(%run_scoped3A_706 : memref<!tpu.dma_semaphore, #tpu.memory_space<semaphore_mem>>) src(%dma_wait3A_715 : memref<624x16xf32, #tpu.memory_space<hbm>>) dst(%dma_wait3A_712 : memref<624x16xf32, #tpu.memory_space<vmem_shared>>)
      tpu.yield
    }) : () -> ()
    %broadcast_in_dim3A = arith.constant 1.000000e+00 : f32
    %broadcast_in_dim3A_6 = vector.broadcast %broadcast_in_dim3A : f32 to vector<16xf32>
    %swap3A = arith.constant 0 : i32
    %swap3A_7 = arith.index_cast %swap3A : i32 to index
    %swap3A_8 = arith.constant 0 : index
    %swap3A_9 = tpu.vector_load %arg17[%swap3A_7, %swap3A_8] {strides = array<i32>} : memref<80x16xf32, #tpu.memory_space<vmem>>, vector<1x16xf32>,
    %swap3A_10 = vector.shape_cast %swap3A_9 : vector<1x16xf32> to vector<16xf32>
    %swap3A_11 = vector.shape_cast %broadcast_in_dim3A_6 : vector<16xf32> to vector<1x16xf32>
    tpu.vector_store %arg17[%swap3A_7, %swap3A_8], %swap3A_11 {strides = array<i32>} : memref<80x16xf32, #tpu.memory_space<vmem>>, vector<1x16xf32>,
    %broadcast_in_dim3A_12 = arith.constant 1.000000e+00 : f32
    %broadcast_in_dim3A_13 = vector.broadcast %broadcast_in_dim3A_12 : f32 to vector<16xf32>
    %swap3A_14 = arith.constant 1 : i32
    %swap3A_15 = arith.index_cast %swap3A_14 : i32 to index
    %swap3A_16 = arith.constant 0 : index
    %swap3A_17 = tpu.vector_load %arg17[%swap3A_15, %swap3A_16] {strides = array<i32>} : memref<80x16xf32, #tpu.memory_space<vmem>>, vector<1x16xf32>,
    %swap3A_18 = vector.shape_cast %swap3A_17 : vector<1x16xf32> to vector<16xf32>
    %swap3A_19 = vector.shape_cast %broadcast_in_dim3A_13 : vector<16xf32> to vector<1x16xf32>
    tpu.vector_store %arg17[%swap3A_15, %swap3A_16], %swap3A_19 {strides = array<i32>} : memref<80x16xf32, #tpu.memory_space<vmem>>, vector<1x16xf32>,
    %broadcast_in_dim3A_20 = arith.constant 1.000000e+00 : f32
    %broadcast_in_dim3A_21 = vector.broadcast %broadcast_in_dim3A_20 : f32 to vector<16xf32>
    %swap3A_22 = arith.constant 2 : i32
    %swap3A_23 = arith.index_cast %swap3A_22 : i32 to index
    %swap3A_24 = arith.constant 0 : index
    %swap3A_25 = tpu.vector_load %arg17[%swap3A_23, %swap3A_24] {strides = array<i32>} : memref<80x16xf32, #tpu.memory_space<vmem>>, vector<1x16xf32>,
    %swap3A_26 = vector.shape_cast %swap3A_25 : vector<1x16xf32> to vector<16xf32>
    %swap3A_27 = vector.shape_cast %broadcast_in_dim3A_21 : vector<16xf32> to vector<1x16xf32>
    tpu.vector_store %arg17[%swap3A_23, %swap3A_24], %swap3A_27 {strides = array<i32>} : memref<80x16xf32, #tpu.memory_space<vmem>>, vector<1x16xf32>,
    %broadcast_in_dim3A_28 = arith.constant 1.000000e+00 : f32
    %broadcast_in_dim3A_29 = vector.broadcast %broadcast_in_dim3A_28 : f32 to vector<16xf32>
    %swap3A_30 = arith.constant 3 : i32
    %swap3A_31 = arith.index_cast %swap3A_30 : i32 to index
    %swap3A_32 = arith.constant 0 : index
    %swap3A_33 = tpu.vector_load %arg17[%swap3A_31, %swap3A_32] {strides = array<i32>} : memref<80x16xf32, #tpu.memory_space<vmem>>, vector<1x16xf32>,
    %swap3A_34 = vector.shape_cast %swap3A_33 : vector<1x16xf32> to vector<16xf32>
    %swap3A_35 = vector.shape_cast %broadcast_in_dim3A_29 : vector<16xf32> to vector<1x16xf32>
    tpu.vector_store %arg17[%swap3A_31, %swap3A_32], %swap3A_35 {strides = array<i32>} : memref<80x16xf32, #tpu.memory_space<vmem>>, vector<1x16xf32>,
    %broadcast_in_dim3A_36 = arith.constant 1.000000e+00 : f32
    %broadcast_in_dim3A_37 = vector.broadcast %broadcast_in_dim3A_36 : f32 to vector<16xf32>
    %swap3A_38 = arith.constant 4 : i32
    %swap3A_39 = arith.index_cast %swap3A_38 : i32 to index
    %swap3A_40 = arith.constant 0 : index
    %swap3A_41 = tpu.vector_load %arg17[%swap3A_39, %swap3A_40] {strides = array<i32>} : memref<80x16xf32, #tpu.memory_space<vmem>>, vector<1x16xf32>,
    %swap3A_42 = vector.shape_cast %swap3A_41 : vector<1x16xf32> to vector<16xf32>
    %swap3A_43 = vector.shape_cast %broadcast_in_dim3A_37 : vector<16xf32> to vector<1x16xf32>
    tpu.vector_store %arg17[%swap3A_39, %swap3A_40], %swap3A_43 {strides = array<i32>} : memref<80x16xf32, #tpu.memory_space<vmem>>, vector<1x16xf32>,
    %broadcast_in_dim3A_44 = arith.constant 1.000000e+00 : f32
    %broadcast_in_dim3A_45 = vector.broadcast %broadcast_in_dim3A_44 : f32 to vector<16xf32>
    %swap3A_46 = arith.constant 5 : i32
    %swap3A_47 = arith.index_cast %swap3A_46 : i32 to index
    %swap3A_48 = arith.constant 0 : index
    %swap3A_49 = tpu.vector_load %arg17[%swap3A_47, %swap3A_48] {strides = array<i32>} : memref<80x16xf32, #tpu.memory_space<vmem>>, vector<1x16xf32>,
    %swap3A_50 = vector.shape_cast %swap3A_49 : vector<1x16xf32> to vector<16xf32>
    %swap3A_51 = vector.shape_cast %broadcast_in_dim3A_45 : vector<16xf32> to vector<1x16xf32>
    tpu.vector_store %arg17[%swap3A_47, %swap3A_48], %swap3A_51 {strides = array<i32>} : memref<80x16xf32, #tpu.memory_space<vmem>>, vector<1x16xf32>,
    %broadcast_in_dim3A_52 = arith.constant 1.000000e+00 : f32
    %broadcast_in_dim3A_53 = vector.broadcast %broadcast_in_dim3A_52 : f32 to vector<16xf32>
    %swap3A_54 = arith.constant 6 : i32
    %swap3A_55 = arith.index_cast %swap3A_54 : i32 to index
    %swap3A_56 = arith.constant 0 : index
    %swap3A_57 = tpu.vector_load %arg17[%swap3A_55, %swap3A_56] {strides = array<i32>} : memref<80x16xf32, #tpu.memory_space<vmem>>, vector<1x16xf32>,
    %swap3A_58 = vector.shape_cast %swap3A_57 : vector<1x16xf32> to vector<16xf32>
    %swap3A_59 = vector.shape_cast %broadcast_in_dim3A_53 : vector<16xf32> to vector<1x16xf32>
    tpu.vector_store %arg17[%swap3A_55, %swap3A_56], %swap3A_59 {strides = array<i32>} : memref<80x16xf32, #tpu.memory_space<vmem>>, vector<1x16xf32>,
    %broadcast_in_dim3A_60 = arith.constant 1.000000e+00 : f32
    %broadcast_in_dim3A_61 = vector.broadcast %broadcast_in_dim3A_60 : f32 to vector<16xf32>
    %swap3A_62 = arith.constant 7 : i32
    %swap3A_63 = arith.index_cast %swap3A_62 : i32 to index
    %swap3A_64 = arith.constant 0 : index
    %swap3A_65 = tpu.vector_load %arg17[%swap3A_63, %swap3A_64] {strides = array<i32>} : memref<80x16xf32, #tpu.memory_space<vmem>>, vector<1x16xf32>,
    %swap3A_66 = vector.shape_cast %swap3A_65 : vector<1x16xf32> to vector<16xf32>
    %swap3A_67 = vector.shape_cast %broadcast_in_dim3A_61 : vector<16xf32> to vector<1x16xf32>
    tpu.vector_store %arg17[%swap3A_63, %swap3A_64], %swap3A_67 {strides = array<i32>} : memref<80x16xf32, #tpu.memory_space<vmem>>, vector<1x16xf32>,
    %broadcast_in_dim3A_68 = arith.constant 1.000000e+00 : f32
    %broadcast_in_dim3A_69 = vector.broadcast %broadcast_in_dim3A_68 : f32 to vector<16xf32>
    %swap3A_70 = arith.constant 8 : i32
    %swap3A_71 = arith.index_cast %swap3A_70 : i32 to index
    %swap3A_72 = arith.constant 0 : index
    %swap3A_73 = tpu.vector_load %arg17[%swap3A_71, %swap3A_72] {strides = array<i32>} : memref<80x16xf32, #tpu.memory_space<vmem>>, vector<1x16xf32>,
    %swap3A_74 = vector.shape_cast %swap3A_73 : vector<1x16xf32> to vector<16xf32>
    %swap3A_75 = vector.shape_cast %broadcast_in_dim3A_69 : vector<16xf32> to vector<1x16xf32>
    tpu.vector_store %arg17[%swap3A_71, %swap3A_72], %swap3A_75 {strides = array<i32>} : memref<80x16xf32, #tpu.memory_space<vmem>>, vector<1x16xf32>,
    %broadcast_in_dim3A_76 = arith.constant 1.000000e+00 : f32
    %broadcast_in_dim3A_77 = vector.broadcast %broadcast_in_dim3A_76 : f32 to vector<16xf32>
    %swap3A_78 = arith.constant 9 : i32
    %swap3A_79 = arith.index_cast %swap3A_78 : i32 to index
    %swap3A_80 = arith.constant 0 : index
    %swap3A_81 = tpu.vector_load %arg17[%swap3A_79, %swap3A_80] {strides = array<i32>} : memref<80x16xf32, #tpu.memory_space<vmem>>, vector<1x16xf32>,
    %swap3A_82 = vector.shape_cast %swap3A_81 : vector<1x16xf32> to vector<16xf32>
    %swap3A_83 = vector.shape_cast %broadcast_in_dim3A_77 : vector<16xf32> to vector<1x16xf32>
    tpu.vector_store %arg17[%swap3A_79, %swap3A_80], %swap3A_83 {strides = array<i32>} : memref<80x16xf32, #tpu.memory_space<vmem>>, vector<1x16xf32>,
    %broadcast_in_dim3A_84 = arith.constant 1.000000e+00 : f32
    %broadcast_in_dim3A_85 = vector.broadcast %broadcast_in_dim3A_84 : f32 to vector<16xf32>
    %swap3A_86 = arith.constant 10 : i32
    %swap3A_87 = arith.index_cast %swap3A_86 : i32 to index
    %swap3A_88 = arith.constant 0 : index
    %swap3A_89 = tpu.vector_load %arg17[%swap3A_87, %swap3A_88] {strides = array<i32>} : memref<80x16xf32, #tpu.memory_space<vmem>>, vector<1x16xf32>,
    %swap3A_90 = vector.shape_cast %swap3A_89 : vector<1x16xf32> to vector<16xf32>
    %swap3A_91 = vector.shape_cast %broadcast_in_dim3A_85 : vector<16xf32> to vector<1x16xf32>
    tpu.vector_store %arg17[%swap3A_87, %swap3A_88], %swap3A_91 {strides = array<i32>} : memref<80x16xf32, #tpu.memory_space<vmem>>, vector<1x16xf32>,
    %broadcast_in_dim3A_92 = arith.constant 1.000000e+00 : f32
    %broadcast_in_dim3A_93 = vector.broadcast %broadcast_in_dim3A_92 : f32 to vector<16xf32>
    %swap3A_94 = arith.constant 11 : i32
    %swap3A_95 = arith.index_cast %swap3A_94 : i32 to index
    %swap3A_96 = arith.constant 0 : index
    %swap3A_97 = tpu.vector_load %arg17[%swap3A_95, %swap3A_96] {strides = array<i32>} : memref<80x16xf32, #tpu.memory_space<vmem>>, vector<1x16xf32>,
    %swap3A_98 = vector.shape_cast %swap3A_97 : vector<1x16xf32> to vector<16xf32>
    %swap3A_99 = vector.shape_cast %broadcast_in_dim3A_93 : vector<16xf32> to vector<1x16xf32>
    tpu.vector_store %arg17[%swap3A_95, %swap3A_96], %swap3A_99 {strides = array<i32>} : memref<80x16xf32, #tpu.memory_space<vmem>>, vector<1x16xf32>,
    %broadcast_in_dim3A_100 = arith.constant 1.000000e+00 : f32
    %broadcast_in_dim3A_101 = vector.broadcast %broadcast_in_dim3A_100 : f32 to vector<16xf32>
    %swap3A_102 = arith.constant 12 : i32
    %swap3A_103 = arith.index_cast %swap3A_102 : i32 to index
    %swap3A_104 = arith.constant 0 : index
    %swap3A_105 = tpu.vector_load %arg17[%swap3A_103, %swap3A_104] {strides = array<i32>} : memref<80x16xf32, #tpu.memory_space<vmem>>, vector<1x16xf32>,
    %swap3A_106 = vector.shape_cast %swap3A_105 : vector<1x16xf32> to vector<16xf32>
    %swap3A_107 = vector.shape_cast %broadcast_in_dim3A_101 : vector<16xf32> to vector<1x16xf32>
    tpu.vector_store %arg17[%swap3A_103, %swap3A_104], %swap3A_107 {strides = array<i32>} : memref<80x16xf32, #tpu.memory_space<vmem>>, vector<1x16xf32>,
    %broadcast_in_dim3A_108 = arith.constant 1.000000e+00 : f32
    %broadcast_in_dim3A_109 = vector.broadcast %broadcast_in_dim3A_108 : f32 to vector<16xf32>
    %swap3A_110 = arith.constant 13 : i32
    %swap3A_111 = arith.index_cast %swap3A_110 : i32 to index
    %swap3A_112 = arith.constant 0 : index
    %swap3A_113 = tpu.vector_load %arg17[%swap3A_111, %swap3A_112] {strides = array<i32>} : memref<80x16xf32, #tpu.memory_space<vmem>>, vector<1x16xf32>,
    %swap3A_114 = vector.shape_cast %swap3A_113 : vector<1x16xf32> to vector<16xf32>
    %swap3A_115 = vector.shape_cast %broadcast_in_dim3A_109 : vector<16xf32> to vector<1x16xf32>
    tpu.vector_store %arg17[%swap3A_111, %swap3A_112], %swap3A_115 {strides = array<i32>} : memref<80x16xf32, #tpu.memory_space<vmem>>, vector<1x16xf32>,
    %broadcast_in_dim3A_116 = arith.constant 1.000000e+00 : f32
    %broadcast_in_dim3A_117 = vector.broadcast %broadcast_in_dim3A_116 : f32 to vector<16xf32>
    %swap3A_118 = arith.constant 14 : i32
    %swap3A_119 = arith.index_cast %swap3A_118 : i32 to index
    %swap3A_120 = arith.constant 0 : index
    %swap3A_121 = tpu.vector_load %arg17[%swap3A_119, %swap3A_120] {strides = array<i32>} : memref<80x16xf32, #tpu.memory_space<vmem>>, vector<1x16xf32>,
    %swap3A_122 = vector.shape_cast %swap3A_121 : vector<1x16xf32> to vector<16xf32>
    %swap3A_123 = vector.shape_cast %broadcast_in_dim3A_117 : vector<16xf32> to vector<1x16xf32>
    tpu.vector_store %arg17[%swap3A_119, %swap3A_120], %swap3A_123 {strides = array<i32>} : memref<80x16xf32, #tpu.memory_space<vmem>>, vector<1x16xf32>,
    %broadcast_in_dim3A_124 = arith.constant 1.000000e+00 : f32
    %broadcast_in_dim3A_125 = vector.broadcast %broadcast_in_dim3A_124 : f32 to vector<16xf32>
    %swap3A_126 = arith.constant 15 : i32
    %swap3A_127 = arith.index_cast %swap3A_126 : i32 to index
    %swap3A_128 = arith.constant 0 : index
    %swap3A_129 = tpu.vector_load %arg17[%swap3A_127, %swap3A_128] {strides = array<i32>} : memref<80x16xf32, #tpu.memory_space<vmem>>, vector<1x16xf32>,
    %swap3A_130 = vector.shape_cast %swap3A_129 : vector<1x16xf32> to vector<16xf32>
    %swap3A_131 = vector.shape_cast %broadcast_in_dim3A_125 : vector<16xf32> to vector<1x16xf32>
    tpu.vector_store %arg17[%swap3A_127, %swap3A_128], %swap3A_131 {strides = array<i32>} : memref<80x16xf32, #tpu.memory_space<vmem>>, vector<1x16xf32>,
    %broadcast_in_dim3A_132 = arith.constant 1.000000e+00 : f32
    %broadcast_in_dim3A_133 = vector.broadcast %broadcast_in_dim3A_132 : f32 to vector<16xf32>
    %swap3A_134 = arith.constant 16 : i32
    %swap3A_135 = arith.index_cast %swap3A_134 : i32 to index
    %swap3A_136 = arith.constant 0 : index
    %swap3A_137 = tpu.vector_load %arg17[%swap3A_135, %swap3A_136] {strides = array<i32>} : memref<80x16xf32, #tpu.memory_space<vmem>>, vector<1x16xf32>,
    %swap3A_138 = vector.shape_cast %swap3A_137 : vector<1x16xf32> to vector<16xf32>
    %swap3A_139 = vector.shape_cast %broadcast_in_dim3A_133 : vector<16xf32> to vector<1x16xf32>
    tpu.vector_store %arg17[%swap3A_135, %swap3A_136], %swap3A_139 {strides = array<i32>} : memref<80x16xf32, #tpu.memory_space<vmem>>, vector<1x16xf32>,
    %broadcast_in_dim3A_140 = arith.constant 1.000000e+00 : f32
    %broadcast_in_dim3A_141 = vector.broadcast %broadcast_in_dim3A_140 : f32 to vector<16xf32>
    %swap3A_142 = arith.constant 17 : i32
    %swap3A_143 = arith.index_cast %swap3A_142 : i32 to index
    %swap3A_144 = arith.constant 0 : index
    %swap3A_145 = tpu.vector_load %arg17[%swap3A_143, %swap3A_144] {strides = array<i32>} : memref<80x16xf32, #tpu.memory_space<vmem>>, vector<1x16xf32>,
    %swap3A_146 = vector.shape_cast %swap3A_145 : vector<1x16xf32> to vector<16xf32>
    %swap3A_147 = vector.shape_cast %broadcast_in_dim3A_141 : vector<16xf32> to vector<1x16xf32>
    tpu.vector_store %arg17[%swap3A_143, %swap3A_144], %swap3A_147 {strides = array<i32>} : memref<80x16xf32, #tpu.memory_space<vmem>>, vector<1x16xf32>,
    %broadcast_in_dim3A_148 = arith.constant 1.000000e+00 : f32
    %broadcast_in_dim3A_149 = vector.broadcast %broadcast_in_dim3A_148 : f32 to vector<16xf32>
    %swap3A_150 = arith.constant 18 : i32
    %swap3A_151 = arith.index_cast %swap3A_150 : i32 to index
    %swap3A_152 = arith.constant 0 : index
    %swap3A_153 = tpu.vector_load %arg17[%swap3A_151, %swap3A_152] {strides = array<i32>} : memref<80x16xf32, #tpu.memory_space<vmem>>, vector<1x16xf32>,
    %swap3A_154 = vector.shape_cast %swap3A_153 : vector<1x16xf32> to vector<16xf32>
    %swap3A_155 = vector.shape_cast %broadcast_in_dim3A_149 : vector<16xf32> to vector<1x16xf32>
    tpu.vector_store %arg17[%swap3A_151, %swap3A_152], %swap3A_155 {strides = array<i32>} : memref<80x16xf32, #tpu.memory_space<vmem>>, vector<1x16xf32>,
    %broadcast_in_dim3A_156 = arith.constant 1.000000e+00 : f32
    %broadcast_in_dim3A_157 = vector.broadcast %broadcast_in_dim3A_156 : f32 to vector<16xf32>
    %swap3A_158 = arith.constant 19 : i32
    %swap3A_159 = arith.index_cast %swap3A_158 : i32 to index
    %swap3A_160 = arith.constant 0 : index
    %swap3A_161 = tpu.vector_load %arg17[%swap3A_159, %swap3A_160] {strides = array<i32>} : memref<80x16xf32, #tpu.memory_space<vmem>>, vector<1x16xf32>,
    %swap3A_162 = vector.shape_cast %swap3A_161 : vector<1x16xf32> to vector<16xf32>
    %swap3A_163 = vector.shape_cast %broadcast_in_dim3A_157 : vector<16xf32> to vector<1x16xf32>
    tpu.vector_store %arg17[%swap3A_159, %swap3A_160], %swap3A_163 {strides = array<i32>} : memref<80x16xf32, #tpu.memory_space<vmem>>, vector<1x16xf32>,
    %broadcast_in_dim3A_164 = arith.constant 1.000000e+00 : f32
    %broadcast_in_dim3A_165 = vector.broadcast %broadcast_in_dim3A_164 : f32 to vector<16xf32>
    %swap3A_166 = arith.constant 20 : i32
    %swap3A_167 = arith.index_cast %swap3A_166 : i32 to index
    %swap3A_168 = arith.constant 0 : index
    %swap3A_169 = tpu.vector_load %arg17[%swap3A_167, %swap3A_168] {strides = array<i32>} : memref<80x16xf32, #tpu.memory_space<vmem>>, vector<1x16xf32>,
    %swap3A_170 = vector.shape_cast %swap3A_169 : vector<1x16xf32> to vector<16xf32>
    %swap3A_171 = vector.shape_cast %broadcast_in_dim3A_165 : vector<16xf32> to vector<1x16xf32>
    tpu.vector_store %arg17[%swap3A_167, %swap3A_168], %swap3A_171 {strides = array<i32>} : memref<80x16xf32, #tpu.memory_space<vmem>>, vector<1x16xf32>,
    %broadcast_in_dim3A_172 = arith.constant 1.000000e+00 : f32
    %broadcast_in_dim3A_173 = vector.broadcast %broadcast_in_dim3A_172 : f32 to vector<16xf32>
    %swap3A_174 = arith.constant 21 : i32
    %swap3A_175 = arith.index_cast %swap3A_174 : i32 to index
    %swap3A_176 = arith.constant 0 : index
    %swap3A_177 = tpu.vector_load %arg17[%swap3A_175, %swap3A_176] {strides = array<i32>} : memref<80x16xf32, #tpu.memory_space<vmem>>, vector<1x16xf32>,
    %swap3A_178 = vector.shape_cast %swap3A_177 : vector<1x16xf32> to vector<16xf32>
    %swap3A_179 = vector.shape_cast %broadcast_in_dim3A_173 : vector<16xf32> to vector<1x16xf32>
    tpu.vector_store %arg17[%swap3A_175, %swap3A_176], %swap3A_179 {strides = array<i32>} : memref<80x16xf32, #tpu.memory_space<vmem>>, vector<1x16xf32>,
    %broadcast_in_dim3A_180 = arith.constant 1.000000e+00 : f32
    %broadcast_in_dim3A_181 = vector.broadcast %broadcast_in_dim3A_180 : f32 to vector<16xf32>
    %swap3A_182 = arith.constant 22 : i32
    %swap3A_183 = arith.index_cast %swap3A_182 : i32 to index
    %swap3A_184 = arith.constant 0 : index
    %swap3A_185 = tpu.vector_load %arg17[%swap3A_183, %swap3A_184] {strides = array<i32>} : memref<80x16xf32, #tpu.memory_space<vmem>>, vector<1x16xf32>,
    %swap3A_186 = vector.shape_cast %swap3A_185 : vector<1x16xf32> to vector<16xf32>
    %swap3A_187 = vector.shape_cast %broadcast_in_dim3A_181 : vector<16xf32> to vector<1x16xf32>
    tpu.vector_store %arg17[%swap3A_183, %swap3A_184], %swap3A_187 {strides = array<i32>} : memref<80x16xf32, #tpu.memory_space<vmem>>, vector<1x16xf32>,
    %broadcast_in_dim3A_188 = arith.constant 1.000000e+00 : f32
    %broadcast_in_dim3A_189 = vector.broadcast %broadcast_in_dim3A_188 : f32 to vector<16xf32>
    %swap3A_190 = arith.constant 23 : i32
    %swap3A_191 = arith.index_cast %swap3A_190 : i32 to index
    %swap3A_192 = arith.constant 0 : index
    %swap3A_193 = tpu.vector_load %arg17[%swap3A_191, %swap3A_192] {strides = array<i32>} : memref<80x16xf32, #tpu.memory_space<vmem>>, vector<1x16xf32>,
    %swap3A_194 = vector.shape_cast %swap3A_193 : vector<1x16xf32> to vector<16xf32>
    %swap3A_195 = vector.shape_cast %broadcast_in_dim3A_189 : vector<16xf32> to vector<1x16xf32>
    tpu.vector_store %arg17[%swap3A_191, %swap3A_192], %swap3A_195 {strides = array<i32>} : memref<80x16xf32, #tpu.memory_space<vmem>>, vector<1x16xf32>,
    %broadcast_in_dim3A_196 = arith.constant 1.000000e+00 : f32
    %broadcast_in_dim3A_197 = vector.broadcast %broadcast_in_dim3A_196 : f32 to vector<16xf32>
    %swap3A_198 = arith.constant 24 : i32
    %swap3A_199 = arith.index_cast %swap3A_198 : i32 to index
    %swap3A_200 = arith.constant 0 : index
    %swap3A_201 = tpu.vector_load %arg17[%swap3A_199, %swap3A_200] {strides = array<i32>} : memref<80x16xf32, #tpu.memory_space<vmem>>, vector<1x16xf32>,
    %swap3A_202 = vector.shape_cast %swap3A_201 : vector<1x16xf32> to vector<16xf32>
    %swap3A_203 = vector.shape_cast %broadcast_in_dim3A_197 : vector<16xf32> to vector<1x16xf32>
    tpu.vector_store %arg17[%swap3A_199, %swap3A_200], %swap3A_203 {strides = array<i32>} : memref<80x16xf32, #tpu.memory_space<vmem>>, vector<1x16xf32>,
    %broadcast_in_dim3A_204 = arith.constant 1.000000e+00 : f32
    %broadcast_in_dim3A_205 = vector.broadcast %broadcast_in_dim3A_204 : f32 to vector<16xf32>
    %swap3A_206 = arith.constant 25 : i32
    %swap3A_207 = arith.index_cast %swap3A_206 : i32 to index
    %swap3A_208 = arith.constant 0 : index
    %swap3A_209 = tpu.vector_load %arg17[%swap3A_207, %swap3A_208] {strides = array<i32>} : memref<80x16xf32, #tpu.memory_space<vmem>>, vector<1x16xf32>,
    %swap3A_210 = vector.shape_cast %swap3A_209 : vector<1x16xf32> to vector<16xf32>
    %swap3A_211 = vector.shape_cast %broadcast_in_dim3A_205 : vector<16xf32> to vector<1x16xf32>
    tpu.vector_store %arg17[%swap3A_207, %swap3A_208], %swap3A_211 {strides = array<i32>} : memref<80x16xf32, #tpu.memory_space<vmem>>, vector<1x16xf32>,
    %broadcast_in_dim3A_212 = arith.constant 1.000000e+00 : f32
    %broadcast_in_dim3A_213 = vector.broadcast %broadcast_in_dim3A_212 : f32 to vector<16xf32>
    %swap3A_214 = arith.constant 26 : i32
    %swap3A_215 = arith.index_cast %swap3A_214 : i32 to index
    %swap3A_216 = arith.constant 0 : index
    %swap3A_217 = tpu.vector_load %arg17[%swap3A_215, %swap3A_216] {strides = array<i32>} : memref<80x16xf32, #tpu.memory_space<vmem>>, vector<1x16xf32>,
    %swap3A_218 = vector.shape_cast %swap3A_217 : vector<1x16xf32> to vector<16xf32>
    %swap3A_219 = vector.shape_cast %broadcast_in_dim3A_213 : vector<16xf32> to vector<1x16xf32>
    tpu.vector_store %arg17[%swap3A_215, %swap3A_216], %swap3A_219 {strides = array<i32>} : memref<80x16xf32, #tpu.memory_space<vmem>>, vector<1x16xf32>,
    %broadcast_in_dim3A_220 = arith.constant 1.000000e+00 : f32
    %broadcast_in_dim3A_221 = vector.broadcast %broadcast_in_dim3A_220 : f32 to vector<16xf32>
    %swap3A_222 = arith.constant 27 : i32
    %swap3A_223 = arith.index_cast %swap3A_222 : i32 to index
    %swap3A_224 = arith.constant 0 : index
    %swap3A_225 = tpu.vector_load %arg17[%swap3A_223, %swap3A_224] {strides = array<i32>} : memref<80x16xf32, #tpu.memory_space<vmem>>, vector<1x16xf32>,
    %swap3A_226 = vector.shape_cast %swap3A_225 : vector<1x16xf32> to vector<16xf32>
    %swap3A_227 = vector.shape_cast %broadcast_in_dim3A_221 : vector<16xf32> to vector<1x16xf32>
    tpu.vector_store %arg17[%swap3A_223, %swap3A_224], %swap3A_227 {strides = array<i32>} : memref<80x16xf32, #tpu.memory_space<vmem>>, vector<1x16xf32>,
    %broadcast_in_dim3A_228 = arith.constant 1.000000e+00 : f32
    %broadcast_in_dim3A_229 = vector.broadcast %broadcast_in_dim3A_228 : f32 to vector<16xf32>
    %swap3A_230 = arith.constant 28 : i32
    %swap3A_231 = arith.index_cast %swap3A_230 : i32 to index
    %swap3A_232 = arith.constant 0 : index
    %swap3A_233 = tpu.vector_load %arg17[%swap3A_231, %swap3A_232] {strides = array<i32>} : memref<80x16xf32, #tpu.memory_space<vmem>>, vector<1x16xf32>,
    %swap3A_234 = vector.shape_cast %swap3A_233 : vector<1x16xf32> to vector<16xf32>
    %swap3A_235 = vector.shape_cast %broadcast_in_dim3A_229 : vector<16xf32> to vector<1x16xf32>
    tpu.vector_store %arg17[%swap3A_231, %swap3A_232], %swap3A_235 {strides = array<i32>} : memref<80x16xf32, #tpu.memory_space<vmem>>, vector<1x16xf32>,
    %broadcast_in_dim3A_236 = arith.constant 1.000000e+00 : f32
    %broadcast_in_dim3A_237 = vector.broadcast %broadcast_in_dim3A_236 : f32 to vector<16xf32>
    %swap3A_238 = arith.constant 29 : i32
    %swap3A_239 = arith.index_cast %swap3A_238 : i32 to index
    %swap3A_240 = arith.constant 0 : index
    %swap3A_241 = tpu.vector_load %arg17[%swap3A_239, %swap3A_240] {strides = array<i32>} : memref<80x16xf32, #tpu.memory_space<vmem>>, vector<1x16xf32>,
    %swap3A_242 = vector.shape_cast %swap3A_241 : vector<1x16xf32> to vector<16xf32>
    %swap3A_243 = vector.shape_cast %broadcast_in_dim3A_237 : vector<16xf32> to vector<1x16xf32>
    tpu.vector_store %arg17[%swap3A_239, %swap3A_240], %swap3A_243 {strides = array<i32>} : memref<80x16xf32, #tpu.memory_space<vmem>>, vector<1x16xf32>,
    %broadcast_in_dim3A_244 = arith.constant 1.000000e+00 : f32
    %broadcast_in_dim3A_245 = vector.broadcast %broadcast_in_dim3A_244 : f32 to vector<16xf32>
    %swap3A_246 = arith.constant 30 : i32
    %swap3A_247 = arith.index_cast %swap3A_246 : i32 to index
    %swap3A_248 = arith.constant 0 : index
    %swap3A_249 = tpu.vector_load %arg17[%swap3A_247, %swap3A_248] {strides = array<i32>} : memref<80x16xf32, #tpu.memory_space<vmem>>, vector<1x16xf32>,
    %swap3A_250 = vector.shape_cast %swap3A_249 : vector<1x16xf32> to vector<16xf32>
    %swap3A_251 = vector.shape_cast %broadcast_in_dim3A_245 : vector<16xf32> to vector<1x16xf32>
    tpu.vector_store %arg17[%swap3A_247, %swap3A_248], %swap3A_251 {strides = array<i32>} : memref<80x16xf32, #tpu.memory_space<vmem>>, vector<1x16xf32>,
    %broadcast_in_dim3A_252 = arith.constant 1.000000e+00 : f32
    %broadcast_in_dim3A_253 = vector.broadcast %broadcast_in_dim3A_252 : f32 to vector<16xf32>
    %swap3A_254 = arith.constant 31 : i32
    %swap3A_255 = arith.index_cast %swap3A_254 : i32 to index
    %swap3A_256 = arith.constant 0 : index
    %swap3A_257 = tpu.vector_load %arg17[%swap3A_255, %swap3A_256] {strides = array<i32>} : memref<80x16xf32, #tpu.memory_space<vmem>>, vector<1x16xf32>,
    %swap3A_258 = vector.shape_cast %swap3A_257 : vector<1x16xf32> to vector<16xf32>
    %swap3A_259 = vector.shape_cast %broadcast_in_dim3A_253 : vector<16xf32> to vector<1x16xf32>
    tpu.vector_store %arg17[%swap3A_255, %swap3A_256], %swap3A_259 {strides = array<i32>} : memref<80x16xf32, #tpu.memory_space<vmem>>, vector<1x16xf32>,
    %broadcast_in_dim3A_260 = arith.constant 1.000000e+00 : f32
    %broadcast_in_dim3A_261 = vector.broadcast %broadcast_in_dim3A_260 : f32 to vector<16xf32>
    %swap3A_262 = arith.constant 32 : i32
    %swap3A_263 = arith.index_cast %swap3A_262 : i32 to index
    %swap3A_264 = arith.constant 0 : index
    %swap3A_265 = tpu.vector_load %arg17[%swap3A_263, %swap3A_264] {strides = array<i32>} : memref<80x16xf32, #tpu.memory_space<vmem>>, vector<1x16xf32>,
    %swap3A_266 = vector.shape_cast %swap3A_265 : vector<1x16xf32> to vector<16xf32>
    %swap3A_267 = vector.shape_cast %broadcast_in_dim3A_261 : vector<16xf32> to vector<1x16xf32>
    tpu.vector_store %arg17[%swap3A_263, %swap3A_264], %swap3A_267 {strides = array<i32>} : memref<80x16xf32, #tpu.memory_space<vmem>>, vector<1x16xf32>,
    %broadcast_in_dim3A_268 = arith.constant 1.000000e+00 : f32
    %broadcast_in_dim3A_269 = vector.broadcast %broadcast_in_dim3A_268 : f32 to vector<16xf32>
    %swap3A_270 = arith.constant 33 : i32
    %swap3A_271 = arith.index_cast %swap3A_270 : i32 to index
    %swap3A_272 = arith.constant 0 : index
    %swap3A_273 = tpu.vector_load %arg17[%swap3A_271, %swap3A_272] {strides = array<i32>} : memref<80x16xf32, #tpu.memory_space<vmem>>, vector<1x16xf32>,
    %swap3A_274 = vector.shape_cast %swap3A_273 : vector<1x16xf32> to vector<16xf32>
    %swap3A_275 = vector.shape_cast %broadcast_in_dim3A_269 : vector<16xf32> to vector<1x16xf32>
    tpu.vector_store %arg17[%swap3A_271, %swap3A_272], %swap3A_275 {strides = array<i32>} : memref<80x16xf32, #tpu.memory_space<vmem>>, vector<1x16xf32>,
    %broadcast_in_dim3A_276 = arith.constant 1.000000e+00 : f32
    %broadcast_in_dim3A_277 = vector.broadcast %broadcast_in_dim3A_276 : f32 to vector<16xf32>
    %swap3A_278 = arith.constant 34 : i32
    %swap3A_279 = arith.index_cast %swap3A_278 : i32 to index
    %swap3A_280 = arith.constant 0 : index
    %swap3A_281 = tpu.vector_load %arg17[%swap3A_279, %swap3A_280] {strides = array<i32>} : memref<80x16xf32, #tpu.memory_space<vmem>>, vector<1x16xf32>,
    %swap3A_282 = vector.shape_cast %swap3A_281 : vector<1x16xf32> to vector<16xf32>
    %swap3A_283 = vector.shape_cast %broadcast_in_dim3A_277 : vector<16xf32> to vector<1x16xf32>
    tpu.vector_store %arg17[%swap3A_279, %swap3A_280], %swap3A_283 {strides = array<i32>} : memref<80x16xf32, #tpu.memory_space<vmem>>, vector<1x16xf32>,
    %broadcast_in_dim3A_284 = arith.constant 1.000000e+00 : f32
    %broadcast_in_dim3A_285 = vector.broadcast %broadcast_in_dim3A_284 : f32 to vector<16xf32>
    %swap3A_286 = arith.constant 35 : i32
    %swap3A_287 = arith.index_cast %swap3A_286 : i32 to index
    %swap3A_288 = arith.constant 0 : index
    %swap3A_289 = tpu.vector_load %arg17[%swap3A_287, %swap3A_288] {strides = array<i32>} : memref<80x16xf32, #tpu.memory_space<vmem>>, vector<1x16xf32>,
    %swap3A_290 = vector.shape_cast %swap3A_289 : vector<1x16xf32> to vector<16xf32>
    %swap3A_291 = vector.shape_cast %broadcast_in_dim3A_285 : vector<16xf32> to vector<1x16xf32>
    tpu.vector_store %arg17[%swap3A_287, %swap3A_288], %swap3A_291 {strides = array<i32>} : memref<80x16xf32, #tpu.memory_space<vmem>>, vector<1x16xf32>,
    %broadcast_in_dim3A_292 = arith.constant 1.000000e+00 : f32
    %broadcast_in_dim3A_293 = vector.broadcast %broadcast_in_dim3A_292 : f32 to vector<16xf32>
    %swap3A_294 = arith.constant 36 : i32
    %swap3A_295 = arith.index_cast %swap3A_294 : i32 to index
    %swap3A_296 = arith.constant 0 : index
    %swap3A_297 = tpu.vector_load %arg17[%swap3A_295, %swap3A_296] {strides = array<i32>} : memref<80x16xf32, #tpu.memory_space<vmem>>, vector<1x16xf32>,
    %swap3A_298 = vector.shape_cast %swap3A_297 : vector<1x16xf32> to vector<16xf32>
    %swap3A_299 = vector.shape_cast %broadcast_in_dim3A_293 : vector<16xf32> to vector<1x16xf32>
    tpu.vector_store %arg17[%swap3A_295, %swap3A_296], %swap3A_299 {strides = array<i32>} : memref<80x16xf32, #tpu.memory_space<vmem>>, vector<1x16xf32>,
    %broadcast_in_dim3A_300 = arith.constant 1.000000e+00 : f32
    %broadcast_in_dim3A_301 = vector.broadcast %broadcast_in_dim3A_300 : f32 to vector<16xf32>
    %swap3A_302 = arith.constant 37 : i32
    %swap3A_303 = arith.index_cast %swap3A_302 : i32 to index
    %swap3A_304 = arith.constant 0 : index
    %swap3A_305 = tpu.vector_load %arg17[%swap3A_303, %swap3A_304] {strides = array<i32>} : memref<80x16xf32, #tpu.memory_space<vmem>>, vector<1x16xf32>,
    %swap3A_306 = vector.shape_cast %swap3A_305 : vector<1x16xf32> to vector<16xf32>
    %swap3A_307 = vector.shape_cast %broadcast_in_dim3A_301 : vector<16xf32> to vector<1x16xf32>
    tpu.vector_store %arg17[%swap3A_303, %swap3A_304], %swap3A_307 {strides = array<i32>} : memref<80x16xf32, #tpu.memory_space<vmem>>, vector<1x16xf32>,
    %broadcast_in_dim3A_308 = arith.constant 1.000000e+00 : f32
    %broadcast_in_dim3A_309 = vector.broadcast %broadcast_in_dim3A_308 : f32 to vector<16xf32>
    %swap3A_310 = arith.constant 38 : i32
    %swap3A_311 = arith.index_cast %swap3A_310 : i32 to index
    %swap3A_312 = arith.constant 0 : index
    %swap3A_313 = tpu.vector_load %arg17[%swap3A_311, %swap3A_312] {strides = array<i32>} : memref<80x16xf32, #tpu.memory_space<vmem>>, vector<1x16xf32>,
    %swap3A_314 = vector.shape_cast %swap3A_313 : vector<1x16xf32> to vector<16xf32>
    %swap3A_315 = vector.shape_cast %broadcast_in_dim3A_309 : vector<16xf32> to vector<1x16xf32>
    tpu.vector_store %arg17[%swap3A_311, %swap3A_312], %swap3A_315 {strides = array<i32>} : memref<80x16xf32, #tpu.memory_space<vmem>>, vector<1x16xf32>,
    %broadcast_in_dim3A_316 = arith.constant 1.000000e+00 : f32
    %broadcast_in_dim3A_317 = vector.broadcast %broadcast_in_dim3A_316 : f32 to vector<16xf32>
    %swap3A_318 = arith.constant 39 : i32
    %swap3A_319 = arith.index_cast %swap3A_318 : i32 to index
    %swap3A_320 = arith.constant 0 : index
    %swap3A_321 = tpu.vector_load %arg17[%swap3A_319, %swap3A_320] {strides = array<i32>} : memref<80x16xf32, #tpu.memory_space<vmem>>, vector<1x16xf32>,
    %swap3A_322 = vector.shape_cast %swap3A_321 : vector<1x16xf32> to vector<16xf32>
    %swap3A_323 = vector.shape_cast %broadcast_in_dim3A_317 : vector<16xf32> to vector<1x16xf32>
    tpu.vector_store %arg17[%swap3A_319, %swap3A_320], %swap3A_323 {strides = array<i32>} : memref<80x16xf32, #tpu.memory_space<vmem>>, vector<1x16xf32>,
    %broadcast_in_dim3A_324 = arith.constant 1.000000e+00 : f32
    %broadcast_in_dim3A_325 = vector.broadcast %broadcast_in_dim3A_324 : f32 to vector<16xf32>
    %swap3A_326 = arith.constant 40 : i32
    %swap3A_327 = arith.index_cast %swap3A_326 : i32 to index
    %swap3A_328 = arith.constant 0 : index
    %swap3A_329 = tpu.vector_load %arg17[%swap3A_327, %swap3A_328] {strides = array<i32>} : memref<80x16xf32, #tpu.memory_space<vmem>>, vector<1x16xf32>,
    %swap3A_330 = vector.shape_cast %swap3A_329 : vector<1x16xf32> to vector<16xf32>
    %swap3A_331 = vector.shape_cast %broadcast_in_dim3A_325 : vector<16xf32> to vector<1x16xf32>
    tpu.vector_store %arg17[%swap3A_327, %swap3A_328], %swap3A_331 {strides = array<i32>} : memref<80x16xf32, #tpu.memory_space<vmem>>, vector<1x16xf32>,
    %broadcast_in_dim3A_332 = arith.constant 1.000000e+00 : f32
    %broadcast_in_dim3A_333 = vector.broadcast %broadcast_in_dim3A_332 : f32 to vector<16xf32>
    %swap3A_334 = arith.constant 41 : i32
    %swap3A_335 = arith.index_cast %swap3A_334 : i32 to index
    %swap3A_336 = arith.constant 0 : index
    %swap3A_337 = tpu.vector_load %arg17[%swap3A_335, %swap3A_336] {strides = array<i32>} : memref<80x16xf32, #tpu.memory_space<vmem>>, vector<1x16xf32>,
    %swap3A_338 = vector.shape_cast %swap3A_337 : vector<1x16xf32> to vector<16xf32>
    %swap3A_339 = vector.shape_cast %broadcast_in_dim3A_333 : vector<16xf32> to vector<1x16xf32>
    tpu.vector_store %arg17[%swap3A_335, %swap3A_336], %swap3A_339 {strides = array<i32>} : memref<80x16xf32, #tpu.memory_space<vmem>>, vector<1x16xf32>,
    %broadcast_in_dim3A_340 = arith.constant 1.000000e+00 : f32
    %broadcast_in_dim3A_341 = vector.broadcast %broadcast_in_dim3A_340 : f32 to vector<16xf32>
    %swap3A_342 = arith.constant 42 : i32
    %swap3A_343 = arith.index_cast %swap3A_342 : i32 to index
    %swap3A_344 = arith.constant 0 : index
    %swap3A_345 = tpu.vector_load %arg17[%swap3A_343, %swap3A_344] {strides = array<i32>} : memref<80x16xf32, #tpu.memory_space<vmem>>, vector<1x16xf32>,
    %swap3A_346 = vector.shape_cast %swap3A_345 : vector<1x16xf32> to vector<16xf32>
    %swap3A_347 = vector.shape_cast %broadcast_in_dim3A_341 : vector<16xf32> to vector<1x16xf32>
    tpu.vector_store %arg17[%swap3A_343, %swap3A_344], %swap3A_347 {strides = array<i32>} : memref<80x16xf32, #tpu.memory_space<vmem>>, vector<1x16xf32>,
    %broadcast_in_dim3A_348 = arith.constant 1.000000e+00 : f32
    %broadcast_in_dim3A_349 = vector.broadcast %broadcast_in_dim3A_348 : f32 to vector<16xf32>
    %swap3A_350 = arith.constant 43 : i32
    %swap3A_351 = arith.index_cast %swap3A_350 : i32 to index
    %swap3A_352 = arith.constant 0 : index
    %swap3A_353 = tpu.vector_load %arg17[%swap3A_351, %swap3A_352] {strides = array<i32>} : memref<80x16xf32, #tpu.memory_space<vmem>>, vector<1x16xf32>,
    %swap3A_354 = vector.shape_cast %swap3A_353 : vector<1x16xf32> to vector<16xf32>
    %swap3A_355 = vector.shape_cast %broadcast_in_dim3A_349 : vector<16xf32> to vector<1x16xf32>
    tpu.vector_store %arg17[%swap3A_351, %swap3A_352], %swap3A_355 {strides = array<i32>} : memref<80x16xf32, #tpu.memory_space<vmem>>, vector<1x16xf32>,
    %broadcast_in_dim3A_356 = arith.constant 1.000000e+00 : f32
    %broadcast_in_dim3A_357 = vector.broadcast %broadcast_in_dim3A_356 : f32 to vector<16xf32>
    %swap3A_358 = arith.constant 44 : i32
    %swap3A_359 = arith.index_cast %swap3A_358 : i32 to index
    %swap3A_360 = arith.constant 0 : index
    %swap3A_361 = tpu.vector_load %arg17[%swap3A_359, %swap3A_360] {strides = array<i32>} : memref<80x16xf32, #tpu.memory_space<vmem>>, vector<1x16xf32>,
    %swap3A_362 = vector.shape_cast %swap3A_361 : vector<1x16xf32> to vector<16xf32>
    %swap3A_363 = vector.shape_cast %broadcast_in_dim3A_357 : vector<16xf32> to vector<1x16xf32>
    tpu.vector_store %arg17[%swap3A_359, %swap3A_360], %swap3A_363 {strides = array<i32>} : memref<80x16xf32, #tpu.memory_space<vmem>>, vector<1x16xf32>,
    %broadcast_in_dim3A_364 = arith.constant 1.000000e+00 : f32
    %broadcast_in_dim3A_365 = vector.broadcast %broadcast_in_dim3A_364 : f32 to vector<16xf32>
    %swap3A_366 = arith.constant 45 : i32
    %swap3A_367 = arith.index_cast %swap3A_366 : i32 to index
    %swap3A_368 = arith.constant 0 : index
    %swap3A_369 = tpu.vector_load %arg17[%swap3A_367, %swap3A_368] {strides = array<i32>} : memref<80x16xf32, #tpu.memory_space<vmem>>, vector<1x16xf32>,
    %swap3A_370 = vector.shape_cast %swap3A_369 : vector<1x16xf32> to vector<16xf32>
    %swap3A_371 = vector.shape_cast %broadcast_in_dim3A_365 : vector<16xf32> to vector<1x16xf32>
    tpu.vector_store %arg17[%swap3A_367, %swap3A_368], %swap3A_371 {strides = array<i32>} : memref<80x16xf32, #tpu.memory_space<vmem>>, vector<1x16xf32>,
    %broadcast_in_dim3A_372 = arith.constant 1.000000e+00 : f32
    %broadcast_in_dim3A_373 = vector.broadcast %broadcast_in_dim3A_372 : f32 to vector<16xf32>
    %swap3A_374 = arith.constant 46 : i32
    %swap3A_375 = arith.index_cast %swap3A_374 : i32 to index
    %swap3A_376 = arith.constant 0 : index
    %swap3A_377 = tpu.vector_load %arg17[%swap3A_375, %swap3A_376] {strides = array<i32>} : memref<80x16xf32, #tpu.memory_space<vmem>>, vector<1x16xf32>,
    %swap3A_378 = vector.shape_cast %swap3A_377 : vector<1x16xf32> to vector<16xf32>
    %swap3A_379 = vector.shape_cast %broadcast_in_dim3A_373 : vector<16xf32> to vector<1x16xf32>
    tpu.vector_store %arg17[%swap3A_375, %swap3A_376], %swap3A_379 {strides = array<i32>} : memref<80x16xf32, #tpu.memory_space<vmem>>, vector<1x16xf32>,
    %broadcast_in_dim3A_380 = arith.constant 1.000000e+00 : f32
    %broadcast_in_dim3A_381 = vector.broadcast %broadcast_in_dim3A_380 : f32 to vector<16xf32>
    %swap3A_382 = arith.constant 47 : i32
    %swap3A_383 = arith.index_cast %swap3A_382 : i32 to index
    %swap3A_384 = arith.constant 0 : index
    %swap3A_385 = tpu.vector_load %arg17[%swap3A_383, %swap3A_384] {strides = array<i32>} : memref<80x16xf32, #tpu.memory_space<vmem>>, vector<1x16xf32>,
    %swap3A_386 = vector.shape_cast %swap3A_385 : vector<1x16xf32> to vector<16xf32>
    %swap3A_387 = vector.shape_cast %broadcast_in_dim3A_381 : vector<16xf32> to vector<1x16xf32>
    tpu.vector_store %arg17[%swap3A_383, %swap3A_384], %swap3A_387 {strides = array<i32>} : memref<80x16xf32, #tpu.memory_space<vmem>>, vector<1x16xf32>,
    %broadcast_in_dim3A_388 = arith.constant 1.000000e+00 : f32
    %broadcast_in_dim3A_389 = vector.broadcast %broadcast_in_dim3A_388 : f32 to vector<16xf32>
    %swap3A_390 = arith.constant 48 : i32
    %swap3A_391 = arith.index_cast %swap3A_390 : i32 to index
    %swap3A_392 = arith.constant 0 : index
    %swap3A_393 = tpu.vector_load %arg17[%swap3A_391, %swap3A_392] {strides = array<i32>} : memref<80x16xf32, #tpu.memory_space<vmem>>, vector<1x16xf32>,
    %swap3A_394 = vector.shape_cast %swap3A_393 : vector<1x16xf32> to vector<16xf32>
    %swap3A_395 = vector.shape_cast %broadcast_in_dim3A_389 : vector<16xf32> to vector<1x16xf32>
    tpu.vector_store %arg17[%swap3A_391, %swap3A_392], %swap3A_395 {strides = array<i32>} : memref<80x16xf32, #tpu.memory_space<vmem>>, vector<1x16xf32>,
    %broadcast_in_dim3A_396 = arith.constant 1.000000e+00 : f32
    %broadcast_in_dim3A_397 = vector.broadcast %broadcast_in_dim3A_396 : f32 to vector<16xf32>
    %swap3A_398 = arith.constant 49 : i32
    %swap3A_399 = arith.index_cast %swap3A_398 : i32 to index
    %swap3A_400 = arith.constant 0 : index
    %swap3A_401 = tpu.vector_load %arg17[%swap3A_399, %swap3A_400] {strides = array<i32>} : memref<80x16xf32, #tpu.memory_space<vmem>>, vector<1x16xf32>,
    %swap3A_402 = vector.shape_cast %swap3A_401 : vector<1x16xf32> to vector<16xf32>
    %swap3A_403 = vector.shape_cast %broadcast_in_dim3A_397 : vector<16xf32> to vector<1x16xf32>
    tpu.vector_store %arg17[%swap3A_399, %swap3A_400], %swap3A_403 {strides = array<i32>} : memref<80x16xf32, #tpu.memory_space<vmem>>, vector<1x16xf32>,
    %broadcast_in_dim3A_404 = arith.constant 1.000000e+00 : f32
    %broadcast_in_dim3A_405 = vector.broadcast %broadcast_in_dim3A_404 : f32 to vector<16xf32>
    %swap3A_406 = arith.constant 50 : i32
    %swap3A_407 = arith.index_cast %swap3A_406 : i32 to index
    %swap3A_408 = arith.constant 0 : index
    %swap3A_409 = tpu.vector_load %arg17[%swap3A_407, %swap3A_408] {strides = array<i32>} : memref<80x16xf32, #tpu.memory_space<vmem>>, vector<1x16xf32>,
    %swap3A_410 = vector.shape_cast %swap3A_409 : vector<1x16xf32> to vector<16xf32>
    %swap3A_411 = vector.shape_cast %broadcast_in_dim3A_405 : vector<16xf32> to vector<1x16xf32>
    tpu.vector_store %arg17[%swap3A_407, %swap3A_408], %swap3A_411 {strides = array<i32>} : memref<80x16xf32, #tpu.memory_space<vmem>>, vector<1x16xf32>,
    %broadcast_in_dim3A_412 = arith.constant 1.000000e+00 : f32
    %broadcast_in_dim3A_413 = vector.broadcast %broadcast_in_dim3A_412 : f32 to vector<16xf32>
    %swap3A_414 = arith.constant 51 : i32
    %swap3A_415 = arith.index_cast %swap3A_414 : i32 to index
    %swap3A_416 = arith.constant 0 : index
    %swap3A_417 = tpu.vector_load %arg17[%swap3A_415, %swap3A_416] {strides = array<i32>} : memref<80x16xf32, #tpu.memory_space<vmem>>, vector<1x16xf32>,
    %swap3A_418 = vector.shape_cast %swap3A_417 : vector<1x16xf32> to vector<16xf32>
    %swap3A_419 = vector.shape_cast %broadcast_in_dim3A_413 : vector<16xf32> to vector<1x16xf32>
    tpu.vector_store %arg17[%swap3A_415, %swap3A_416], %swap3A_419 {strides = array<i32>} : memref<80x16xf32, #tpu.memory_space<vmem>>, vector<1x16xf32>,
    %broadcast_in_dim3A_420 = arith.constant 1.000000e+00 : f32
    %broadcast_in_dim3A_421 = vector.broadcast %broadcast_in_dim3A_420 : f32 to vector<16xf32>
    %swap3A_422 = arith.constant 52 : i32
    %swap3A_423 = arith.index_cast %swap3A_422 : i32 to index
    %swap3A_424 = arith.constant 0 : index
    %swap3A_425 = tpu.vector_load %arg17[%swap3A_423, %swap3A_424] {strides = array<i32>} : memref<80x16xf32, #tpu.memory_space<vmem>>, vector<1x16xf32>,
    %swap3A_426 = vector.shape_cast %swap3A_425 : vector<1x16xf32> to vector<16xf32>
    %swap3A_427 = vector.shape_cast %broadcast_in_dim3A_421 : vector<16xf32> to vector<1x16xf32>
    tpu.vector_store %arg17[%swap3A_423, %swap3A_424], %swap3A_427 {strides = array<i32>} : memref<80x16xf32, #tpu.memory_space<vmem>>, vector<1x16xf32>,
    %broadcast_in_dim3A_428 = arith.constant 1.000000e+00 : f32
    %broadcast_in_dim3A_429 = vector.broadcast %broadcast_in_dim3A_428 : f32 to vector<16xf32>
    %swap3A_430 = arith.constant 53 : i32
    %swap3A_431 = arith.index_cast %swap3A_430 : i32 to index
    %swap3A_432 = arith.constant 0 : index
    %swap3A_433 = tpu.vector_load %arg17[%swap3A_431, %swap3A_432] {strides = array<i32>} : memref<80x16xf32, #tpu.memory_space<vmem>>, vector<1x16xf32>,
    %swap3A_434 = vector.shape_cast %swap3A_433 : vector<1x16xf32> to vector<16xf32>
    %swap3A_435 = vector.shape_cast %broadcast_in_dim3A_429 : vector<16xf32> to vector<1x16xf32>
    tpu.vector_store %arg17[%swap3A_431, %swap3A_432], %swap3A_435 {strides = array<i32>} : memref<80x16xf32, #tpu.memory_space<vmem>>, vector<1x16xf32>,
    %broadcast_in_dim3A_436 = arith.constant 1.000000e+00 : f32
    %broadcast_in_dim3A_437 = vector.broadcast %broadcast_in_dim3A_436 : f32 to vector<16xf32>
    %swap3A_438 = arith.constant 54 : i32
    %swap3A_439 = arith.index_cast %swap3A_438 : i32 to index
    %swap3A_440 = arith.constant 0 : index
    %swap3A_441 = tpu.vector_load %arg17[%swap3A_439, %swap3A_440] {strides = array<i32>} : memref<80x16xf32, #tpu.memory_space<vmem>>, vector<1x16xf32>,
    %swap3A_442 = vector.shape_cast %swap3A_441 : vector<1x16xf32> to vector<16xf32>
    %swap3A_443 = vector.shape_cast %broadcast_in_dim3A_437 : vector<16xf32> to vector<1x16xf32>
    tpu.vector_store %arg17[%swap3A_439, %swap3A_440], %swap3A_443 {strides = array<i32>} : memref<80x16xf32, #tpu.memory_space<vmem>>, vector<1x16xf32>,
    %broadcast_in_dim3A_444 = arith.constant 1.000000e+00 : f32
    %broadcast_in_dim3A_445 = vector.broadcast %broadcast_in_dim3A_444 : f32 to vector<16xf32>
    %swap3A_446 = arith.constant 55 : i32
    %swap3A_447 = arith.index_cast %swap3A_446 : i32 to index
    %swap3A_448 = arith.constant 0 : index
    %swap3A_449 = tpu.vector_load %arg17[%swap3A_447, %swap3A_448] {strides = array<i32>} : memref<80x16xf32, #tpu.memory_space<vmem>>, vector<1x16xf32>,
    %swap3A_450 = vector.shape_cast %swap3A_449 : vector<1x16xf32> to vector<16xf32>
    %swap3A_451 = vector.shape_cast %broadcast_in_dim3A_445 : vector<16xf32> to vector<1x16xf32>
    tpu.vector_store %arg17[%swap3A_447, %swap3A_448], %swap3A_451 {strides = array<i32>} : memref<80x16xf32, #tpu.memory_space<vmem>>, vector<1x16xf32>,
    %broadcast_in_dim3A_452 = arith.constant 1.000000e+00 : f32
    %broadcast_in_dim3A_453 = vector.broadcast %broadcast_in_dim3A_452 : f32 to vector<16xf32>
    %swap3A_454 = arith.constant 56 : i32
    %swap3A_455 = arith.index_cast %swap3A_454 : i32 to index
    %swap3A_456 = arith.constant 0 : index
    %swap3A_457 = tpu.vector_load %arg17[%swap3A_455, %swap3A_456] {strides = array<i32>} : memref<80x16xf32, #tpu.memory_space<vmem>>, vector<1x16xf32>,
    %swap3A_458 = vector.shape_cast %swap3A_457 : vector<1x16xf32> to vector<16xf32>
    %swap3A_459 = vector.shape_cast %broadcast_in_dim3A_453 : vector<16xf32> to vector<1x16xf32>
    tpu.vector_store %arg17[%swap3A_455, %swap3A_456], %swap3A_459 {strides = array<i32>} : memref<80x16xf32, #tpu.memory_space<vmem>>, vector<1x16xf32>,
    %broadcast_in_dim3A_460 = arith.constant 1.000000e+00 : f32
    %broadcast_in_dim3A_461 = vector.broadcast %broadcast_in_dim3A_460 : f32 to vector<16xf32>
    %swap3A_462 = arith.constant 57 : i32
    %swap3A_463 = arith.index_cast %swap3A_462 : i32 to index
    %swap3A_464 = arith.constant 0 : index
    %swap3A_465 = tpu.vector_load %arg17[%swap3A_463, %swap3A_464] {strides = array<i32>} : memref<80x16xf32, #tpu.memory_space<vmem>>, vector<1x16xf32>,
    %swap3A_466 = vector.shape_cast %swap3A_465 : vector<1x16xf32> to vector<16xf32>
    %swap3A_467 = vector.shape_cast %broadcast_in_dim3A_461 : vector<16xf32> to vector<1x16xf32>
    tpu.vector_store %arg17[%swap3A_463, %swap3A_464], %swap3A_467 {strides = array<i32>} : memref<80x16xf32, #tpu.memory_space<vmem>>, vector<1x16xf32>,
    %broadcast_in_dim3A_468 = arith.constant 1.000000e+00 : f32
    %broadcast_in_dim3A_469 = vector.broadcast %broadcast_in_dim3A_468 : f32 to vector<16xf32>
    %swap3A_470 = arith.constant 58 : i32
    %swap3A_471 = arith.index_cast %swap3A_470 : i32 to index
    %swap3A_472 = arith.constant 0 : index
    %swap3A_473 = tpu.vector_load %arg17[%swap3A_471, %swap3A_472] {strides = array<i32>} : memref<80x16xf32, #tpu.memory_space<vmem>>, vector<1x16xf32>,
    %swap3A_474 = vector.shape_cast %swap3A_473 : vector<1x16xf32> to vector<16xf32>
    %swap3A_475 = vector.shape_cast %broadcast_in_dim3A_469 : vector<16xf32> to vector<1x16xf32>
    tpu.vector_store %arg17[%swap3A_471, %swap3A_472], %swap3A_475 {strides = array<i32>} : memref<80x16xf32, #tpu.memory_space<vmem>>, vector<1x16xf32>,
    %broadcast_in_dim3A_476 = arith.constant 1.000000e+00 : f32
    %broadcast_in_dim3A_477 = vector.broadcast %broadcast_in_dim3A_476 : f32 to vector<16xf32>
    %swap3A_478 = arith.constant 59 : i32
    %swap3A_479 = arith.index_cast %swap3A_478 : i32 to index
    %swap3A_480 = arith.constant 0 : index
    %swap3A_481 = tpu.vector_load %arg17[%swap3A_479, %swap3A_480] {strides = array<i32>} : memref<80x16xf32, #tpu.memory_space<vmem>>, vector<1x16xf32>,
    %swap3A_482 = vector.shape_cast %swap3A_481 : vector<1x16xf32> to vector<16xf32>
    %swap3A_483 = vector.shape_cast %broadcast_in_dim3A_477 : vector<16xf32> to vector<1x16xf32>
    tpu.vector_store %arg17[%swap3A_479, %swap3A_480], %swap3A_483 {strides = array<i32>} : memref<80x16xf32, #tpu.memory_space<vmem>>, vector<1x16xf32>,
    %broadcast_in_dim3A_484 = arith.constant 1.000000e+00 : f32
    %broadcast_in_dim3A_485 = vector.broadcast %broadcast_in_dim3A_484 : f32 to vector<16xf32>
    %swap3A_486 = arith.constant 60 : i32
    %swap3A_487 = arith.index_cast %swap3A_486 : i32 to index
    %swap3A_488 = arith.constant 0 : index
    %swap3A_489 = tpu.vector_load %arg17[%swap3A_487, %swap3A_488] {strides = array<i32>} : memref<80x16xf32, #tpu.memory_space<vmem>>, vector<1x16xf32>,
    %swap3A_490 = vector.shape_cast %swap3A_489 : vector<1x16xf32> to vector<16xf32>
    %swap3A_491 = vector.shape_cast %broadcast_in_dim3A_485 : vector<16xf32> to vector<1x16xf32>
    tpu.vector_store %arg17[%swap3A_487, %swap3A_488], %swap3A_491 {strides = array<i32>} : memref<80x16xf32, #tpu.memory_space<vmem>>, vector<1x16xf32>,
    %broadcast_in_dim3A_492 = arith.constant 1.000000e+00 : f32
    %broadcast_in_dim3A_493 = vector.broadcast %broadcast_in_dim3A_492 : f32 to vector<16xf32>
    %swap3A_494 = arith.constant 61 : i32
    %swap3A_495 = arith.index_cast %swap3A_494 : i32 to index
    %swap3A_496 = arith.constant 0 : index
    %swap3A_497 = tpu.vector_load %arg17[%swap3A_495, %swap3A_496] {strides = array<i32>} : memref<80x16xf32, #tpu.memory_space<vmem>>, vector<1x16xf32>,
    %swap3A_498 = vector.shape_cast %swap3A_497 : vector<1x16xf32> to vector<16xf32>
    %swap3A_499 = vector.shape_cast %broadcast_in_dim3A_493 : vector<16xf32> to vector<1x16xf32>
    tpu.vector_store %arg17[%swap3A_495, %swap3A_496], %swap3A_499 {strides = array<i32>} : memref<80x16xf32, #tpu.memory_space<vmem>>, vector<1x16xf32>,
    %broadcast_in_dim3A_500 = arith.constant 1.000000e+00 : f32
    %broadcast_in_dim3A_501 = vector.broadcast %broadcast_in_dim3A_500 : f32 to vector<16xf32>
    %swap3A_502 = arith.constant 62 : i32
    %swap3A_503 = arith.index_cast %swap3A_502 : i32 to index
    %swap3A_504 = arith.constant 0 : index
    %swap3A_505 = tpu.vector_load %arg17[%swap3A_503, %swap3A_504] {strides = array<i32>} : memref<80x16xf32, #tpu.memory_space<vmem>>, vector<1x16xf32>,
    %swap3A_506 = vector.shape_cast %swap3A_505 : vector<1x16xf32> to vector<16xf32>
    %swap3A_507 = vector.shape_cast %broadcast_in_dim3A_501 : vector<16xf32> to vector<1x16xf32>
    tpu.vector_store %arg17[%swap3A_503, %swap3A_504], %swap3A_507 {strides = array<i32>} : memref<80x16xf32, #tpu.memory_space<vmem>>, vector<1x16xf32>,
    %broadcast_in_dim3A_508 = arith.constant 1.000000e+00 : f32
    %broadcast_in_dim3A_509 = vector.broadcast %broadcast_in_dim3A_508 : f32 to vector<16xf32>
    %swap3A_510 = arith.constant 63 : i32
    %swap3A_511 = arith.index_cast %swap3A_510 : i32 to index
    %swap3A_512 = arith.constant 0 : index
    %swap3A_513 = tpu.vector_load %arg17[%swap3A_511, %swap3A_512] {strides = array<i32>} : memref<80x16xf32, #tpu.memory_space<vmem>>, vector<1x16xf32>,
    %swap3A_514 = vector.shape_cast %swap3A_513 : vector<1x16xf32> to vector<16xf32>
    %swap3A_515 = vector.shape_cast %broadcast_in_dim3A_509 : vector<16xf32> to vector<1x16xf32>
    tpu.vector_store %arg17[%swap3A_511, %swap3A_512], %swap3A_515 {strides = array<i32>} : memref<80x16xf32, #tpu.memory_space<vmem>>, vector<1x16xf32>,
    %broadcast_in_dim3A_516 = arith.constant 1.000000e+00 : f32
    %broadcast_in_dim3A_517 = vector.broadcast %broadcast_in_dim3A_516 : f32 to vector<16xf32>
    %swap3A_518 = arith.constant 64 : i32
    %swap3A_519 = arith.index_cast %swap3A_518 : i32 to index
    %swap3A_520 = arith.constant 0 : index
    %swap3A_521 = tpu.vector_load %arg17[%swap3A_519, %swap3A_520] {strides = array<i32>} : memref<80x16xf32, #tpu.memory_space<vmem>>, vector<1x16xf32>,
    %swap3A_522 = vector.shape_cast %swap3A_521 : vector<1x16xf32> to vector<16xf32>
    %swap3A_523 = vector.shape_cast %broadcast_in_dim3A_517 : vector<16xf32> to vector<1x16xf32>
    tpu.vector_store %arg17[%swap3A_519, %swap3A_520], %swap3A_523 {strides = array<i32>} : memref<80x16xf32, #tpu.memory_space<vmem>>, vector<1x16xf32>,
    %broadcast_in_dim3A_524 = arith.constant 1.000000e+00 : f32
    %broadcast_in_dim3A_525 = vector.broadcast %broadcast_in_dim3A_524 : f32 to vector<16xf32>
    %swap3A_526 = arith.constant 65 : i32
    %swap3A_527 = arith.index_cast %swap3A_526 : i32 to index
    %swap3A_528 = arith.constant 0 : index
    %swap3A_529 = tpu.vector_load %arg17[%swap3A_527, %swap3A_528] {strides = array<i32>} : memref<80x16xf32, #tpu.memory_space<vmem>>, vector<1x16xf32>,
    %swap3A_530 = vector.shape_cast %swap3A_529 : vector<1x16xf32> to vector<16xf32>
    %swap3A_531 = vector.shape_cast %broadcast_in_dim3A_525 : vector<16xf32> to vector<1x16xf32>
    tpu.vector_store %arg17[%swap3A_527, %swap3A_528], %swap3A_531 {strides = array<i32>} : memref<80x16xf32, #tpu.memory_space<vmem>>, vector<1x16xf32>,
    %broadcast_in_dim3A_532 = arith.constant 1.000000e+00 : f32
    %broadcast_in_dim3A_533 = vector.broadcast %broadcast_in_dim3A_532 : f32 to vector<16xf32>
    %swap3A_534 = arith.constant 66 : i32
    %swap3A_535 = arith.index_cast %swap3A_534 : i32 to index
    %swap3A_536 = arith.constant 0 : index
    %swap3A_537 = tpu.vector_load %arg17[%swap3A_535, %swap3A_536] {strides = array<i32>} : memref<80x16xf32, #tpu.memory_space<vmem>>, vector<1x16xf32>,
    %swap3A_538 = vector.shape_cast %swap3A_537 : vector<1x16xf32> to vector<16xf32>
    %swap3A_539 = vector.shape_cast %broadcast_in_dim3A_533 : vector<16xf32> to vector<1x16xf32>
    tpu.vector_store %arg17[%swap3A_535, %swap3A_536], %swap3A_539 {strides = array<i32>} : memref<80x16xf32, #tpu.memory_space<vmem>>, vector<1x16xf32>,
    %broadcast_in_dim3A_540 = arith.constant 1.000000e+00 : f32
    %broadcast_in_dim3A_541 = vector.broadcast %broadcast_in_dim3A_540 : f32 to vector<16xf32>
    %swap3A_542 = arith.constant 67 : i32
    %swap3A_543 = arith.index_cast %swap3A_542 : i32 to index
    %swap3A_544 = arith.constant 0 : index
    %swap3A_545 = tpu.vector_load %arg17[%swap3A_543, %swap3A_544] {strides = array<i32>} : memref<80x16xf32, #tpu.memory_space<vmem>>, vector<1x16xf32>,
    %swap3A_546 = vector.shape_cast %swap3A_545 : vector<1x16xf32> to vector<16xf32>
    %swap3A_547 = vector.shape_cast %broadcast_in_dim3A_541 : vector<16xf32> to vector<1x16xf32>
    tpu.vector_store %arg17[%swap3A_543, %swap3A_544], %swap3A_547 {strides = array<i32>} : memref<80x16xf32, #tpu.memory_space<vmem>>, vector<1x16xf32>,
    %broadcast_in_dim3A_548 = arith.constant 1.000000e+00 : f32
    %broadcast_in_dim3A_549 = vector.broadcast %broadcast_in_dim3A_548 : f32 to vector<16xf32>
    %swap3A_550 = arith.constant 68 : i32
    %swap3A_551 = arith.index_cast %swap3A_550 : i32 to index
    %swap3A_552 = arith.constant 0 : index
    %swap3A_553 = tpu.vector_load %arg17[%swap3A_551, %swap3A_552] {strides = array<i32>} : memref<80x16xf32, #tpu.memory_space<vmem>>, vector<1x16xf32>,
    %swap3A_554 = vector.shape_cast %swap3A_553 : vector<1x16xf32> to vector<16xf32>
    %swap3A_555 = vector.shape_cast %broadcast_in_dim3A_549 : vector<16xf32> to vector<1x16xf32>
    tpu.vector_store %arg17[%swap3A_551, %swap3A_552], %swap3A_555 {strides = array<i32>} : memref<80x16xf32, #tpu.memory_space<vmem>>, vector<1x16xf32>,
    %broadcast_in_dim3A_556 = arith.constant 1.000000e+00 : f32
    %broadcast_in_dim3A_557 = vector.broadcast %broadcast_in_dim3A_556 : f32 to vector<16xf32>
    %swap3A_558 = arith.constant 69 : i32
    %swap3A_559 = arith.index_cast %swap3A_558 : i32 to index
    %swap3A_560 = arith.constant 0 : index
    %swap3A_561 = tpu.vector_load %arg17[%swap3A_559, %swap3A_560] {strides = array<i32>} : memref<80x16xf32, #tpu.memory_space<vmem>>, vector<1x16xf32>,
    %swap3A_562 = vector.shape_cast %swap3A_561 : vector<1x16xf32> to vector<16xf32>
    %swap3A_563 = vector.shape_cast %broadcast_in_dim3A_557 : vector<16xf32> to vector<1x16xf32>
    tpu.vector_store %arg17[%swap3A_559, %swap3A_560], %swap3A_563 {strides = array<i32>} : memref<80x16xf32, #tpu.memory_space<vmem>>, vector<1x16xf32>,
    %broadcast_in_dim3A_564 = arith.constant 1.000000e+00 : f32
    %broadcast_in_dim3A_565 = vector.broadcast %broadcast_in_dim3A_564 : f32 to vector<16xf32>
    %swap3A_566 = arith.constant 70 : i32
    %swap3A_567 = arith.index_cast %swap3A_566 : i32 to index
    %swap3A_568 = arith.constant 0 : index
    %swap3A_569 = tpu.vector_load %arg17[%swap3A_567, %swap3A_568] {strides = array<i32>} : memref<80x16xf32, #tpu.memory_space<vmem>>, vector<1x16xf32>,
    %swap3A_570 = vector.shape_cast %swap3A_569 : vector<1x16xf32> to vector<16xf32>
    %swap3A_571 = vector.shape_cast %broadcast_in_dim3A_565 : vector<16xf32> to vector<1x16xf32>
    tpu.vector_store %arg17[%swap3A_567, %swap3A_568], %swap3A_571 {strides = array<i32>} : memref<80x16xf32, #tpu.memory_space<vmem>>, vector<1x16xf32>,
    %broadcast_in_dim3A_572 = arith.constant 1.000000e+00 : f32
    %broadcast_in_dim3A_573 = vector.broadcast %broadcast_in_dim3A_572 : f32 to vector<16xf32>
    %swap3A_574 = arith.constant 71 : i32
    %swap3A_575 = arith.index_cast %swap3A_574 : i32 to index
    %swap3A_576 = arith.constant 0 : index
    %swap3A_577 = tpu.vector_load %arg17[%swap3A_575, %swap3A_576] {strides = array<i32>} : memref<80x16xf32, #tpu.memory_space<vmem>>, vector<1x16xf32>,
    %swap3A_578 = vector.shape_cast %swap3A_577 : vector<1x16xf32> to vector<16xf32>
    %swap3A_579 = vector.shape_cast %broadcast_in_dim3A_573 : vector<16xf32> to vector<1x16xf32>
    tpu.vector_store %arg17[%swap3A_575, %swap3A_576], %swap3A_579 {strides = array<i32>} : memref<80x16xf32, #tpu.memory_space<vmem>>, vector<1x16xf32>,
    %broadcast_in_dim3A_580 = arith.constant 1.000000e+00 : f32
    %broadcast_in_dim3A_581 = vector.broadcast %broadcast_in_dim3A_580 : f32 to vector<16xf32>
    %swap3A_582 = arith.constant 72 : i32
    %swap3A_583 = arith.index_cast %swap3A_582 : i32 to index
    %swap3A_584 = arith.constant 0 : index
    %swap3A_585 = tpu.vector_load %arg17[%swap3A_583, %swap3A_584] {strides = array<i32>} : memref<80x16xf32, #tpu.memory_space<vmem>>, vector<1x16xf32>,
    %swap3A_586 = vector.shape_cast %swap3A_585 : vector<1x16xf32> to vector<16xf32>
    %swap3A_587 = vector.shape_cast %broadcast_in_dim3A_581 : vector<16xf32> to vector<1x16xf32>
    tpu.vector_store %arg17[%swap3A_583, %swap3A_584], %swap3A_587 {strides = array<i32>} : memref<80x16xf32, #tpu.memory_space<vmem>>, vector<1x16xf32>,
    %broadcast_in_dim3A_588 = arith.constant 1.000000e+00 : f32
    %broadcast_in_dim3A_589 = vector.broadcast %broadcast_in_dim3A_588 : f32 to vector<16xf32>
    %swap3A_590 = arith.constant 73 : i32
    %swap3A_591 = arith.index_cast %swap3A_590 : i32 to index
    %swap3A_592 = arith.constant 0 : index
    %swap3A_593 = tpu.vector_load %arg17[%swap3A_591, %swap3A_592] {strides = array<i32>} : memref<80x16xf32, #tpu.memory_space<vmem>>, vector<1x16xf32>,
    %swap3A_594 = vector.shape_cast %swap3A_593 : vector<1x16xf32> to vector<16xf32>
    %swap3A_595 = vector.shape_cast %broadcast_in_dim3A_589 : vector<16xf32> to vector<1x16xf32>
    tpu.vector_store %arg17[%swap3A_591, %swap3A_592], %swap3A_595 {strides = array<i32>} : memref<80x16xf32, #tpu.memory_space<vmem>>, vector<1x16xf32>,
    %broadcast_in_dim3A_596 = arith.constant 1.000000e+00 : f32
    %broadcast_in_dim3A_597 = vector.broadcast %broadcast_in_dim3A_596 : f32 to vector<16xf32>
    %swap3A_598 = arith.constant 74 : i32
    %swap3A_599 = arith.index_cast %swap3A_598 : i32 to index
    %swap3A_600 = arith.constant 0 : index
    %swap3A_601 = tpu.vector_load %arg17[%swap3A_599, %swap3A_600] {strides = array<i32>} : memref<80x16xf32, #tpu.memory_space<vmem>>, vector<1x16xf32>,
    %swap3A_602 = vector.shape_cast %swap3A_601 : vector<1x16xf32> to vector<16xf32>
    %swap3A_603 = vector.shape_cast %broadcast_in_dim3A_597 : vector<16xf32> to vector<1x16xf32>
    tpu.vector_store %arg17[%swap3A_599, %swap3A_600], %swap3A_603 {strides = array<i32>} : memref<80x16xf32, #tpu.memory_space<vmem>>, vector<1x16xf32>,
    %broadcast_in_dim3A_604 = arith.constant 1.000000e+00 : f32
    %broadcast_in_dim3A_605 = vector.broadcast %broadcast_in_dim3A_604 : f32 to vector<16xf32>
    %swap3A_606 = arith.constant 75 : i32
    %swap3A_607 = arith.index_cast %swap3A_606 : i32 to index
    %swap3A_608 = arith.constant 0 : index
    %swap3A_609 = tpu.vector_load %arg17[%swap3A_607, %swap3A_608] {strides = array<i32>} : memref<80x16xf32, #tpu.memory_space<vmem>>, vector<1x16xf32>,
    %swap3A_610 = vector.shape_cast %swap3A_609 : vector<1x16xf32> to vector<16xf32>
    %swap3A_611 = vector.shape_cast %broadcast_in_dim3A_605 : vector<16xf32> to vector<1x16xf32>
    tpu.vector_store %arg17[%swap3A_607, %swap3A_608], %swap3A_611 {strides = array<i32>} : memref<80x16xf32, #tpu.memory_space<vmem>>, vector<1x16xf32>,
    %broadcast_in_dim3A_612 = arith.constant 1.000000e+00 : f32
    %broadcast_in_dim3A_613 = vector.broadcast %broadcast_in_dim3A_612 : f32 to vector<16xf32>
    %swap3A_614 = arith.constant 76 : i32
    %swap3A_615 = arith.index_cast %swap3A_614 : i32 to index
    %swap3A_616 = arith.constant 0 : index
    %swap3A_617 = tpu.vector_load %arg17[%swap3A_615, %swap3A_616] {strides = array<i32>} : memref<80x16xf32, #tpu.memory_space<vmem>>, vector<1x16xf32>,
    %swap3A_618 = vector.shape_cast %swap3A_617 : vector<1x16xf32> to vector<16xf32>
    %swap3A_619 = vector.shape_cast %broadcast_in_dim3A_613 : vector<16xf32> to vector<1x16xf32>
    tpu.vector_store %arg17[%swap3A_615, %swap3A_616], %swap3A_619 {strides = array<i32>} : memref<80x16xf32, #tpu.memory_space<vmem>>, vector<1x16xf32>,
    %broadcast_in_dim3A_620 = arith.constant 1.000000e+00 : f32
    %broadcast_in_dim3A_621 = vector.broadcast %broadcast_in_dim3A_620 : f32 to vector<16xf32>
    %swap3A_622 = arith.constant 77 : i32
    %swap3A_623 = arith.index_cast %swap3A_622 : i32 to index
    %swap3A_624 = arith.constant 0 : index
    %swap3A_625 = tpu.vector_load %arg17[%swap3A_623, %swap3A_624] {strides = array<i32>} : memref<80x16xf32, #tpu.memory_space<vmem>>, vector<1x16xf32>,
    %swap3A_626 = vector.shape_cast %swap3A_625 : vector<1x16xf32> to vector<16xf32>
    %swap3A_627 = vector.shape_cast %broadcast_in_dim3A_621 : vector<16xf32> to vector<1x16xf32>
    tpu.vector_store %arg17[%swap3A_623, %swap3A_624], %swap3A_627 {strides = array<i32>} : memref<80x16xf32, #tpu.memory_space<vmem>>, vector<1x16xf32>,
    %broadcast_in_dim3A_628 = arith.constant 1.000000e+00 : f32
    %broadcast_in_dim3A_629 = vector.broadcast %broadcast_in_dim3A_628 : f32 to vector<16xf32>
    %swap3A_630 = arith.constant 78 : i32
    %swap3A_631 = arith.index_cast %swap3A_630 : i32 to index
    %swap3A_632 = arith.constant 0 : index
    %swap3A_633 = tpu.vector_load %arg17[%swap3A_631, %swap3A_632] {strides = array<i32>} : memref<80x16xf32, #tpu.memory_space<vmem>>, vector<1x16xf32>,
    %swap3A_634 = vector.shape_cast %swap3A_633 : vector<1x16xf32> to vector<16xf32>
    %swap3A_635 = vector.shape_cast %broadcast_in_dim3A_629 : vector<16xf32> to vector<1x16xf32>
    tpu.vector_store %arg17[%swap3A_631, %swap3A_632], %swap3A_635 {strides = array<i32>} : memref<80x16xf32, #tpu.memory_space<vmem>>, vector<1x16xf32>,
    %broadcast_in_dim3A_636 = arith.constant 1.000000e+00 : f32
    %broadcast_in_dim3A_637 = vector.broadcast %broadcast_in_dim3A_636 : f32 to vector<16xf32>
    %swap3A_638 = arith.constant 79 : i32
    %swap3A_639 = arith.index_cast %swap3A_638 : i32 to index
    %swap3A_640 = arith.constant 0 : index
    %swap3A_641 = tpu.vector_load %arg17[%swap3A_639, %swap3A_640] {strides = array<i32>} : memref<80x16xf32, #tpu.memory_space<vmem>>, vector<1x16xf32>,
    %swap3A_642 = vector.shape_cast %swap3A_641 : vector<1x16xf32> to vector<16xf32>
    %swap3A_643 = vector.shape_cast %broadcast_in_dim3A_637 : vector<16xf32> to vector<1x16xf32>
    tpu.vector_store %arg17[%swap3A_639, %swap3A_640], %swap3A_643 {strides = array<i32>} : memref<80x16xf32, #tpu.memory_space<vmem>>, vector<1x16xf32>,
    %eq3A = arith.constant 0 : i32
    %eq3A_644 = arith.cmpi eq, %arg1, %eq3A : i32
    %convert_element_type3A = arith.extui %eq3A_644 : i1 to i32
    %cond3A = arith.constant 0 : i32
    %cond3A_645 = arith.cmpi ne, %convert_element_type3A, %cond3A : i32
    scf.if %cond3A_645 {
      "tpu.region"() ({
        %run_scoped3A_706 = tpu.sem_alloc : memref<!tpu.dma_semaphore, #tpu.memory_space<semaphore_mem>>
        %dma_start3A_707 = arith.constant 9984 : i32
        %dma_start3A_708 = arith.constant 0 : i32
        %dma_start3A_709 = tpu.memref_slice %arg11[%dma_start3A_707, %dma_start3A_708] : memref<10016x64xf32, #tpu.memory_space<vmem_shared>> -> memref<16x64xf32, #tpu.memory_space<vmem_shared>>
        %dma_start3A_710 = arith.constant 0 : i32
        %dma_start3A_711 = arith.constant 0 : i32
        %dma_start3A_712 = tpu.memref_slice %arg4[%dma_start3A_710, %dma_start3A_711] : memref<625x64xf32, #tpu.memory_space<hbm>> -> memref<16x64xf32, #tpu.memory_space<hbm>>
        tpu.enqueue_dma source(%dma_start3A_712 : memref<16x64xf32, #tpu.memory_space<hbm>>) target(%dma_start3A_709 : memref<16x64xf32, #tpu.memory_space<vmem_shared>>) target_semaphore(%run_scoped3A_706 : memref<!tpu.dma_semaphore, #tpu.memory_space<semaphore_mem>>)
        %dma_wait3A = arith.constant 9984 : i32
        %dma_wait3A_713 = arith.constant 0 : i32
        %dma_wait3A_714 = tpu.memref_slice %arg11[%dma_wait3A, %dma_wait3A_713] : memref<10016x64xf32, #tpu.memory_space<vmem_shared>> -> memref<16x64xf32, #tpu.memory_space<vmem_shared>>
        %dma_wait3A_715 = arith.constant 0 : i32
        %dma_wait3A_716 = arith.constant 0 : i32
        %dma_wait3A_717 = tpu.memref_slice %arg4[%dma_wait3A_715, %dma_wait3A_716] : memref<625x64xf32, #tpu.memory_space<hbm>> -> memref<16x64xf32, #tpu.memory_space<hbm>>
        tpu.wait_dma2 semaphore(%run_scoped3A_706 : memref<!tpu.dma_semaphore, #tpu.memory_space<semaphore_mem>>) src(%dma_wait3A_717 : memref<16x64xf32, #tpu.memory_space<hbm>>) dst(%dma_wait3A_714 : memref<16x64xf32, #tpu.memory_space<vmem_shared>>)
        tpu.yield
      }) : () -> ()
      "tpu.region"() ({
        %run_scoped3A_706 = tpu.sem_alloc : memref<!tpu.dma_semaphore, #tpu.memory_space<semaphore_mem>>
        %dma_start3A_707 = arith.constant 9984 : i32
        %dma_start3A_708 = arith.constant 0 : i32
        %dma_start3A_709 = tpu.memref_slice %arg18[%dma_start3A_707, %dma_start3A_708] : memref<10016x16xf32, #tpu.memory_space<vmem_shared>> -> memref<16x16xf32, #tpu.memory_space<vmem_shared>>
        %dma_start3A_710 = arith.constant 0 : i32
        %dma_start3A_711 = arith.constant 0 : i32
        %dma_start3A_712 = tpu.memref_slice %arg5[%dma_start3A_710, %dma_start3A_711] : memref<625x16xf32, #tpu.memory_space<hbm>> -> memref<16x16xf32, #tpu.memory_space<hbm>>
        tpu.enqueue_dma source(%dma_start3A_712 : memref<16x16xf32, #tpu.memory_space<hbm>>) target(%dma_start3A_709 : memref<16x16xf32, #tpu.memory_space<vmem_shared>>) target_semaphore(%run_scoped3A_706 : memref<!tpu.dma_semaphore, #tpu.memory_space<semaphore_mem>>)
        %dma_wait3A = arith.constant 9984 : i32
        %dma_wait3A_713 = arith.constant 0 : i32
        %dma_wait3A_714 = tpu.memref_slice %arg18[%dma_wait3A, %dma_wait3A_713] : memref<10016x16xf32, #tpu.memory_space<vmem_shared>> -> memref<16x16xf32, #tpu.memory_space<vmem_shared>>
        %dma_wait3A_715 = arith.constant 0 : i32
        %dma_wait3A_716 = arith.constant 0 : i32
        %dma_wait3A_717 = tpu.memref_slice %arg5[%dma_wait3A_715, %dma_wait3A_716] : memref<625x16xf32, #tpu.memory_space<hbm>> -> memref<16x16xf32, #tpu.memory_space<hbm>>
        tpu.wait_dma2 semaphore(%run_scoped3A_706 : memref<!tpu.dma_semaphore, #tpu.memory_space<semaphore_mem>>) src(%dma_wait3A_717 : memref<16x16xf32, #tpu.memory_space<hbm>>) dst(%dma_wait3A_714 : memref<16x16xf32, #tpu.memory_space<vmem_shared>>)
        tpu.yield
      }) : () -> ()
    } else {
    }
    %barrier3A = arith.constant 0 : index
    tpu.barrier barrier_id(%barrier3A)
    %dma_start3A = arith.constant 0 : i32
    %dma_start3A_646 = arith.constant 0 : i32
    %dma_start3A_647 = arith.constant 0 : i32
    %dma_start3A_648 = tpu.memref_slice %arg10[%dma_start3A, %dma_start3A_646, %dma_start3A_647] : memref<5x80x64xf32, #tpu.memory_space<vmem>> -> memref<1x80x64xf32, #tpu.memory_space<vmem>>
    %dma_start3A_649 = tpu.memref_squeeze %dma_start3A_648 : memref<1x80x64xf32, #tpu.memory_space<vmem>> -> memref<80x64xf32, #tpu.memory_space<vmem>>
    %dma_start3A_650 = arith.constant 0 : i32
    %dma_start3A_651 = tpu.memref_slice %arg8[%dma_start3A_650] : memref<10000xi32, #tpu.memory_space<vmem>> -> memref<80xi32, #tpu.memory_space<vmem>>
    %dma_start3A_652 = arith.constant 0 : i32
    %dma_start3A_653 = arith.constant 0 : i32
    %dma_start3A_654 = tpu.memref_slice %arg2[%dma_start3A_652, %dma_start3A_653] : memref<10000x64xf32, #tpu.memory_space<hbm>> -> memref<10000x64xf32, #tpu.memory_space<hbm>>
    tpu.enqueue_indirect_dma source(%dma_start3A_654 : memref<10000x64xf32, #tpu.memory_space<hbm>>) target(%dma_start3A_649 : memref<80x64xf32, #tpu.memory_space<vmem>>) offsets(%dma_start3A_651 : memref<80xi32, #tpu.memory_space<vmem>>) semaphore(%arg12 : memref<!tpu.dma_semaphore, #tpu.memory_space<semaphore_mem>>)
    %dma_start3A_655 = arith.constant 1 : i32
    %dma_start3A_656 = arith.constant 0 : i32
    %dma_start3A_657 = arith.constant 0 : i32
    %dma_start3A_658 = tpu.memref_slice %arg10[%dma_start3A_655, %dma_start3A_656, %dma_start3A_657] : memref<5x80x64xf32, #tpu.memory_space<vmem>> -> memref<1x80x64xf32, #tpu.memory_space<vmem>>
    %dma_start3A_659 = tpu.memref_squeeze %dma_start3A_658 : memref<1x80x64xf32, #tpu.memory_space<vmem>> -> memref<80x64xf32, #tpu.memory_space<vmem>>
    %dma_start3A_660 = arith.constant 80 : i32
    %dma_start3A_661 = tpu.memref_slice %arg8[%dma_start3A_660] : memref<10000xi32, #tpu.memory_space<vmem>> -> memref<80xi32, #tpu.memory_space<vmem>>
    %dma_start3A_662 = arith.constant 0 : i32
    %dma_start3A_663 = arith.constant 0 : i32
    %dma_start3A_664 = tpu.memref_slice %arg2[%dma_start3A_662, %dma_start3A_663] : memref<10000x64xf32, #tpu.memory_space<hbm>> -> memref<10000x64xf32, #tpu.memory_space<hbm>>
    tpu.enqueue_indirect_dma source(%dma_start3A_664 : memref<10000x64xf32, #tpu.memory_space<hbm>>) target(%dma_start3A_659 : memref<80x64xf32, #tpu.memory_space<vmem>>) offsets(%dma_start3A_661 : memref<80xi32, #tpu.memory_space<vmem>>) semaphore(%arg13 : memref<!tpu.dma_semaphore, #tpu.memory_space<semaphore_mem>>)
    %dma_start3A_665 = arith.constant 2 : i32
    %dma_start3A_666 = arith.constant 0 : i32
    %dma_start3A_667 = arith.constant 0 : i32
    %dma_start3A_668 = tpu.memref_slice %arg10[%dma_start3A_665, %dma_start3A_666, %dma_start3A_667] : memref<5x80x64xf32, #tpu.memory_space<vmem>> -> memref<1x80x64xf32, #tpu.memory_space<vmem>>
    %dma_start3A_669 = tpu.memref_squeeze %dma_start3A_668 : memref<1x80x64xf32, #tpu.memory_space<vmem>> -> memref<80x64xf32, #tpu.memory_space<vmem>>
    %dma_start3A_670 = arith.constant 160 : i32
    %dma_start3A_671 = tpu.memref_slice %arg8[%dma_start3A_670] : memref<10000xi32, #tpu.memory_space<vmem>> -> memref<80xi32, #tpu.memory_space<vmem>>
    %dma_start3A_672 = arith.constant 0 : i32
    %dma_start3A_673 = arith.constant 0 : i32
    %dma_start3A_674 = tpu.memref_slice %arg2[%dma_start3A_672, %dma_start3A_673] : memref<10000x64xf32, #tpu.memory_space<hbm>> -> memref<10000x64xf32, #tpu.memory_space<hbm>>
    tpu.enqueue_indirect_dma source(%dma_start3A_674 : memref<10000x64xf32, #tpu.memory_space<hbm>>) target(%dma_start3A_669 : memref<80x64xf32, #tpu.memory_space<vmem>>) offsets(%dma_start3A_671 : memref<80xi32, #tpu.memory_space<vmem>>) semaphore(%arg14 : memref<!tpu.dma_semaphore, #tpu.memory_space<semaphore_mem>>)
    %dma_start3A_675 = arith.constant 3 : i32
    %dma_start3A_676 = arith.constant 0 : i32
    %dma_start3A_677 = arith.constant 0 : i32
    %dma_start3A_678 = tpu.memref_slice %arg10[%dma_start3A_675, %dma_start3A_676, %dma_start3A_677] : memref<5x80x64xf32, #tpu.memory_space<vmem>> -> memref<1x80x64xf32, #tpu.memory_space<vmem>>
    %dma_start3A_679 = tpu.memref_squeeze %dma_start3A_678 : memref<1x80x64xf32, #tpu.memory_space<vmem>> -> memref<80x64xf32, #tpu.memory_space<vmem>>
    %dma_start3A_680 = arith.constant 240 : i32
    %dma_start3A_681 = tpu.memref_slice %arg8[%dma_start3A_680] : memref<10000xi32, #tpu.memory_space<vmem>> -> memref<80xi32, #tpu.memory_space<vmem>>
    %dma_start3A_682 = arith.constant 0 : i32
    %dma_start3A_683 = arith.constant 0 : i32
    %dma_start3A_684 = tpu.memref_slice %arg2[%dma_start3A_682, %dma_start3A_683] : memref<10000x64xf32, #tpu.memory_space<hbm>> -> memref<10000x64xf32, #tpu.memory_space<hbm>>
    tpu.enqueue_indirect_dma source(%dma_start3A_684 : memref<10000x64xf32, #tpu.memory_space<hbm>>) target(%dma_start3A_679 : memref<80x64xf32, #tpu.memory_space<vmem>>) offsets(%dma_start3A_681 : memref<80xi32, #tpu.memory_space<vmem>>) semaphore(%arg15 : memref<!tpu.dma_semaphore, #tpu.memory_space<semaphore_mem>>)
    %dma_start3A_685 = arith.constant 4 : i32
    %dma_start3A_686 = arith.constant 0 : i32
    %dma_start3A_687 = arith.constant 0 : i32
    %dma_start3A_688 = tpu.memref_slice %arg10[%dma_start3A_685, %dma_start3A_686, %dma_start3A_687] : memref<5x80x64xf32, #tpu.memory_space<vmem>> -> memref<1x80x64xf32, #tpu.memory_space<vmem>>
    %dma_start3A_689 = tpu.memref_squeeze %dma_start3A_688 : memref<1x80x64xf32, #tpu.memory_space<vmem>> -> memref<80x64xf32, #tpu.memory_space<vmem>>
    %dma_start3A_690 = arith.constant 320 : i32
    %dma_start3A_691 = tpu.memref_slice %arg8[%dma_start3A_690] : memref<10000xi32, #tpu.memory_space<vmem>> -> memref<80xi32, #tpu.memory_space<vmem>>
    %dma_start3A_692 = arith.constant 0 : i32
    %dma_start3A_693 = arith.constant 0 : i32
    %dma_start3A_694 = tpu.memref_slice %arg2[%dma_start3A_692, %dma_start3A_693] : memref<10000x64xf32, #tpu.memory_space<hbm>> -> memref<10000x64xf32, #tpu.memory_space<hbm>>
    tpu.enqueue_indirect_dma source(%dma_start3A_694 : memref<10000x64xf32, #tpu.memory_space<hbm>>) target(%dma_start3A_689 : memref<80x64xf32, #tpu.memory_space<vmem>>) offsets(%dma_start3A_691 : memref<80xi32, #tpu.memory_space<vmem>>) semaphore(%arg16 : memref<!tpu.dma_semaphore, #tpu.memory_space<semaphore_mem>>)
    %scan3A = arith.constant 0 : i32
    %scan3A_695 = arith.constant 0 : i32
    %scan3A_696 = arith.constant 25 : i32
    %scan3A_697 = arith.addi %scan3A_695, %scan3A_696 : i32
    %scan3A_698 = arith.constant 1 : i32
    scf.for %scan3A_706 = %scan3A_695 to %scan3A_697 step %scan3A_698  : i32 {
      %mul3A_707 = arith.constant 5 : i32
      %mul3A_708 = arith.muli %scan3A_706, %mul3A_707 : i32
      %add3A_709 = arith.constant 0 : i32
      %add3A_710 = arith.addi %mul3A_708, %add3A_709 : i32
      %mul3A_711 = arith.constant 80 : i32
      %mul3A_712 = arith.muli %add3A_710, %mul3A_711 : i32
      %mul3A_713 = arith.constant 80 : i32
      %mul3A_714 = arith.muli %add3A_710, %mul3A_713 : i32
      %dma_wait3A = arith.constant 0 : i32
      %dma_wait3A_715 = arith.constant 0 : i32
      %dma_wait3A_716 = arith.constant 0 : i32
      %dma_wait3A_717 = tpu.memref_slice %arg10[%dma_wait3A, %dma_wait3A_715, %dma_wait3A_716] : memref<5x80x64xf32, #tpu.memory_space<vmem>> -> memref<1x80x64xf32, #tpu.memory_space<vmem>>
      %dma_wait3A_718 = tpu.memref_squeeze %dma_wait3A_717 : memref<1x80x64xf32, #tpu.memory_space<vmem>> -> memref<80x64xf32, #tpu.memory_space<vmem>>
      %dma_wait3A_719 = tpu.memref_slice %arg8[%mul3A_714] : memref<10000xi32, #tpu.memory_space<vmem>> -> memref<80xi32, #tpu.memory_space<vmem>>
      %dma_wait3A_720 = arith.constant 0 : i32
      %dma_wait3A_721 = arith.constant 0 : i32
      %dma_wait3A_722 = tpu.memref_slice %arg2[%dma_wait3A_720, %dma_wait3A_721] : memref<10000x64xf32, #tpu.memory_space<hbm>> -> memref<10000x64xf32, #tpu.memory_space<hbm>>
      tpu.wait_indirect_dma semaphore(%arg12 : memref<!tpu.dma_semaphore, #tpu.memory_space<semaphore_mem>>) src(%dma_wait3A_722 : memref<10000x64xf32, #tpu.memory_space<hbm>>) dst(%dma_wait3A_718 : memref<80x64xf32, #tpu.memory_space<vmem>>)
      %run_scoped3A_723 = arith.constant 0 : i32
      "tpu.region"() ({
        %run_scoped3A_830 = tpu.sem_alloc : memref<!tpu.dma_semaphore, #tpu.memory_space<semaphore_mem>>
        %dma_start3A_831 = arith.constant 0 : i32
        %dma_start3A_832 = arith.constant 0 : i32
        %dma_start3A_833 = tpu.memref_slice %arg10[%run_scoped3A_723, %dma_start3A_831, %dma_start3A_832] : memref<5x80x64xf32, #tpu.memory_space<vmem>> -> memref<1x80x64xf32, #tpu.memory_space<vmem>>
        %dma_start3A_834 = tpu.memref_squeeze %dma_start3A_833 : memref<1x80x64xf32, #tpu.memory_space<vmem>> -> memref<80x64xf32, #tpu.memory_space<vmem>>
        %dma_start3A_835 = tpu.memref_slice %arg9[%mul3A_712] : memref<10000xi32, #tpu.memory_space<vmem>> -> memref<80xi32, #tpu.memory_space<vmem>>
        %dma_start3A_836 = arith.constant 0 : i32
        %dma_start3A_837 = arith.constant 0 : i32
        %dma_start3A_838 = tpu.memref_slice %arg11[%dma_start3A_836, %dma_start3A_837] : memref<10016x64xf32, #tpu.memory_space<vmem_shared>> -> memref<10016x64xf32, #tpu.memory_space<vmem_shared>>
        tpu.enqueue_indirect_dma source(%dma_start3A_834 : memref<80x64xf32, #tpu.memory_space<vmem>>) target(%dma_start3A_838 : memref<10016x64xf32, #tpu.memory_space<vmem_shared>>) offsets(%dma_start3A_835 : memref<80xi32, #tpu.memory_space<vmem>>) semaphore(%run_scoped3A_830 : memref<!tpu.dma_semaphore, #tpu.memory_space<semaphore_mem>>) {add = true}
        %dma_wait3A_839 = arith.constant 0 : i32
        %dma_wait3A_840 = arith.constant 0 : i32
        %dma_wait3A_841 = tpu.memref_slice %arg10[%run_scoped3A_723, %dma_wait3A_839, %dma_wait3A_840] : memref<5x80x64xf32, #tpu.memory_space<vmem>> -> memref<1x80x64xf32, #tpu.memory_space<vmem>>
        %dma_wait3A_842 = tpu.memref_squeeze %dma_wait3A_841 : memref<1x80x64xf32, #tpu.memory_space<vmem>> -> memref<80x64xf32, #tpu.memory_space<vmem>>
        %dma_wait3A_843 = tpu.memref_slice %arg9[%mul3A_712] : memref<10000xi32, #tpu.memory_space<vmem>> -> memref<80xi32, #tpu.memory_space<vmem>>
        %dma_wait3A_844 = arith.constant 0 : i32
        %dma_wait3A_845 = arith.constant 0 : i32
        %dma_wait3A_846 = tpu.memref_slice %arg11[%dma_wait3A_844, %dma_wait3A_845] : memref<10016x64xf32, #tpu.memory_space<vmem_shared>> -> memref<10016x64xf32, #tpu.memory_space<vmem_shared>>
        tpu.wait_indirect_dma semaphore(%run_scoped3A_830 : memref<!tpu.dma_semaphore, #tpu.memory_space<semaphore_mem>>) src(%dma_wait3A_842 : memref<80x64xf32, #tpu.memory_space<vmem>>) dst(%dma_wait3A_846 : memref<10016x64xf32, #tpu.memory_space<vmem_shared>>)
        tpu.yield
      }) : () -> ()
      "tpu.region"() ({
        %run_scoped3A_830 = tpu.sem_alloc : memref<!tpu.dma_semaphore, #tpu.memory_space<semaphore_mem>>
        %dma_start3A_831 = tpu.memref_slice %arg9[%mul3A_712] : memref<10000xi32, #tpu.memory_space<vmem>> -> memref<80xi32, #tpu.memory_space<vmem>>
        %dma_start3A_832 = arith.constant 0 : i32
        %dma_start3A_833 = arith.constant 0 : i32
        %dma_start3A_834 = tpu.memref_slice %arg18[%dma_start3A_832, %dma_start3A_833] : memref<10016x16xf32, #tpu.memory_space<vmem_shared>> -> memref<10016x16xf32, #tpu.memory_space<vmem_shared>>
        tpu.enqueue_indirect_dma source(%arg17 : memref<80x16xf32, #tpu.memory_space<vmem>>) target(%dma_start3A_834 : memref<10016x16xf32, #tpu.memory_space<vmem_shared>>) offsets(%dma_start3A_831 : memref<80xi32, #tpu.memory_space<vmem>>) semaphore(%run_scoped3A_830 : memref<!tpu.dma_semaphore, #tpu.memory_space<semaphore_mem>>) {add = true}
        %dma_wait3A_835 = tpu.memref_slice %arg9[%mul3A_712] : memref<10000xi32, #tpu.memory_space<vmem>> -> memref<80xi32, #tpu.memory_space<vmem>>
        %dma_wait3A_836 = arith.constant 0 : i32
        %dma_wait3A_837 = arith.constant 0 : i32
        %dma_wait3A_838 = tpu.memref_slice %arg18[%dma_wait3A_836, %dma_wait3A_837] : memref<10016x16xf32, #tpu.memory_space<vmem_shared>> -> memref<10016x16xf32, #tpu.memory_space<vmem_shared>>
        tpu.wait_indirect_dma semaphore(%run_scoped3A_830 : memref<!tpu.dma_semaphore, #tpu.memory_space<semaphore_mem>>) src(%arg17 : memref<80x16xf32, #tpu.memory_space<vmem>>) dst(%dma_wait3A_838 : memref<10016x16xf32, #tpu.memory_space<vmem_shared>>)
        tpu.yield
      }) : () -> ()
      %add3A_724 = arith.constant 5 : i32
      %add3A_725 = arith.addi %add3A_710, %add3A_724 : i32
      %lt3A = arith.constant 125 : i32
      %lt3A_726 = arith.cmpi slt, %add3A_725, %lt3A : i32
      %convert_element_type3A_727 = arith.extui %lt3A_726 : i1 to i32
      %cond3A_728 = arith.constant 0 : i32
      %cond3A_729 = arith.cmpi ne, %convert_element_type3A_727, %cond3A_728 : i32
      scf.if %cond3A_729 {
        %add3A_830 = arith.constant 5 : i32
        %add3A_831 = arith.addi %add3A_710, %add3A_830 : i32
        %mul3A_832 = arith.constant 80 : i32
        %mul3A_833 = arith.muli %add3A_831, %mul3A_832 : i32
        %dma_start3A_834 = arith.constant 0 : i32
        %dma_start3A_835 = arith.constant 0 : i32
        %dma_start3A_836 = arith.constant 0 : i32
        %dma_start3A_837 = tpu.memref_slice %arg10[%dma_start3A_834, %dma_start3A_835, %dma_start3A_836] : memref<5x80x64xf32, #tpu.memory_space<vmem>> -> memref<1x80x64xf32, #tpu.memory_space<vmem>>
        %dma_start3A_838 = tpu.memref_squeeze %dma_start3A_837 : memref<1x80x64xf32, #tpu.memory_space<vmem>> -> memref<80x64xf32, #tpu.memory_space<vmem>>
        %dma_start3A_839 = tpu.memref_slice %arg8[%mul3A_833] : memref<10000xi32, #tpu.memory_space<vmem>> -> memref<80xi32, #tpu.memory_space<vmem>>
        %dma_start3A_840 = arith.constant 0 : i32
        %dma_start3A_841 = arith.constant 0 : i32
        %dma_start3A_842 = tpu.memref_slice %arg2[%dma_start3A_840, %dma_start3A_841] : memref<10000x64xf32, #tpu.memory_space<hbm>> -> memref<10000x64xf32, #tpu.memory_space<hbm>>
        tpu.enqueue_indirect_dma source(%dma_start3A_842 : memref<10000x64xf32, #tpu.memory_space<hbm>>) target(%dma_start3A_838 : memref<80x64xf32, #tpu.memory_space<vmem>>) offsets(%dma_start3A_839 : memref<80xi32, #tpu.memory_space<vmem>>) semaphore(%arg12 : memref<!tpu.dma_semaphore, #tpu.memory_space<semaphore_mem>>)
      } else {
      }
      %mul3A_730 = arith.constant 5 : i32
      %mul3A_731 = arith.muli %scan3A_706, %mul3A_730 : i32
      %add3A_732 = arith.constant 1 : i32
      %add3A_733 = arith.addi %mul3A_731, %add3A_732 : i32
      %mul3A_734 = arith.constant 80 : i32
      %mul3A_735 = arith.muli %add3A_733, %mul3A_734 : i32
      %mul3A_736 = arith.constant 80 : i32
      %mul3A_737 = arith.muli %add3A_733, %mul3A_736 : i32
      %dma_wait3A_738 = arith.constant 1 : i32
      %dma_wait3A_739 = arith.constant 0 : i32
      %dma_wait3A_740 = arith.constant 0 : i32
      %dma_wait3A_741 = tpu.memref_slice %arg10[%dma_wait3A_738, %dma_wait3A_739, %dma_wait3A_740] : memref<5x80x64xf32, #tpu.memory_space<vmem>> -> memref<1x80x64xf32, #tpu.memory_space<vmem>>
      %dma_wait3A_742 = tpu.memref_squeeze %dma_wait3A_741 : memref<1x80x64xf32, #tpu.memory_space<vmem>> -> memref<80x64xf32, #tpu.memory_space<vmem>>
      %dma_wait3A_743 = tpu.memref_slice %arg8[%mul3A_737] : memref<10000xi32, #tpu.memory_space<vmem>> -> memref<80xi32, #tpu.memory_space<vmem>>
      %dma_wait3A_744 = arith.constant 0 : i32
      %dma_wait3A_745 = arith.constant 0 : i32
      %dma_wait3A_746 = tpu.memref_slice %arg2[%dma_wait3A_744, %dma_wait3A_745] : memref<10000x64xf32, #tpu.memory_space<hbm>> -> memref<10000x64xf32, #tpu.memory_space<hbm>>
      tpu.wait_indirect_dma semaphore(%arg13 : memref<!tpu.dma_semaphore, #tpu.memory_space<semaphore_mem>>) src(%dma_wait3A_746 : memref<10000x64xf32, #tpu.memory_space<hbm>>) dst(%dma_wait3A_742 : memref<80x64xf32, #tpu.memory_space<vmem>>)
      %run_scoped3A_747 = arith.constant 1 : i32
      "tpu.region"() ({
        %run_scoped3A_830 = tpu.sem_alloc : memref<!tpu.dma_semaphore, #tpu.memory_space<semaphore_mem>>
        %dma_start3A_831 = arith.constant 0 : i32
        %dma_start3A_832 = arith.constant 0 : i32
        %dma_start3A_833 = tpu.memref_slice %arg10[%run_scoped3A_747, %dma_start3A_831, %dma_start3A_832] : memref<5x80x64xf32, #tpu.memory_space<vmem>> -> memref<1x80x64xf32, #tpu.memory_space<vmem>>
        %dma_start3A_834 = tpu.memref_squeeze %dma_start3A_833 : memref<1x80x64xf32, #tpu.memory_space<vmem>> -> memref<80x64xf32, #tpu.memory_space<vmem>>
        %dma_start3A_835 = tpu.memref_slice %arg9[%mul3A_735] : memref<10000xi32, #tpu.memory_space<vmem>> -> memref<80xi32, #tpu.memory_space<vmem>>
        %dma_start3A_836 = arith.constant 0 : i32
        %dma_start3A_837 = arith.constant 0 : i32
        %dma_start3A_838 = tpu.memref_slice %arg11[%dma_start3A_836, %dma_start3A_837] : memref<10016x64xf32, #tpu.memory_space<vmem_shared>> -> memref<10016x64xf32, #tpu.memory_space<vmem_shared>>
        tpu.enqueue_indirect_dma source(%dma_start3A_834 : memref<80x64xf32, #tpu.memory_space<vmem>>) target(%dma_start3A_838 : memref<10016x64xf32, #tpu.memory_space<vmem_shared>>) offsets(%dma_start3A_835 : memref<80xi32, #tpu.memory_space<vmem>>) semaphore(%run_scoped3A_830 : memref<!tpu.dma_semaphore, #tpu.memory_space<semaphore_mem>>) {add = true}
        %dma_wait3A_839 = arith.constant 0 : i32
        %dma_wait3A_840 = arith.constant 0 : i32
        %dma_wait3A_841 = tpu.memref_slice %arg10[%run_scoped3A_747, %dma_wait3A_839, %dma_wait3A_840] : memref<5x80x64xf32, #tpu.memory_space<vmem>> -> memref<1x80x64xf32, #tpu.memory_space<vmem>>
        %dma_wait3A_842 = tpu.memref_squeeze %dma_wait3A_841 : memref<1x80x64xf32, #tpu.memory_space<vmem>> -> memref<80x64xf32, #tpu.memory_space<vmem>>
        %dma_wait3A_843 = tpu.memref_slice %arg9[%mul3A_735] : memref<10000xi32, #tpu.memory_space<vmem>> -> memref<80xi32, #tpu.memory_space<vmem>>
        %dma_wait3A_844 = arith.constant 0 : i32
        %dma_wait3A_845 = arith.constant 0 : i32
        %dma_wait3A_846 = tpu.memref_slice %arg11[%dma_wait3A_844, %dma_wait3A_845] : memref<10016x64xf32, #tpu.memory_space<vmem_shared>> -> memref<10016x64xf32, #tpu.memory_space<vmem_shared>>
        tpu.wait_indirect_dma semaphore(%run_scoped3A_830 : memref<!tpu.dma_semaphore, #tpu.memory_space<semaphore_mem>>) src(%dma_wait3A_842 : memref<80x64xf32, #tpu.memory_space<vmem>>) dst(%dma_wait3A_846 : memref<10016x64xf32, #tpu.memory_space<vmem_shared>>)
        tpu.yield
      }) : () -> ()
      "tpu.region"() ({
        %run_scoped3A_830 = tpu.sem_alloc : memref<!tpu.dma_semaphore, #tpu.memory_space<semaphore_mem>>
        %dma_start3A_831 = tpu.memref_slice %arg9[%mul3A_735] : memref<10000xi32, #tpu.memory_space<vmem>> -> memref<80xi32, #tpu.memory_space<vmem>>
        %dma_start3A_832 = arith.constant 0 : i32
        %dma_start3A_833 = arith.constant 0 : i32
        %dma_start3A_834 = tpu.memref_slice %arg18[%dma_start3A_832, %dma_start3A_833] : memref<10016x16xf32, #tpu.memory_space<vmem_shared>> -> memref<10016x16xf32, #tpu.memory_space<vmem_shared>>
        tpu.enqueue_indirect_dma source(%arg17 : memref<80x16xf32, #tpu.memory_space<vmem>>) target(%dma_start3A_834 : memref<10016x16xf32, #tpu.memory_space<vmem_shared>>) offsets(%dma_start3A_831 : memref<80xi32, #tpu.memory_space<vmem>>) semaphore(%run_scoped3A_830 : memref<!tpu.dma_semaphore, #tpu.memory_space<semaphore_mem>>) {add = true}
        %dma_wait3A_835 = tpu.memref_slice %arg9[%mul3A_735] : memref<10000xi32, #tpu.memory_space<vmem>> -> memref<80xi32, #tpu.memory_space<vmem>>
        %dma_wait3A_836 = arith.constant 0 : i32
        %dma_wait3A_837 = arith.constant 0 : i32
        %dma_wait3A_838 = tpu.memref_slice %arg18[%dma_wait3A_836, %dma_wait3A_837] : memref<10016x16xf32, #tpu.memory_space<vmem_shared>> -> memref<10016x16xf32, #tpu.memory_space<vmem_shared>>
        tpu.wait_indirect_dma semaphore(%run_scoped3A_830 : memref<!tpu.dma_semaphore, #tpu.memory_space<semaphore_mem>>) src(%arg17 : memref<80x16xf32, #tpu.memory_space<vmem>>) dst(%dma_wait3A_838 : memref<10016x16xf32, #tpu.memory_space<vmem_shared>>)
        tpu.yield
      }) : () -> ()
      %add3A_748 = arith.constant 5 : i32
      %add3A_749 = arith.addi %add3A_733, %add3A_748 : i32
      %lt3A_750 = arith.constant 125 : i32
      %lt3A_751 = arith.cmpi slt, %add3A_749, %lt3A_750 : i32
      %convert_element_type3A_752 = arith.extui %lt3A_751 : i1 to i32
      %cond3A_753 = arith.constant 0 : i32
      %cond3A_754 = arith.cmpi ne, %convert_element_type3A_752, %cond3A_753 : i32
      scf.if %cond3A_754 {
        %add3A_830 = arith.constant 5 : i32
        %add3A_831 = arith.addi %add3A_733, %add3A_830 : i32
        %mul3A_832 = arith.constant 80 : i32
        %mul3A_833 = arith.muli %add3A_831, %mul3A_832 : i32
        %dma_start3A_834 = arith.constant 1 : i32
        %dma_start3A_835 = arith.constant 0 : i32
        %dma_start3A_836 = arith.constant 0 : i32
        %dma_start3A_837 = tpu.memref_slice %arg10[%dma_start3A_834, %dma_start3A_835, %dma_start3A_836] : memref<5x80x64xf32, #tpu.memory_space<vmem>> -> memref<1x80x64xf32, #tpu.memory_space<vmem>>
        %dma_start3A_838 = tpu.memref_squeeze %dma_start3A_837 : memref<1x80x64xf32, #tpu.memory_space<vmem>> -> memref<80x64xf32, #tpu.memory_space<vmem>>
        %dma_start3A_839 = tpu.memref_slice %arg8[%mul3A_833] : memref<10000xi32, #tpu.memory_space<vmem>> -> memref<80xi32, #tpu.memory_space<vmem>>
        %dma_start3A_840 = arith.constant 0 : i32
        %dma_start3A_841 = arith.constant 0 : i32
        %dma_start3A_842 = tpu.memref_slice %arg2[%dma_start3A_840, %dma_start3A_841] : memref<10000x64xf32, #tpu.memory_space<hbm>> -> memref<10000x64xf32, #tpu.memory_space<hbm>>
        tpu.enqueue_indirect_dma source(%dma_start3A_842 : memref<10000x64xf32, #tpu.memory_space<hbm>>) target(%dma_start3A_838 : memref<80x64xf32, #tpu.memory_space<vmem>>) offsets(%dma_start3A_839 : memref<80xi32, #tpu.memory_space<vmem>>) semaphore(%arg13 : memref<!tpu.dma_semaphore, #tpu.memory_space<semaphore_mem>>)
      } else {
      }
      %mul3A_755 = arith.constant 5 : i32
      %mul3A_756 = arith.muli %scan3A_706, %mul3A_755 : i32
      %add3A_757 = arith.constant 2 : i32
      %add3A_758 = arith.addi %mul3A_756, %add3A_757 : i32
      %mul3A_759 = arith.constant 80 : i32
      %mul3A_760 = arith.muli %add3A_758, %mul3A_759 : i32
      %mul3A_761 = arith.constant 80 : i32
      %mul3A_762 = arith.muli %add3A_758, %mul3A_761 : i32
      %dma_wait3A_763 = arith.constant 2 : i32
      %dma_wait3A_764 = arith.constant 0 : i32
      %dma_wait3A_765 = arith.constant 0 : i32
      %dma_wait3A_766 = tpu.memref_slice %arg10[%dma_wait3A_763, %dma_wait3A_764, %dma_wait3A_765] : memref<5x80x64xf32, #tpu.memory_space<vmem>> -> memref<1x80x64xf32, #tpu.memory_space<vmem>>
      %dma_wait3A_767 = tpu.memref_squeeze %dma_wait3A_766 : memref<1x80x64xf32, #tpu.memory_space<vmem>> -> memref<80x64xf32, #tpu.memory_space<vmem>>
      %dma_wait3A_768 = tpu.memref_slice %arg8[%mul3A_762] : memref<10000xi32, #tpu.memory_space<vmem>> -> memref<80xi32, #tpu.memory_space<vmem>>
      %dma_wait3A_769 = arith.constant 0 : i32
      %dma_wait3A_770 = arith.constant 0 : i32
      %dma_wait3A_771 = tpu.memref_slice %arg2[%dma_wait3A_769, %dma_wait3A_770] : memref<10000x64xf32, #tpu.memory_space<hbm>> -> memref<10000x64xf32, #tpu.memory_space<hbm>>
      tpu.wait_indirect_dma semaphore(%arg14 : memref<!tpu.dma_semaphore, #tpu.memory_space<semaphore_mem>>) src(%dma_wait3A_771 : memref<10000x64xf32, #tpu.memory_space<hbm>>) dst(%dma_wait3A_767 : memref<80x64xf32, #tpu.memory_space<vmem>>)
      %run_scoped3A_772 = arith.constant 2 : i32
      "tpu.region"() ({
        %run_scoped3A_830 = tpu.sem_alloc : memref<!tpu.dma_semaphore, #tpu.memory_space<semaphore_mem>>
        %dma_start3A_831 = arith.constant 0 : i32
        %dma_start3A_832 = arith.constant 0 : i32
        %dma_start3A_833 = tpu.memref_slice %arg10[%run_scoped3A_772, %dma_start3A_831, %dma_start3A_832] : memref<5x80x64xf32, #tpu.memory_space<vmem>> -> memref<1x80x64xf32, #tpu.memory_space<vmem>>
        %dma_start3A_834 = tpu.memref_squeeze %dma_start3A_833 : memref<1x80x64xf32, #tpu.memory_space<vmem>> -> memref<80x64xf32, #tpu.memory_space<vmem>>
        %dma_start3A_835 = tpu.memref_slice %arg9[%mul3A_760] : memref<10000xi32, #tpu.memory_space<vmem>> -> memref<80xi32, #tpu.memory_space<vmem>>
        %dma_start3A_836 = arith.constant 0 : i32
        %dma_start3A_837 = arith.constant 0 : i32
        %dma_start3A_838 = tpu.memref_slice %arg11[%dma_start3A_836, %dma_start3A_837] : memref<10016x64xf32, #tpu.memory_space<vmem_shared>> -> memref<10016x64xf32, #tpu.memory_space<vmem_shared>>
        tpu.enqueue_indirect_dma source(%dma_start3A_834 : memref<80x64xf32, #tpu.memory_space<vmem>>) target(%dma_start3A_838 : memref<10016x64xf32, #tpu.memory_space<vmem_shared>>) offsets(%dma_start3A_835 : memref<80xi32, #tpu.memory_space<vmem>>) semaphore(%run_scoped3A_830 : memref<!tpu.dma_semaphore, #tpu.memory_space<semaphore_mem>>) {add = true}
        %dma_wait3A_839 = arith.constant 0 : i32
        %dma_wait3A_840 = arith.constant 0 : i32
        %dma_wait3A_841 = tpu.memref_slice %arg10[%run_scoped3A_772, %dma_wait3A_839, %dma_wait3A_840] : memref<5x80x64xf32, #tpu.memory_space<vmem>> -> memref<1x80x64xf32, #tpu.memory_space<vmem>>
        %dma_wait3A_842 = tpu.memref_squeeze %dma_wait3A_841 : memref<1x80x64xf32, #tpu.memory_space<vmem>> -> memref<80x64xf32, #tpu.memory_space<vmem>>
        %dma_wait3A_843 = tpu.memref_slice %arg9[%mul3A_760] : memref<10000xi32, #tpu.memory_space<vmem>> -> memref<80xi32, #tpu.memory_space<vmem>>
        %dma_wait3A_844 = arith.constant 0 : i32
        %dma_wait3A_845 = arith.constant 0 : i32
        %dma_wait3A_846 = tpu.memref_slice %arg11[%dma_wait3A_844, %dma_wait3A_845] : memref<10016x64xf32, #tpu.memory_space<vmem_shared>> -> memref<10016x64xf32, #tpu.memory_space<vmem_shared>>
        tpu.wait_indirect_dma semaphore(%run_scoped3A_830 : memref<!tpu.dma_semaphore, #tpu.memory_space<semaphore_mem>>) src(%dma_wait3A_842 : memref<80x64xf32, #tpu.memory_space<vmem>>) dst(%dma_wait3A_846 : memref<10016x64xf32, #tpu.memory_space<vmem_shared>>)
        tpu.yield
      }) : () -> ()
      "tpu.region"() ({
        %run_scoped3A_830 = tpu.sem_alloc : memref<!tpu.dma_semaphore, #tpu.memory_space<semaphore_mem>>
        %dma_start3A_831 = tpu.memref_slice %arg9[%mul3A_760] : memref<10000xi32, #tpu.memory_space<vmem>> -> memref<80xi32, #tpu.memory_space<vmem>>
        %dma_start3A_832 = arith.constant 0 : i32
        %dma_start3A_833 = arith.constant 0 : i32
        %dma_start3A_834 = tpu.memref_slice %arg18[%dma_start3A_832, %dma_start3A_833] : memref<10016x16xf32, #tpu.memory_space<vmem_shared>> -> memref<10016x16xf32, #tpu.memory_space<vmem_shared>>
        tpu.enqueue_indirect_dma source(%arg17 : memref<80x16xf32, #tpu.memory_space<vmem>>) target(%dma_start3A_834 : memref<10016x16xf32, #tpu.memory_space<vmem_shared>>) offsets(%dma_start3A_831 : memref<80xi32, #tpu.memory_space<vmem>>) semaphore(%run_scoped3A_830 : memref<!tpu.dma_semaphore, #tpu.memory_space<semaphore_mem>>) {add = true}
        %dma_wait3A_835 = tpu.memref_slice %arg9[%mul3A_760] : memref<10000xi32, #tpu.memory_space<vmem>> -> memref<80xi32, #tpu.memory_space<vmem>>
        %dma_wait3A_836 = arith.constant 0 : i32
        %dma_wait3A_837 = arith.constant 0 : i32
        %dma_wait3A_838 = tpu.memref_slice %arg18[%dma_wait3A_836, %dma_wait3A_837] : memref<10016x16xf32, #tpu.memory_space<vmem_shared>> -> memref<10016x16xf32, #tpu.memory_space<vmem_shared>>
        tpu.wait_indirect_dma semaphore(%run_scoped3A_830 : memref<!tpu.dma_semaphore, #tpu.memory_space<semaphore_mem>>) src(%arg17 : memref<80x16xf32, #tpu.memory_space<vmem>>) dst(%dma_wait3A_838 : memref<10016x16xf32, #tpu.memory_space<vmem_shared>>)
        tpu.yield
      }) : () -> ()
      %add3A_773 = arith.constant 5 : i32
      %add3A_774 = arith.addi %add3A_758, %add3A_773 : i32
      %lt3A_775 = arith.constant 125 : i32
      %lt3A_776 = arith.cmpi slt, %add3A_774, %lt3A_775 : i32
      %convert_element_type3A_777 = arith.extui %lt3A_776 : i1 to i32
      %cond3A_778 = arith.constant 0 : i32
      %cond3A_779 = arith.cmpi ne, %convert_element_type3A_777, %cond3A_778 : i32
      scf.if %cond3A_779 {
        %add3A_830 = arith.constant 5 : i32
        %add3A_831 = arith.addi %add3A_758, %add3A_830 : i32
        %mul3A_832 = arith.constant 80 : i32
        %mul3A_833 = arith.muli %add3A_831, %mul3A_832 : i32
        %dma_start3A_834 = arith.constant 2 : i32
        %dma_start3A_835 = arith.constant 0 : i32
        %dma_start3A_836 = arith.constant 0 : i32
        %dma_start3A_837 = tpu.memref_slice %arg10[%dma_start3A_834, %dma_start3A_835, %dma_start3A_836] : memref<5x80x64xf32, #tpu.memory_space<vmem>> -> memref<1x80x64xf32, #tpu.memory_space<vmem>>
        %dma_start3A_838 = tpu.memref_squeeze %dma_start3A_837 : memref<1x80x64xf32, #tpu.memory_space<vmem>> -> memref<80x64xf32, #tpu.memory_space<vmem>>
        %dma_start3A_839 = tpu.memref_slice %arg8[%mul3A_833] : memref<10000xi32, #tpu.memory_space<vmem>> -> memref<80xi32, #tpu.memory_space<vmem>>
        %dma_start3A_840 = arith.constant 0 : i32
        %dma_start3A_841 = arith.constant 0 : i32
        %dma_start3A_842 = tpu.memref_slice %arg2[%dma_start3A_840, %dma_start3A_841] : memref<10000x64xf32, #tpu.memory_space<hbm>> -> memref<10000x64xf32, #tpu.memory_space<hbm>>
        tpu.enqueue_indirect_dma source(%dma_start3A_842 : memref<10000x64xf32, #tpu.memory_space<hbm>>) target(%dma_start3A_838 : memref<80x64xf32, #tpu.memory_space<vmem>>) offsets(%dma_start3A_839 : memref<80xi32, #tpu.memory_space<vmem>>) semaphore(%arg14 : memref<!tpu.dma_semaphore, #tpu.memory_space<semaphore_mem>>)
      } else {
      }
      %mul3A_780 = arith.constant 5 : i32
      %mul3A_781 = arith.muli %scan3A_706, %mul3A_780 : i32
      %add3A_782 = arith.constant 3 : i32
      %add3A_783 = arith.addi %mul3A_781, %add3A_782 : i32
      %mul3A_784 = arith.constant 80 : i32
      %mul3A_785 = arith.muli %add3A_783, %mul3A_784 : i32
      %mul3A_786 = arith.constant 80 : i32
      %mul3A_787 = arith.muli %add3A_783, %mul3A_786 : i32
      %dma_wait3A_788 = arith.constant 3 : i32
      %dma_wait3A_789 = arith.constant 0 : i32
      %dma_wait3A_790 = arith.constant 0 : i32
      %dma_wait3A_791 = tpu.memref_slice %arg10[%dma_wait3A_788, %dma_wait3A_789, %dma_wait3A_790] : memref<5x80x64xf32, #tpu.memory_space<vmem>> -> memref<1x80x64xf32, #tpu.memory_space<vmem>>
      %dma_wait3A_792 = tpu.memref_squeeze %dma_wait3A_791 : memref<1x80x64xf32, #tpu.memory_space<vmem>> -> memref<80x64xf32, #tpu.memory_space<vmem>>
      %dma_wait3A_793 = tpu.memref_slice %arg8[%mul3A_787] : memref<10000xi32, #tpu.memory_space<vmem>> -> memref<80xi32, #tpu.memory_space<vmem>>
      %dma_wait3A_794 = arith.constant 0 : i32
      %dma_wait3A_795 = arith.constant 0 : i32
      %dma_wait3A_796 = tpu.memref_slice %arg2[%dma_wait3A_794, %dma_wait3A_795] : memref<10000x64xf32, #tpu.memory_space<hbm>> -> memref<10000x64xf32, #tpu.memory_space<hbm>>
      tpu.wait_indirect_dma semaphore(%arg15 : memref<!tpu.dma_semaphore, #tpu.memory_space<semaphore_mem>>) src(%dma_wait3A_796 : memref<10000x64xf32, #tpu.memory_space<hbm>>) dst(%dma_wait3A_792 : memref<80x64xf32, #tpu.memory_space<vmem>>)
      %run_scoped3A_797 = arith.constant 3 : i32
      "tpu.region"() ({
        %run_scoped3A_830 = tpu.sem_alloc : memref<!tpu.dma_semaphore, #tpu.memory_space<semaphore_mem>>
        %dma_start3A_831 = arith.constant 0 : i32
        %dma_start3A_832 = arith.constant 0 : i32
        %dma_start3A_833 = tpu.memref_slice %arg10[%run_scoped3A_797, %dma_start3A_831, %dma_start3A_832] : memref<5x80x64xf32, #tpu.memory_space<vmem>> -> memref<1x80x64xf32, #tpu.memory_space<vmem>>
        %dma_start3A_834 = tpu.memref_squeeze %dma_start3A_833 : memref<1x80x64xf32, #tpu.memory_space<vmem>> -> memref<80x64xf32, #tpu.memory_space<vmem>>
        %dma_start3A_835 = tpu.memref_slice %arg9[%mul3A_785] : memref<10000xi32, #tpu.memory_space<vmem>> -> memref<80xi32, #tpu.memory_space<vmem>>
        %dma_start3A_836 = arith.constant 0 : i32
        %dma_start3A_837 = arith.constant 0 : i32
        %dma_start3A_838 = tpu.memref_slice %arg11[%dma_start3A_836, %dma_start3A_837] : memref<10016x64xf32, #tpu.memory_space<vmem_shared>> -> memref<10016x64xf32, #tpu.memory_space<vmem_shared>>
        tpu.enqueue_indirect_dma source(%dma_start3A_834 : memref<80x64xf32, #tpu.memory_space<vmem>>) target(%dma_start3A_838 : memref<10016x64xf32, #tpu.memory_space<vmem_shared>>) offsets(%dma_start3A_835 : memref<80xi32, #tpu.memory_space<vmem>>) semaphore(%run_scoped3A_830 : memref<!tpu.dma_semaphore, #tpu.memory_space<semaphore_mem>>) {add = true}
        %dma_wait3A_839 = arith.constant 0 : i32
        %dma_wait3A_840 = arith.constant 0 : i32
        %dma_wait3A_841 = tpu.memref_slice %arg10[%run_scoped3A_797, %dma_wait3A_839, %dma_wait3A_840] : memref<5x80x64xf32, #tpu.memory_space<vmem>> -> memref<1x80x64xf32, #tpu.memory_space<vmem>>
        %dma_wait3A_842 = tpu.memref_squeeze %dma_wait3A_841 : memref<1x80x64xf32, #tpu.memory_space<vmem>> -> memref<80x64xf32, #tpu.memory_space<vmem>>
        %dma_wait3A_843 = tpu.memref_slice %arg9[%mul3A_785] : memref<10000xi32, #tpu.memory_space<vmem>> -> memref<80xi32, #tpu.memory_space<vmem>>
        %dma_wait3A_844 = arith.constant 0 : i32
        %dma_wait3A_845 = arith.constant 0 : i32
        %dma_wait3A_846 = tpu.memref_slice %arg11[%dma_wait3A_844, %dma_wait3A_845] : memref<10016x64xf32, #tpu.memory_space<vmem_shared>> -> memref<10016x64xf32, #tpu.memory_space<vmem_shared>>
        tpu.wait_indirect_dma semaphore(%run_scoped3A_830 : memref<!tpu.dma_semaphore, #tpu.memory_space<semaphore_mem>>) src(%dma_wait3A_842 : memref<80x64xf32, #tpu.memory_space<vmem>>) dst(%dma_wait3A_846 : memref<10016x64xf32, #tpu.memory_space<vmem_shared>>)
        tpu.yield
      }) : () -> ()
      "tpu.region"() ({
        %run_scoped3A_830 = tpu.sem_alloc : memref<!tpu.dma_semaphore, #tpu.memory_space<semaphore_mem>>
        %dma_start3A_831 = tpu.memref_slice %arg9[%mul3A_785] : memref<10000xi32, #tpu.memory_space<vmem>> -> memref<80xi32, #tpu.memory_space<vmem>>
        %dma_start3A_832 = arith.constant 0 : i32
        %dma_start3A_833 = arith.constant 0 : i32
        %dma_start3A_834 = tpu.memref_slice %arg18[%dma_start3A_832, %dma_start3A_833] : memref<10016x16xf32, #tpu.memory_space<vmem_shared>> -> memref<10016x16xf32, #tpu.memory_space<vmem_shared>>
        tpu.enqueue_indirect_dma source(%arg17 : memref<80x16xf32, #tpu.memory_space<vmem>>) target(%dma_start3A_834 : memref<10016x16xf32, #tpu.memory_space<vmem_shared>>) offsets(%dma_start3A_831 : memref<80xi32, #tpu.memory_space<vmem>>) semaphore(%run_scoped3A_830 : memref<!tpu.dma_semaphore, #tpu.memory_space<semaphore_mem>>) {add = true}
        %dma_wait3A_835 = tpu.memref_slice %arg9[%mul3A_785] : memref<10000xi32, #tpu.memory_space<vmem>> -> memref<80xi32, #tpu.memory_space<vmem>>
        %dma_wait3A_836 = arith.constant 0 : i32
        %dma_wait3A_837 = arith.constant 0 : i32
        %dma_wait3A_838 = tpu.memref_slice %arg18[%dma_wait3A_836, %dma_wait3A_837] : memref<10016x16xf32, #tpu.memory_space<vmem_shared>> -> memref<10016x16xf32, #tpu.memory_space<vmem_shared>>
        tpu.wait_indirect_dma semaphore(%run_scoped3A_830 : memref<!tpu.dma_semaphore, #tpu.memory_space<semaphore_mem>>) src(%arg17 : memref<80x16xf32, #tpu.memory_space<vmem>>) dst(%dma_wait3A_838 : memref<10016x16xf32, #tpu.memory_space<vmem_shared>>)
        tpu.yield
      }) : () -> ()
      %add3A_798 = arith.constant 5 : i32
      %add3A_799 = arith.addi %add3A_783, %add3A_798 : i32
      %lt3A_800 = arith.constant 125 : i32
      %lt3A_801 = arith.cmpi slt, %add3A_799, %lt3A_800 : i32
      %convert_element_type3A_802 = arith.extui %lt3A_801 : i1 to i32
      %cond3A_803 = arith.constant 0 : i32
      %cond3A_804 = arith.cmpi ne, %convert_element_type3A_802, %cond3A_803 : i32
      scf.if %cond3A_804 {
        %add3A_830 = arith.constant 5 : i32
        %add3A_831 = arith.addi %add3A_783, %add3A_830 : i32
        %mul3A_832 = arith.constant 80 : i32
        %mul3A_833 = arith.muli %add3A_831, %mul3A_832 : i32
        %dma_start3A_834 = arith.constant 3 : i32
        %dma_start3A_835 = arith.constant 0 : i32
        %dma_start3A_836 = arith.constant 0 : i32
        %dma_start3A_837 = tpu.memref_slice %arg10[%dma_start3A_834, %dma_start3A_835, %dma_start3A_836] : memref<5x80x64xf32, #tpu.memory_space<vmem>> -> memref<1x80x64xf32, #tpu.memory_space<vmem>>
        %dma_start3A_838 = tpu.memref_squeeze %dma_start3A_837 : memref<1x80x64xf32, #tpu.memory_space<vmem>> -> memref<80x64xf32, #tpu.memory_space<vmem>>
        %dma_start3A_839 = tpu.memref_slice %arg8[%mul3A_833] : memref<10000xi32, #tpu.memory_space<vmem>> -> memref<80xi32, #tpu.memory_space<vmem>>
        %dma_start3A_840 = arith.constant 0 : i32
        %dma_start3A_841 = arith.constant 0 : i32
        %dma_start3A_842 = tpu.memref_slice %arg2[%dma_start3A_840, %dma_start3A_841] : memref<10000x64xf32, #tpu.memory_space<hbm>> -> memref<10000x64xf32, #tpu.memory_space<hbm>>
        tpu.enqueue_indirect_dma source(%dma_start3A_842 : memref<10000x64xf32, #tpu.memory_space<hbm>>) target(%dma_start3A_838 : memref<80x64xf32, #tpu.memory_space<vmem>>) offsets(%dma_start3A_839 : memref<80xi32, #tpu.memory_space<vmem>>) semaphore(%arg15 : memref<!tpu.dma_semaphore, #tpu.memory_space<semaphore_mem>>)
      } else {
      }
      %mul3A_805 = arith.constant 5 : i32
      %mul3A_806 = arith.muli %scan3A_706, %mul3A_805 : i32
      %add3A_807 = arith.constant 4 : i32
      %add3A_808 = arith.addi %mul3A_806, %add3A_807 : i32
      %mul3A_809 = arith.constant 80 : i32
      %mul3A_810 = arith.muli %add3A_808, %mul3A_809 : i32
      %mul3A_811 = arith.constant 80 : i32
      %mul3A_812 = arith.muli %add3A_808, %mul3A_811 : i32
      %dma_wait3A_813 = arith.constant 4 : i32
      %dma_wait3A_814 = arith.constant 0 : i32
      %dma_wait3A_815 = arith.constant 0 : i32
      %dma_wait3A_816 = tpu.memref_slice %arg10[%dma_wait3A_813, %dma_wait3A_814, %dma_wait3A_815] : memref<5x80x64xf32, #tpu.memory_space<vmem>> -> memref<1x80x64xf32, #tpu.memory_space<vmem>>
      %dma_wait3A_817 = tpu.memref_squeeze %dma_wait3A_816 : memref<1x80x64xf32, #tpu.memory_space<vmem>> -> memref<80x64xf32, #tpu.memory_space<vmem>>
      %dma_wait3A_818 = tpu.memref_slice %arg8[%mul3A_812] : memref<10000xi32, #tpu.memory_space<vmem>> -> memref<80xi32, #tpu.memory_space<vmem>>
      %dma_wait3A_819 = arith.constant 0 : i32
      %dma_wait3A_820 = arith.constant 0 : i32
      %dma_wait3A_821 = tpu.memref_slice %arg2[%dma_wait3A_819, %dma_wait3A_820] : memref<10000x64xf32, #tpu.memory_space<hbm>> -> memref<10000x64xf32, #tpu.memory_space<hbm>>
      tpu.wait_indirect_dma semaphore(%arg16 : memref<!tpu.dma_semaphore, #tpu.memory_space<semaphore_mem>>) src(%dma_wait3A_821 : memref<10000x64xf32, #tpu.memory_space<hbm>>) dst(%dma_wait3A_817 : memref<80x64xf32, #tpu.memory_space<vmem>>)
      %run_scoped3A_822 = arith.constant 4 : i32
      "tpu.region"() ({
        %run_scoped3A_830 = tpu.sem_alloc : memref<!tpu.dma_semaphore, #tpu.memory_space<semaphore_mem>>
        %dma_start3A_831 = arith.constant 0 : i32
        %dma_start3A_832 = arith.constant 0 : i32
        %dma_start3A_833 = tpu.memref_slice %arg10[%run_scoped3A_822, %dma_start3A_831, %dma_start3A_832] : memref<5x80x64xf32, #tpu.memory_space<vmem>> -> memref<1x80x64xf32, #tpu.memory_space<vmem>>
        %dma_start3A_834 = tpu.memref_squeeze %dma_start3A_833 : memref<1x80x64xf32, #tpu.memory_space<vmem>> -> memref<80x64xf32, #tpu.memory_space<vmem>>
        %dma_start3A_835 = tpu.memref_slice %arg9[%mul3A_810] : memref<10000xi32, #tpu.memory_space<vmem>> -> memref<80xi32, #tpu.memory_space<vmem>>
        %dma_start3A_836 = arith.constant 0 : i32
        %dma_start3A_837 = arith.constant 0 : i32
        %dma_start3A_838 = tpu.memref_slice %arg11[%dma_start3A_836, %dma_start3A_837] : memref<10016x64xf32, #tpu.memory_space<vmem_shared>> -> memref<10016x64xf32, #tpu.memory_space<vmem_shared>>
        tpu.enqueue_indirect_dma source(%dma_start3A_834 : memref<80x64xf32, #tpu.memory_space<vmem>>) target(%dma_start3A_838 : memref<10016x64xf32, #tpu.memory_space<vmem_shared>>) offsets(%dma_start3A_835 : memref<80xi32, #tpu.memory_space<vmem>>) semaphore(%run_scoped3A_830 : memref<!tpu.dma_semaphore, #tpu.memory_space<semaphore_mem>>) {add = true}
        %dma_wait3A_839 = arith.constant 0 : i32
        %dma_wait3A_840 = arith.constant 0 : i32
        %dma_wait3A_841 = tpu.memref_slice %arg10[%run_scoped3A_822, %dma_wait3A_839, %dma_wait3A_840] : memref<5x80x64xf32, #tpu.memory_space<vmem>> -> memref<1x80x64xf32, #tpu.memory_space<vmem>>
        %dma_wait3A_842 = tpu.memref_squeeze %dma_wait3A_841 : memref<1x80x64xf32, #tpu.memory_space<vmem>> -> memref<80x64xf32, #tpu.memory_space<vmem>>
        %dma_wait3A_843 = tpu.memref_slice %arg9[%mul3A_810] : memref<10000xi32, #tpu.memory_space<vmem>> -> memref<80xi32, #tpu.memory_space<vmem>>
        %dma_wait3A_844 = arith.constant 0 : i32
        %dma_wait3A_845 = arith.constant 0 : i32
        %dma_wait3A_846 = tpu.memref_slice %arg11[%dma_wait3A_844, %dma_wait3A_845] : memref<10016x64xf32, #tpu.memory_space<vmem_shared>> -> memref<10016x64xf32, #tpu.memory_space<vmem_shared>>
        tpu.wait_indirect_dma semaphore(%run_scoped3A_830 : memref<!tpu.dma_semaphore, #tpu.memory_space<semaphore_mem>>) src(%dma_wait3A_842 : memref<80x64xf32, #tpu.memory_space<vmem>>) dst(%dma_wait3A_846 : memref<10016x64xf32, #tpu.memory_space<vmem_shared>>)
        tpu.yield
      }) : () -> ()
      "tpu.region"() ({
        %run_scoped3A_830 = tpu.sem_alloc : memref<!tpu.dma_semaphore, #tpu.memory_space<semaphore_mem>>
        %dma_start3A_831 = tpu.memref_slice %arg9[%mul3A_810] : memref<10000xi32, #tpu.memory_space<vmem>> -> memref<80xi32, #tpu.memory_space<vmem>>
        %dma_start3A_832 = arith.constant 0 : i32
        %dma_start3A_833 = arith.constant 0 : i32
        %dma_start3A_834 = tpu.memref_slice %arg18[%dma_start3A_832, %dma_start3A_833] : memref<10016x16xf32, #tpu.memory_space<vmem_shared>> -> memref<10016x16xf32, #tpu.memory_space<vmem_shared>>
        tpu.enqueue_indirect_dma source(%arg17 : memref<80x16xf32, #tpu.memory_space<vmem>>) target(%dma_start3A_834 : memref<10016x16xf32, #tpu.memory_space<vmem_shared>>) offsets(%dma_start3A_831 : memref<80xi32, #tpu.memory_space<vmem>>) semaphore(%run_scoped3A_830 : memref<!tpu.dma_semaphore, #tpu.memory_space<semaphore_mem>>) {add = true}
        %dma_wait3A_835 = tpu.memref_slice %arg9[%mul3A_810] : memref<10000xi32, #tpu.memory_space<vmem>> -> memref<80xi32, #tpu.memory_space<vmem>>
        %dma_wait3A_836 = arith.constant 0 : i32
        %dma_wait3A_837 = arith.constant 0 : i32
        %dma_wait3A_838 = tpu.memref_slice %arg18[%dma_wait3A_836, %dma_wait3A_837] : memref<10016x16xf32, #tpu.memory_space<vmem_shared>> -> memref<10016x16xf32, #tpu.memory_space<vmem_shared>>
        tpu.wait_indirect_dma semaphore(%run_scoped3A_830 : memref<!tpu.dma_semaphore, #tpu.memory_space<semaphore_mem>>) src(%arg17 : memref<80x16xf32, #tpu.memory_space<vmem>>) dst(%dma_wait3A_838 : memref<10016x16xf32, #tpu.memory_space<vmem_shared>>)
        tpu.yield
      }) : () -> ()
      %add3A_823 = arith.constant 5 : i32
      %add3A_824 = arith.addi %add3A_808, %add3A_823 : i32
      %lt3A_825 = arith.constant 125 : i32
      %lt3A_826 = arith.cmpi slt, %add3A_824, %lt3A_825 : i32
      %convert_element_type3A_827 = arith.extui %lt3A_826 : i1 to i32
      %cond3A_828 = arith.constant 0 : i32
      %cond3A_829 = arith.cmpi ne, %convert_element_type3A_827, %cond3A_828 : i32
      scf.if %cond3A_829 {
        %add3A_830 = arith.constant 5 : i32
        %add3A_831 = arith.addi %add3A_808, %add3A_830 : i32
        %mul3A_832 = arith.constant 80 : i32
        %mul3A_833 = arith.muli %add3A_831, %mul3A_832 : i32
        %dma_start3A_834 = arith.constant 4 : i32
        %dma_start3A_835 = arith.constant 0 : i32
        %dma_start3A_836 = arith.constant 0 : i32
        %dma_start3A_837 = tpu.memref_slice %arg10[%dma_start3A_834, %dma_start3A_835, %dma_start3A_836] : memref<5x80x64xf32, #tpu.memory_space<vmem>> -> memref<1x80x64xf32, #tpu.memory_space<vmem>>
        %dma_start3A_838 = tpu.memref_squeeze %dma_start3A_837 : memref<1x80x64xf32, #tpu.memory_space<vmem>> -> memref<80x64xf32, #tpu.memory_space<vmem>>
        %dma_start3A_839 = tpu.memref_slice %arg8[%mul3A_833] : memref<10000xi32, #tpu.memory_space<vmem>> -> memref<80xi32, #tpu.memory_space<vmem>>
        %dma_start3A_840 = arith.constant 0 : i32
        %dma_start3A_841 = arith.constant 0 : i32
        %dma_start3A_842 = tpu.memref_slice %arg2[%dma_start3A_840, %dma_start3A_841] : memref<10000x64xf32, #tpu.memory_space<hbm>> -> memref<10000x64xf32, #tpu.memory_space<hbm>>
        tpu.enqueue_indirect_dma source(%dma_start3A_842 : memref<10000x64xf32, #tpu.memory_space<hbm>>) target(%dma_start3A_838 : memref<80x64xf32, #tpu.memory_space<vmem>>) offsets(%dma_start3A_839 : memref<80xi32, #tpu.memory_space<vmem>>) semaphore(%arg16 : memref<!tpu.dma_semaphore, #tpu.memory_space<semaphore_mem>>)
      } else {
      }
    }
    %scan3A_699 = arith.constant 25 : i32
    %barrier3A_700 = arith.constant 0 : index
    tpu.barrier barrier_id(%barrier3A_700)
    "tpu.region"() ({
      %run_scoped3A_706 = tpu.sem_alloc : memref<!tpu.dma_semaphore, #tpu.memory_space<semaphore_mem>>
      %dma_start3A_707 = arith.constant 0 : i32
      %dma_start3A_708 = tpu.memref_slice %arg6[%arg0, %mul3A_2, %dma_start3A_707] : memref<2x10000x64xf32, #tpu.memory_space<hbm>> -> memref<1x624x64xf32, #tpu.memory_space<hbm>>
      %dma_start3A_709 = tpu.memref_squeeze %dma_start3A_708 : memref<1x624x64xf32, #tpu.memory_space<hbm>> -> memref<624x64xf32, #tpu.memory_space<hbm>>
      %dma_start3A_710 = arith.constant 0 : i32
      %dma_start3A_711 = tpu.memref_slice %arg11[%mul3A_2, %dma_start3A_710] : memref<10016x64xf32, #tpu.memory_space<vmem_shared>> -> memref<624x64xf32, #tpu.memory_space<vmem_shared>>
      tpu.enqueue_dma source(%dma_start3A_711 : memref<624x64xf32, #tpu.memory_space<vmem_shared>>) target(%dma_start3A_709 : memref<624x64xf32, #tpu.memory_space<hbm>>) target_semaphore(%run_scoped3A_706 : memref<!tpu.dma_semaphore, #tpu.memory_space<semaphore_mem>>)
      %dma_wait3A = arith.constant 0 : i32
      %dma_wait3A_712 = tpu.memref_slice %arg6[%arg0, %mul3A_2, %dma_wait3A] : memref<2x10000x64xf32, #tpu.memory_space<hbm>> -> memref<1x624x64xf32, #tpu.memory_space<hbm>>
      %dma_wait3A_713 = tpu.memref_squeeze %dma_wait3A_712 : memref<1x624x64xf32, #tpu.memory_space<hbm>> -> memref<624x64xf32, #tpu.memory_space<hbm>>
      %dma_wait3A_714 = arith.constant 0 : i32
      %dma_wait3A_715 = tpu.memref_slice %arg11[%mul3A_2, %dma_wait3A_714] : memref<10016x64xf32, #tpu.memory_space<vmem_shared>> -> memref<624x64xf32, #tpu.memory_space<vmem_shared>>
      tpu.wait_dma2 semaphore(%run_scoped3A_706 : memref<!tpu.dma_semaphore, #tpu.memory_space<semaphore_mem>>) src(%dma_wait3A_715 : memref<624x64xf32, #tpu.memory_space<vmem_shared>>) dst(%dma_wait3A_713 : memref<624x64xf32, #tpu.memory_space<hbm>>)
      tpu.yield
    }) : () -> ()
    "tpu.region"() ({
      %run_scoped3A_706 = tpu.sem_alloc : memref<!tpu.dma_semaphore, #tpu.memory_space<semaphore_mem>>
      %dma_start3A_707 = arith.constant 0 : i32
      %dma_start3A_708 = tpu.memref_slice %arg7[%arg0, %mul3A_2, %dma_start3A_707] : memref<2x10000x16xf32, #tpu.memory_space<hbm>> -> memref<1x624x16xf32, #tpu.memory_space<hbm>>
      %dma_start3A_709 = tpu.memref_squeeze %dma_start3A_708 : memref<1x624x16xf32, #tpu.memory_space<hbm>> -> memref<624x16xf32, #tpu.memory_space<hbm>>
      %dma_start3A_710 = arith.constant 0 : i32
      %dma_start3A_711 = tpu.memref_slice %arg18[%mul3A_2, %dma_start3A_710] : memref<10016x16xf32, #tpu.memory_space<vmem_shared>> -> memref<624x16xf32, #tpu.memory_space<vmem_shared>>
      tpu.enqueue_dma source(%dma_start3A_711 : memref<624x16xf32, #tpu.memory_space<vmem_shared>>) target(%dma_start3A_709 : memref<624x16xf32, #tpu.memory_space<hbm>>) target_semaphore(%run_scoped3A_706 : memref<!tpu.dma_semaphore, #tpu.memory_space<semaphore_mem>>)
      %dma_wait3A = arith.constant 0 : i32
      %dma_wait3A_712 = tpu.memref_slice %arg7[%arg0, %mul3A_2, %dma_wait3A] : memref<2x10000x16xf32, #tpu.memory_space<hbm>> -> memref<1x624x16xf32, #tpu.memory_space<hbm>>
      %dma_wait3A_713 = tpu.memref_squeeze %dma_wait3A_712 : memref<1x624x16xf32, #tpu.memory_space<hbm>> -> memref<624x16xf32, #tpu.memory_space<hbm>>
      %dma_wait3A_714 = arith.constant 0 : i32
      %dma_wait3A_715 = tpu.memref_slice %arg18[%mul3A_2, %dma_wait3A_714] : memref<10016x16xf32, #tpu.memory_space<vmem_shared>> -> memref<624x16xf32, #tpu.memory_space<vmem_shared>>
      tpu.wait_dma2 semaphore(%run_scoped3A_706 : memref<!tpu.dma_semaphore, #tpu.memory_space<semaphore_mem>>) src(%dma_wait3A_715 : memref<624x16xf32, #tpu.memory_space<vmem_shared>>) dst(%dma_wait3A_713 : memref<624x16xf32, #tpu.memory_space<hbm>>)
      tpu.yield
    }) : () -> ()
    %eq3A_701 = arith.constant 0 : i32
    %eq3A_702 = arith.cmpi eq, %arg1, %eq3A_701 : i32
    %convert_element_type3A_703 = arith.extui %eq3A_702 : i1 to i32
    %cond3A_704 = arith.constant 0 : i32
    %cond3A_705 = arith.cmpi ne, %convert_element_type3A_703, %cond3A_704 : i32
    scf.if %cond3A_705 {
      "tpu.region"() ({
        %run_scoped3A_706 = tpu.sem_alloc : memref<!tpu.dma_semaphore, #tpu.memory_space<semaphore_mem>>
        %dma_start3A_707 = arith.constant 9984 : i32
        %dma_start3A_708 = arith.constant 0 : i32
        %dma_start3A_709 = tpu.memref_slice %arg6[%arg0, %dma_start3A_707, %dma_start3A_708] : memref<2x10000x64xf32, #tpu.memory_space<hbm>> -> memref<1x16x64xf32, #tpu.memory_space<hbm>>
        %dma_start3A_710 = tpu.memref_squeeze %dma_start3A_709 : memref<1x16x64xf32, #tpu.memory_space<hbm>> -> memref<16x64xf32, #tpu.memory_space<hbm>>
        %dma_start3A_711 = arith.constant 9984 : i32
        %dma_start3A_712 = arith.constant 0 : i32
        %dma_start3A_713 = tpu.memref_slice %arg11[%dma_start3A_711, %dma_start3A_712] : memref<10016x64xf32, #tpu.memory_space<vmem_shared>> -> memref<16x64xf32, #tpu.memory_space<vmem_shared>>
        tpu.enqueue_dma source(%dma_start3A_713 : memref<16x64xf32, #tpu.memory_space<vmem_shared>>) target(%dma_start3A_710 : memref<16x64xf32, #tpu.memory_space<hbm>>) target_semaphore(%run_scoped3A_706 : memref<!tpu.dma_semaphore, #tpu.memory_space<semaphore_mem>>)
        %dma_wait3A = arith.constant 9984 : i32
        %dma_wait3A_714 = arith.constant 0 : i32
        %dma_wait3A_715 = tpu.memref_slice %arg6[%arg0, %dma_wait3A, %dma_wait3A_714] : memref<2x10000x64xf32, #tpu.memory_space<hbm>> -> memref<1x16x64xf32, #tpu.memory_space<hbm>>
        %dma_wait3A_716 = tpu.memref_squeeze %dma_wait3A_715 : memref<1x16x64xf32, #tpu.memory_space<hbm>> -> memref<16x64xf32, #tpu.memory_space<hbm>>
        %dma_wait3A_717 = arith.constant 9984 : i32
        %dma_wait3A_718 = arith.constant 0 : i32
        %dma_wait3A_719 = tpu.memref_slice %arg11[%dma_wait3A_717, %dma_wait3A_718] : memref<10016x64xf32, #tpu.memory_space<vmem_shared>> -> memref<16x64xf32, #tpu.memory_space<vmem_shared>>
        tpu.wait_dma2 semaphore(%run_scoped3A_706 : memref<!tpu.dma_semaphore, #tpu.memory_space<semaphore_mem>>) src(%dma_wait3A_719 : memref<16x64xf32, #tpu.memory_space<vmem_shared>>) dst(%dma_wait3A_716 : memref<16x64xf32, #tpu.memory_space<hbm>>)
        tpu.yield
      }) : () -> ()
      "tpu.region"() ({
        %run_scoped3A_706 = tpu.sem_alloc : memref<!tpu.dma_semaphore, #tpu.memory_space<semaphore_mem>>
        %dma_start3A_707 = arith.constant 9984 : i32
        %dma_start3A_708 = arith.constant 0 : i32
        %dma_start3A_709 = tpu.memref_slice %arg7[%arg0, %dma_start3A_707, %dma_start3A_708] : memref<2x10000x16xf32, #tpu.memory_space<hbm>> -> memref<1x16x16xf32, #tpu.memory_space<hbm>>
        %dma_start3A_710 = tpu.memref_squeeze %dma_start3A_709 : memref<1x16x16xf32, #tpu.memory_space<hbm>> -> memref<16x16xf32, #tpu.memory_space<hbm>>
        %dma_start3A_711 = arith.constant 9984 : i32
        %dma_start3A_712 = arith.constant 0 : i32
        %dma_start3A_713 = tpu.memref_slice %arg18[%dma_start3A_711, %dma_start3A_712] : memref<10016x16xf32, #tpu.memory_space<vmem_shared>> -> memref<16x16xf32, #tpu.memory_space<vmem_shared>>
        tpu.enqueue_dma source(%dma_start3A_713 : memref<16x16xf32, #tpu.memory_space<vmem_shared>>) target(%dma_start3A_710 : memref<16x16xf32, #tpu.memory_space<hbm>>) target_semaphore(%run_scoped3A_706 : memref<!tpu.dma_semaphore, #tpu.memory_space<semaphore_mem>>)
        %dma_wait3A = arith.constant 9984 : i32
        %dma_wait3A_714 = arith.constant 0 : i32
        %dma_wait3A_715 = tpu.memref_slice %arg7[%arg0, %dma_wait3A, %dma_wait3A_714] : memref<2x10000x16xf32, #tpu.memory_space<hbm>> -> memref<1x16x16xf32, #tpu.memory_space<hbm>>
        %dma_wait3A_716 = tpu.memref_squeeze %dma_wait3A_715 : memref<1x16x16xf32, #tpu.memory_space<hbm>> -> memref<16x16xf32, #tpu.memory_space<hbm>>
        %dma_wait3A_717 = arith.constant 9984 : i32
        %dma_wait3A_718 = arith.constant 0 : i32
        %dma_wait3A_719 = tpu.memref_slice %arg18[%dma_wait3A_717, %dma_wait3A_718] : memref<10016x16xf32, #tpu.memory_space<vmem_shared>> -> memref<16x16xf32, #tpu.memory_space<vmem_shared>>
        tpu.wait_dma2 semaphore(%run_scoped3A_706 : memref<!tpu.dma_semaphore, #tpu.memory_space<semaphore_mem>>) src(%dma_wait3A_719 : memref<16x16xf32, #tpu.memory_space<vmem_shared>>) dst(%dma_wait3A_716 : memref<16x16xf32, #tpu.memory_space<hbm>>)
        tpu.yield
      }) : () -> ()
    } else {
    }
    return
  }
}

#map = affine_map<(d0, d1) -> (0, 0)>
#map1 = affine_map<(d0, d1) -> (0, 0, 0)>
module attributes {stable_mosaic.version = 14 : i64} {
  func.func @segsum(%arg0: i32, %arg1: i32, %arg2: memref<10000x64xf32, #tpu.memory_space<hbm>>, %arg3: memref<2x320000xi32, #tpu.memory_space<hbm>>, %arg4: memref<625x64xf32, #tpu.memory_space<hbm>>, %arg5: memref<2x10000x64xf32, #tpu.memory_space<hbm>>, %arg6: memref<10000xi32, #tpu.memory_space<vmem>>, %arg7: memref<10000xi32, #tpu.memory_space<vmem>>, %arg8: memref<5x80x64xf32, #tpu.memory_space<vmem>>, %arg9: memref<10016x64xf32, #tpu.memory_space<vmem_shared>>, %arg10: memref<!tpu.dma_semaphore, #tpu.memory_space<semaphore_mem>>, %arg11: memref<!tpu.dma_semaphore, #tpu.memory_space<semaphore_mem>>, %arg12: memref<!tpu.dma_semaphore, #tpu.memory_space<semaphore_mem>>, %arg13: memref<!tpu.dma_semaphore, #tpu.memory_space<semaphore_mem>>, %arg14: memref<!tpu.dma_semaphore, #tpu.memory_space<semaphore_mem>>) attributes {dimension_semantics = [#tpu.dimension_semantics<core_parallel>, #tpu.dimension_semantics<subcore_parallel>], iteration_bounds = array<i64: 2, 16>, scalar_prefetch = 0 : i64, scratch_operands = 9 : i64, tpu.core_type = #tpu.core_type<sc_vector_subcore>, window_params = [{transform_indices = #map}, {transform_indices = #map}, {transform_indices = #map}, {transform_indices = #map1}]} {
    %mul3A = arith.constant 16 : i32
    %mul3A_0 = arith.muli %arg0, %mul3A : i32
    %add3A = arith.addi %mul3A_0, %arg1 : i32
    %mul3A_1 = arith.constant 624 : i32
    %mul3A_2 = arith.muli %arg1, %mul3A_1 : i32
    %mul3A_3 = arith.constant 10000 : i32
    %mul3A_4 = arith.muli %add3A, %mul3A_3 : i32
    "tpu.region"() ({
      %run_scoped3A_68 = tpu.sem_alloc : memref<!tpu.dma_semaphore, #tpu.memory_space<semaphore_mem>>
      %dma_start3A_69 = arith.constant 0 : i32
      %dma_start3A_70 = tpu.memref_slice %arg9[%mul3A_2, %dma_start3A_69] : memref<10016x64xf32, #tpu.memory_space<vmem_shared>> -> memref<624x64xf32, #tpu.memory_space<vmem_shared>>
      %dma_start3A_71 = arith.constant 0 : i32
      %dma_start3A_72 = arith.constant 0 : i32
      %dma_start3A_73 = tpu.memref_slice %arg4[%dma_start3A_71, %dma_start3A_72] : memref<625x64xf32, #tpu.memory_space<hbm>> -> memref<624x64xf32, #tpu.memory_space<hbm>>
      tpu.enqueue_dma source(%dma_start3A_73 : memref<624x64xf32, #tpu.memory_space<hbm>>) target(%dma_start3A_70 : memref<624x64xf32, #tpu.memory_space<vmem_shared>>) target_semaphore(%run_scoped3A_68 : memref<!tpu.dma_semaphore, #tpu.memory_space<semaphore_mem>>)
      %dma_wait3A = arith.constant 0 : i32
      %dma_wait3A_74 = tpu.memref_slice %arg9[%mul3A_2, %dma_wait3A] : memref<10016x64xf32, #tpu.memory_space<vmem_shared>> -> memref<624x64xf32, #tpu.memory_space<vmem_shared>>
      %dma_wait3A_75 = arith.constant 0 : i32
      %dma_wait3A_76 = arith.constant 0 : i32
      %dma_wait3A_77 = tpu.memref_slice %arg4[%dma_wait3A_75, %dma_wait3A_76] : memref<625x64xf32, #tpu.memory_space<hbm>> -> memref<624x64xf32, #tpu.memory_space<hbm>>
      tpu.wait_dma2 semaphore(%run_scoped3A_68 : memref<!tpu.dma_semaphore, #tpu.memory_space<semaphore_mem>>) src(%dma_wait3A_77 : memref<624x64xf32, #tpu.memory_space<hbm>>) dst(%dma_wait3A_74 : memref<624x64xf32, #tpu.memory_space<vmem_shared>>)
      tpu.yield
    }) : () -> ()
    %run_scoped3A = arith.constant 0 : i32
    "tpu.region"() ({
      %run_scoped3A_68 = tpu.sem_alloc : memref<!tpu.dma_semaphore, #tpu.memory_space<semaphore_mem>>
      %dma_start3A_69 = arith.constant 0 : i32
      %dma_start3A_70 = tpu.memref_slice %arg6[%dma_start3A_69] : memref<10000xi32, #tpu.memory_space<vmem>> -> memref<10000xi32, #tpu.memory_space<vmem>>
      %dma_start3A_71 = tpu.memref_slice %arg3[%run_scoped3A, %mul3A_4] : memref<2x320000xi32, #tpu.memory_space<hbm>> -> memref<1x10000xi32, #tpu.memory_space<hbm>>
      %dma_start3A_72 = tpu.memref_squeeze %dma_start3A_71 : memref<1x10000xi32, #tpu.memory_space<hbm>> -> memref<10000xi32, #tpu.memory_space<hbm>>
      %dma_start3A_73 = arith.constant 0 : i32
      %dma_start3A_74 = tpu.memref_slice %arg6[%dma_start3A_73] : memref<10000xi32, #tpu.memory_space<vmem>> -> memref<10000xi32, #tpu.memory_space<vmem>>
      %dma_start3A_75 = tpu.memref_slice %arg3[%run_scoped3A, %mul3A_4] : memref<2x320000xi32, #tpu.memory_space<hbm>> -> memref<1x10000xi32, #tpu.memory_space<hbm>>
      %dma_start3A_76 = tpu.memref_squeeze %dma_start3A_75 : memref<1x10000xi32, #tpu.memory_space<hbm>> -> memref<10000xi32, #tpu.memory_space<hbm>>
      tpu.enqueue_dma source(%dma_start3A_76 : memref<10000xi32, #tpu.memory_space<hbm>>) target(%dma_start3A_74 : memref<10000xi32, #tpu.memory_space<vmem>>) target_semaphore(%run_scoped3A_68 : memref<!tpu.dma_semaphore, #tpu.memory_space<semaphore_mem>>)
      %dma_wait3A = arith.constant 0 : i32
      %dma_wait3A_77 = tpu.memref_slice %arg6[%dma_wait3A] : memref<10000xi32, #tpu.memory_space<vmem>> -> memref<10000xi32, #tpu.memory_space<vmem>>
      %dma_wait3A_78 = tpu.memref_slice %arg3[%run_scoped3A, %mul3A_4] : memref<2x320000xi32, #tpu.memory_space<hbm>> -> memref<1x10000xi32, #tpu.memory_space<hbm>>
      %dma_wait3A_79 = tpu.memref_squeeze %dma_wait3A_78 : memref<1x10000xi32, #tpu.memory_space<hbm>> -> memref<10000xi32, #tpu.memory_space<hbm>>
      %dma_wait3A_80 = arith.constant 0 : i32
      %dma_wait3A_81 = tpu.memref_slice %arg6[%dma_wait3A_80] : memref<10000xi32, #tpu.memory_space<vmem>> -> memref<10000xi32, #tpu.memory_space<vmem>>
      %dma_wait3A_82 = tpu.memref_slice %arg3[%run_scoped3A, %mul3A_4] : memref<2x320000xi32, #tpu.memory_space<hbm>> -> memref<1x10000xi32, #tpu.memory_space<hbm>>
      %dma_wait3A_83 = tpu.memref_squeeze %dma_wait3A_82 : memref<1x10000xi32, #tpu.memory_space<hbm>> -> memref<10000xi32, #tpu.memory_space<hbm>>
      tpu.wait_dma2 semaphore(%run_scoped3A_68 : memref<!tpu.dma_semaphore, #tpu.memory_space<semaphore_mem>>) src(%dma_wait3A_83 : memref<10000xi32, #tpu.memory_space<hbm>>) dst(%dma_wait3A_81 : memref<10000xi32, #tpu.memory_space<vmem>>)
      tpu.yield
    }) : () -> ()
    %run_scoped3A_5 = arith.constant 1 : i32
    "tpu.region"() ({
      %run_scoped3A_68 = tpu.sem_alloc : memref<!tpu.dma_semaphore, #tpu.memory_space<semaphore_mem>>
      %dma_start3A_69 = arith.constant 0 : i32
      %dma_start3A_70 = tpu.memref_slice %arg7[%dma_start3A_69] : memref<10000xi32, #tpu.memory_space<vmem>> -> memref<10000xi32, #tpu.memory_space<vmem>>
      %dma_start3A_71 = tpu.memref_slice %arg3[%run_scoped3A_5, %mul3A_4] : memref<2x320000xi32, #tpu.memory_space<hbm>> -> memref<1x10000xi32, #tpu.memory_space<hbm>>
      %dma_start3A_72 = tpu.memref_squeeze %dma_start3A_71 : memref<1x10000xi32, #tpu.memory_space<hbm>> -> memref<10000xi32, #tpu.memory_space<hbm>>
      %dma_start3A_73 = arith.constant 0 : i32
      %dma_start3A_74 = tpu.memref_slice %arg7[%dma_start3A_73] : memref<10000xi32, #tpu.memory_space<vmem>> -> memref<10000xi32, #tpu.memory_space<vmem>>
      %dma_start3A_75 = tpu.memref_slice %arg3[%run_scoped3A_5, %mul3A_4] : memref<2x320000xi32, #tpu.memory_space<hbm>> -> memref<1x10000xi32, #tpu.memory_space<hbm>>
      %dma_start3A_76 = tpu.memref_squeeze %dma_start3A_75 : memref<1x10000xi32, #tpu.memory_space<hbm>> -> memref<10000xi32, #tpu.memory_space<hbm>>
      tpu.enqueue_dma source(%dma_start3A_76 : memref<10000xi32, #tpu.memory_space<hbm>>) target(%dma_start3A_74 : memref<10000xi32, #tpu.memory_space<vmem>>) target_semaphore(%run_scoped3A_68 : memref<!tpu.dma_semaphore, #tpu.memory_space<semaphore_mem>>)
      %dma_wait3A = arith.constant 0 : i32
      %dma_wait3A_77 = tpu.memref_slice %arg7[%dma_wait3A] : memref<10000xi32, #tpu.memory_space<vmem>> -> memref<10000xi32, #tpu.memory_space<vmem>>
      %dma_wait3A_78 = tpu.memref_slice %arg3[%run_scoped3A_5, %mul3A_4] : memref<2x320000xi32, #tpu.memory_space<hbm>> -> memref<1x10000xi32, #tpu.memory_space<hbm>>
      %dma_wait3A_79 = tpu.memref_squeeze %dma_wait3A_78 : memref<1x10000xi32, #tpu.memory_space<hbm>> -> memref<10000xi32, #tpu.memory_space<hbm>>
      %dma_wait3A_80 = arith.constant 0 : i32
      %dma_wait3A_81 = tpu.memref_slice %arg7[%dma_wait3A_80] : memref<10000xi32, #tpu.memory_space<vmem>> -> memref<10000xi32, #tpu.memory_space<vmem>>
      %dma_wait3A_82 = tpu.memref_slice %arg3[%run_scoped3A_5, %mul3A_4] : memref<2x320000xi32, #tpu.memory_space<hbm>> -> memref<1x10000xi32, #tpu.memory_space<hbm>>
      %dma_wait3A_83 = tpu.memref_squeeze %dma_wait3A_82 : memref<1x10000xi32, #tpu.memory_space<hbm>> -> memref<10000xi32, #tpu.memory_space<hbm>>
      tpu.wait_dma2 semaphore(%run_scoped3A_68 : memref<!tpu.dma_semaphore, #tpu.memory_space<semaphore_mem>>) src(%dma_wait3A_83 : memref<10000xi32, #tpu.memory_space<hbm>>) dst(%dma_wait3A_81 : memref<10000xi32, #tpu.memory_space<vmem>>)
      tpu.yield
    }) : () -> ()
    %eq3A = arith.constant 0 : i32
    %eq3A_6 = arith.cmpi eq, %arg1, %eq3A : i32
    %convert_element_type3A = arith.extui %eq3A_6 : i1 to i32
    %cond3A = arith.constant 0 : i32
    %cond3A_7 = arith.cmpi ne, %convert_element_type3A, %cond3A : i32
    scf.if %cond3A_7 {
      "tpu.region"() ({
        %run_scoped3A_68 = tpu.sem_alloc : memref<!tpu.dma_semaphore, #tpu.memory_space<semaphore_mem>>
        %dma_start3A_69 = arith.constant 9984 : i32
        %dma_start3A_70 = arith.constant 0 : i32
        %dma_start3A_71 = tpu.memref_slice %arg9[%dma_start3A_69, %dma_start3A_70] : memref<10016x64xf32, #tpu.memory_space<vmem_shared>> -> memref<16x64xf32, #tpu.memory_space<vmem_shared>>
        %dma_start3A_72 = arith.constant 0 : i32
        %dma_start3A_73 = arith.constant 0 : i32
        %dma_start3A_74 = tpu.memref_slice %arg4[%dma_start3A_72, %dma_start3A_73] : memref<625x64xf32, #tpu.memory_space<hbm>> -> memref<16x64xf32, #tpu.memory_space<hbm>>
        tpu.enqueue_dma source(%dma_start3A_74 : memref<16x64xf32, #tpu.memory_space<hbm>>) target(%dma_start3A_71 : memref<16x64xf32, #tpu.memory_space<vmem_shared>>) target_semaphore(%run_scoped3A_68 : memref<!tpu.dma_semaphore, #tpu.memory_space<semaphore_mem>>)
        %dma_wait3A = arith.constant 9984 : i32
        %dma_wait3A_75 = arith.constant 0 : i32
        %dma_wait3A_76 = tpu.memref_slice %arg9[%dma_wait3A, %dma_wait3A_75] : memref<10016x64xf32, #tpu.memory_space<vmem_shared>> -> memref<16x64xf32, #tpu.memory_space<vmem_shared>>
        %dma_wait3A_77 = arith.constant 0 : i32
        %dma_wait3A_78 = arith.constant 0 : i32
        %dma_wait3A_79 = tpu.memref_slice %arg4[%dma_wait3A_77, %dma_wait3A_78] : memref<625x64xf32, #tpu.memory_space<hbm>> -> memref<16x64xf32, #tpu.memory_space<hbm>>
        tpu.wait_dma2 semaphore(%run_scoped3A_68 : memref<!tpu.dma_semaphore, #tpu.memory_space<semaphore_mem>>) src(%dma_wait3A_79 : memref<16x64xf32, #tpu.memory_space<hbm>>) dst(%dma_wait3A_76 : memref<16x64xf32, #tpu.memory_space<vmem_shared>>)
        tpu.yield
      }) : () -> ()
    } else {
    }
    %barrier3A = arith.constant 0 : index
    tpu.barrier barrier_id(%barrier3A)
    %dma_start3A = arith.constant 0 : i32
    %dma_start3A_8 = arith.constant 0 : i32
    %dma_start3A_9 = arith.constant 0 : i32
    %dma_start3A_10 = tpu.memref_slice %arg8[%dma_start3A, %dma_start3A_8, %dma_start3A_9] : memref<5x80x64xf32, #tpu.memory_space<vmem>> -> memref<1x80x64xf32, #tpu.memory_space<vmem>>
    %dma_start3A_11 = tpu.memref_squeeze %dma_start3A_10 : memref<1x80x64xf32, #tpu.memory_space<vmem>> -> memref<80x64xf32, #tpu.memory_space<vmem>>
    %dma_start3A_12 = arith.constant 0 : i32
    %dma_start3A_13 = tpu.memref_slice %arg6[%dma_start3A_12] : memref<10000xi32, #tpu.memory_space<vmem>> -> memref<80xi32, #tpu.memory_space<vmem>>
    %dma_start3A_14 = arith.constant 0 : i32
    %dma_start3A_15 = arith.constant 0 : i32
    %dma_start3A_16 = tpu.memref_slice %arg2[%dma_start3A_14, %dma_start3A_15] : memref<10000x64xf32, #tpu.memory_space<hbm>> -> memref<10000x64xf32, #tpu.memory_space<hbm>>
    tpu.enqueue_indirect_dma source(%dma_start3A_16 : memref<10000x64xf32, #tpu.memory_space<hbm>>) target(%dma_start3A_11 : memref<80x64xf32, #tpu.memory_space<vmem>>) offsets(%dma_start3A_13 : memref<80xi32, #tpu.memory_space<vmem>>) semaphore(%arg10 : memref<!tpu.dma_semaphore, #tpu.memory_space<semaphore_mem>>)
    %dma_start3A_17 = arith.constant 1 : i32
    %dma_start3A_18 = arith.constant 0 : i32
    %dma_start3A_19 = arith.constant 0 : i32
    %dma_start3A_20 = tpu.memref_slice %arg8[%dma_start3A_17, %dma_start3A_18, %dma_start3A_19] : memref<5x80x64xf32, #tpu.memory_space<vmem>> -> memref<1x80x64xf32, #tpu.memory_space<vmem>>
    %dma_start3A_21 = tpu.memref_squeeze %dma_start3A_20 : memref<1x80x64xf32, #tpu.memory_space<vmem>> -> memref<80x64xf32, #tpu.memory_space<vmem>>
    %dma_start3A_22 = arith.constant 80 : i32
    %dma_start3A_23 = tpu.memref_slice %arg6[%dma_start3A_22] : memref<10000xi32, #tpu.memory_space<vmem>> -> memref<80xi32, #tpu.memory_space<vmem>>
    %dma_start3A_24 = arith.constant 0 : i32
    %dma_start3A_25 = arith.constant 0 : i32
    %dma_start3A_26 = tpu.memref_slice %arg2[%dma_start3A_24, %dma_start3A_25] : memref<10000x64xf32, #tpu.memory_space<hbm>> -> memref<10000x64xf32, #tpu.memory_space<hbm>>
    tpu.enqueue_indirect_dma source(%dma_start3A_26 : memref<10000x64xf32, #tpu.memory_space<hbm>>) target(%dma_start3A_21 : memref<80x64xf32, #tpu.memory_space<vmem>>) offsets(%dma_start3A_23 : memref<80xi32, #tpu.memory_space<vmem>>) semaphore(%arg11 : memref<!tpu.dma_semaphore, #tpu.memory_space<semaphore_mem>>)
    %dma_start3A_27 = arith.constant 2 : i32
    %dma_start3A_28 = arith.constant 0 : i32
    %dma_start3A_29 = arith.constant 0 : i32
    %dma_start3A_30 = tpu.memref_slice %arg8[%dma_start3A_27, %dma_start3A_28, %dma_start3A_29] : memref<5x80x64xf32, #tpu.memory_space<vmem>> -> memref<1x80x64xf32, #tpu.memory_space<vmem>>
    %dma_start3A_31 = tpu.memref_squeeze %dma_start3A_30 : memref<1x80x64xf32, #tpu.memory_space<vmem>> -> memref<80x64xf32, #tpu.memory_space<vmem>>
    %dma_start3A_32 = arith.constant 160 : i32
    %dma_start3A_33 = tpu.memref_slice %arg6[%dma_start3A_32] : memref<10000xi32, #tpu.memory_space<vmem>> -> memref<80xi32, #tpu.memory_space<vmem>>
    %dma_start3A_34 = arith.constant 0 : i32
    %dma_start3A_35 = arith.constant 0 : i32
    %dma_start3A_36 = tpu.memref_slice %arg2[%dma_start3A_34, %dma_start3A_35] : memref<10000x64xf32, #tpu.memory_space<hbm>> -> memref<10000x64xf32, #tpu.memory_space<hbm>>
    tpu.enqueue_indirect_dma source(%dma_start3A_36 : memref<10000x64xf32, #tpu.memory_space<hbm>>) target(%dma_start3A_31 : memref<80x64xf32, #tpu.memory_space<vmem>>) offsets(%dma_start3A_33 : memref<80xi32, #tpu.memory_space<vmem>>) semaphore(%arg12 : memref<!tpu.dma_semaphore, #tpu.memory_space<semaphore_mem>>)
    %dma_start3A_37 = arith.constant 3 : i32
    %dma_start3A_38 = arith.constant 0 : i32
    %dma_start3A_39 = arith.constant 0 : i32
    %dma_start3A_40 = tpu.memref_slice %arg8[%dma_start3A_37, %dma_start3A_38, %dma_start3A_39] : memref<5x80x64xf32, #tpu.memory_space<vmem>> -> memref<1x80x64xf32, #tpu.memory_space<vmem>>
    %dma_start3A_41 = tpu.memref_squeeze %dma_start3A_40 : memref<1x80x64xf32, #tpu.memory_space<vmem>> -> memref<80x64xf32, #tpu.memory_space<vmem>>
    %dma_start3A_42 = arith.constant 240 : i32
    %dma_start3A_43 = tpu.memref_slice %arg6[%dma_start3A_42] : memref<10000xi32, #tpu.memory_space<vmem>> -> memref<80xi32, #tpu.memory_space<vmem>>
    %dma_start3A_44 = arith.constant 0 : i32
    %dma_start3A_45 = arith.constant 0 : i32
    %dma_start3A_46 = tpu.memref_slice %arg2[%dma_start3A_44, %dma_start3A_45] : memref<10000x64xf32, #tpu.memory_space<hbm>> -> memref<10000x64xf32, #tpu.memory_space<hbm>>
    tpu.enqueue_indirect_dma source(%dma_start3A_46 : memref<10000x64xf32, #tpu.memory_space<hbm>>) target(%dma_start3A_41 : memref<80x64xf32, #tpu.memory_space<vmem>>) offsets(%dma_start3A_43 : memref<80xi32, #tpu.memory_space<vmem>>) semaphore(%arg13 : memref<!tpu.dma_semaphore, #tpu.memory_space<semaphore_mem>>)
    %dma_start3A_47 = arith.constant 4 : i32
    %dma_start3A_48 = arith.constant 0 : i32
    %dma_start3A_49 = arith.constant 0 : i32
    %dma_start3A_50 = tpu.memref_slice %arg8[%dma_start3A_47, %dma_start3A_48, %dma_start3A_49] : memref<5x80x64xf32, #tpu.memory_space<vmem>> -> memref<1x80x64xf32, #tpu.memory_space<vmem>>
    %dma_start3A_51 = tpu.memref_squeeze %dma_start3A_50 : memref<1x80x64xf32, #tpu.memory_space<vmem>> -> memref<80x64xf32, #tpu.memory_space<vmem>>
    %dma_start3A_52 = arith.constant 320 : i32
    %dma_start3A_53 = tpu.memref_slice %arg6[%dma_start3A_52] : memref<10000xi32, #tpu.memory_space<vmem>> -> memref<80xi32, #tpu.memory_space<vmem>>
    %dma_start3A_54 = arith.constant 0 : i32
    %dma_start3A_55 = arith.constant 0 : i32
    %dma_start3A_56 = tpu.memref_slice %arg2[%dma_start3A_54, %dma_start3A_55] : memref<10000x64xf32, #tpu.memory_space<hbm>> -> memref<10000x64xf32, #tpu.memory_space<hbm>>
    tpu.enqueue_indirect_dma source(%dma_start3A_56 : memref<10000x64xf32, #tpu.memory_space<hbm>>) target(%dma_start3A_51 : memref<80x64xf32, #tpu.memory_space<vmem>>) offsets(%dma_start3A_53 : memref<80xi32, #tpu.memory_space<vmem>>) semaphore(%arg14 : memref<!tpu.dma_semaphore, #tpu.memory_space<semaphore_mem>>)
    %scan3A = arith.constant 0 : i32
    %scan3A_57 = arith.constant 0 : i32
    %scan3A_58 = arith.constant 25 : i32
    %scan3A_59 = arith.addi %scan3A_57, %scan3A_58 : i32
    %scan3A_60 = arith.constant 1 : i32
    scf.for %scan3A_68 = %scan3A_57 to %scan3A_59 step %scan3A_60  : i32 {
      %mul3A_69 = arith.constant 5 : i32
      %mul3A_70 = arith.muli %scan3A_68, %mul3A_69 : i32
      %add3A_71 = arith.constant 0 : i32
      %add3A_72 = arith.addi %mul3A_70, %add3A_71 : i32
      %mul3A_73 = arith.constant 80 : i32
      %mul3A_74 = arith.muli %add3A_72, %mul3A_73 : i32
      %mul3A_75 = arith.constant 80 : i32
      %mul3A_76 = arith.muli %add3A_72, %mul3A_75 : i32
      %dma_wait3A = arith.constant 0 : i32
      %dma_wait3A_77 = arith.constant 0 : i32
      %dma_wait3A_78 = arith.constant 0 : i32
      %dma_wait3A_79 = tpu.memref_slice %arg8[%dma_wait3A, %dma_wait3A_77, %dma_wait3A_78] : memref<5x80x64xf32, #tpu.memory_space<vmem>> -> memref<1x80x64xf32, #tpu.memory_space<vmem>>
      %dma_wait3A_80 = tpu.memref_squeeze %dma_wait3A_79 : memref<1x80x64xf32, #tpu.memory_space<vmem>> -> memref<80x64xf32, #tpu.memory_space<vmem>>
      %dma_wait3A_81 = tpu.memref_slice %arg6[%mul3A_76] : memref<10000xi32, #tpu.memory_space<vmem>> -> memref<80xi32, #tpu.memory_space<vmem>>
      %dma_wait3A_82 = arith.constant 0 : i32
      %dma_wait3A_83 = arith.constant 0 : i32
      %dma_wait3A_84 = tpu.memref_slice %arg2[%dma_wait3A_82, %dma_wait3A_83] : memref<10000x64xf32, #tpu.memory_space<hbm>> -> memref<10000x64xf32, #tpu.memory_space<hbm>>
      tpu.wait_indirect_dma semaphore(%arg10 : memref<!tpu.dma_semaphore, #tpu.memory_space<semaphore_mem>>) src(%dma_wait3A_84 : memref<10000x64xf32, #tpu.memory_space<hbm>>) dst(%dma_wait3A_80 : memref<80x64xf32, #tpu.memory_space<vmem>>)
      %run_scoped3A_85 = arith.constant 0 : i32
      "tpu.region"() ({
        %run_scoped3A_192 = tpu.sem_alloc : memref<!tpu.dma_semaphore, #tpu.memory_space<semaphore_mem>>
        %dma_start3A_193 = arith.constant 0 : i32
        %dma_start3A_194 = arith.constant 0 : i32
        %dma_start3A_195 = tpu.memref_slice %arg8[%run_scoped3A_85, %dma_start3A_193, %dma_start3A_194] : memref<5x80x64xf32, #tpu.memory_space<vmem>> -> memref<1x80x64xf32, #tpu.memory_space<vmem>>
        %dma_start3A_196 = tpu.memref_squeeze %dma_start3A_195 : memref<1x80x64xf32, #tpu.memory_space<vmem>> -> memref<80x64xf32, #tpu.memory_space<vmem>>
        %dma_start3A_197 = tpu.memref_slice %arg7[%mul3A_74] : memref<10000xi32, #tpu.memory_space<vmem>> -> memref<80xi32, #tpu.memory_space<vmem>>
        %dma_start3A_198 = arith.constant 0 : i32
        %dma_start3A_199 = arith.constant 0 : i32
        %dma_start3A_200 = tpu.memref_slice %arg9[%dma_start3A_198, %dma_start3A_199] : memref<10016x64xf32, #tpu.memory_space<vmem_shared>> -> memref<10016x64xf32, #tpu.memory_space<vmem_shared>>
        tpu.enqueue_indirect_dma source(%dma_start3A_196 : memref<80x64xf32, #tpu.memory_space<vmem>>) target(%dma_start3A_200 : memref<10016x64xf32, #tpu.memory_space<vmem_shared>>) offsets(%dma_start3A_197 : memref<80xi32, #tpu.memory_space<vmem>>) semaphore(%run_scoped3A_192 : memref<!tpu.dma_semaphore, #tpu.memory_space<semaphore_mem>>) {add = true}
        %dma_wait3A_201 = arith.constant 0 : i32
        %dma_wait3A_202 = arith.constant 0 : i32
        %dma_wait3A_203 = tpu.memref_slice %arg8[%run_scoped3A_85, %dma_wait3A_201, %dma_wait3A_202] : memref<5x80x64xf32, #tpu.memory_space<vmem>> -> memref<1x80x64xf32, #tpu.memory_space<vmem>>
        %dma_wait3A_204 = tpu.memref_squeeze %dma_wait3A_203 : memref<1x80x64xf32, #tpu.memory_space<vmem>> -> memref<80x64xf32, #tpu.memory_space<vmem>>
        %dma_wait3A_205 = tpu.memref_slice %arg7[%mul3A_74] : memref<10000xi32, #tpu.memory_space<vmem>> -> memref<80xi32, #tpu.memory_space<vmem>>
        %dma_wait3A_206 = arith.constant 0 : i32
        %dma_wait3A_207 = arith.constant 0 : i32
        %dma_wait3A_208 = tpu.memref_slice %arg9[%dma_wait3A_206, %dma_wait3A_207] : memref<10016x64xf32, #tpu.memory_space<vmem_shared>> -> memref<10016x64xf32, #tpu.memory_space<vmem_shared>>
        tpu.wait_indirect_dma semaphore(%run_scoped3A_192 : memref<!tpu.dma_semaphore, #tpu.memory_space<semaphore_mem>>) src(%dma_wait3A_204 : memref<80x64xf32, #tpu.memory_space<vmem>>) dst(%dma_wait3A_208 : memref<10016x64xf32, #tpu.memory_space<vmem_shared>>)
        tpu.yield
      }) : () -> ()
      %add3A_86 = arith.constant 5 : i32
      %add3A_87 = arith.addi %add3A_72, %add3A_86 : i32
      %lt3A = arith.constant 125 : i32
      %lt3A_88 = arith.cmpi slt, %add3A_87, %lt3A : i32
      %convert_element_type3A_89 = arith.extui %lt3A_88 : i1 to i32
      %cond3A_90 = arith.constant 0 : i32
      %cond3A_91 = arith.cmpi ne, %convert_element_type3A_89, %cond3A_90 : i32
      scf.if %cond3A_91 {
        %add3A_192 = arith.constant 5 : i32
        %add3A_193 = arith.addi %add3A_72, %add3A_192 : i32
        %mul3A_194 = arith.constant 80 : i32
        %mul3A_195 = arith.muli %add3A_193, %mul3A_194 : i32
        %dma_start3A_196 = arith.constant 0 : i32
        %dma_start3A_197 = arith.constant 0 : i32
        %dma_start3A_198 = arith.constant 0 : i32
        %dma_start3A_199 = tpu.memref_slice %arg8[%dma_start3A_196, %dma_start3A_197, %dma_start3A_198] : memref<5x80x64xf32, #tpu.memory_space<vmem>> -> memref<1x80x64xf32, #tpu.memory_space<vmem>>
        %dma_start3A_200 = tpu.memref_squeeze %dma_start3A_199 : memref<1x80x64xf32, #tpu.memory_space<vmem>> -> memref<80x64xf32, #tpu.memory_space<vmem>>
        %dma_start3A_201 = tpu.memref_slice %arg6[%mul3A_195] : memref<10000xi32, #tpu.memory_space<vmem>> -> memref<80xi32, #tpu.memory_space<vmem>>
        %dma_start3A_202 = arith.constant 0 : i32
        %dma_start3A_203 = arith.constant 0 : i32
        %dma_start3A_204 = tpu.memref_slice %arg2[%dma_start3A_202, %dma_start3A_203] : memref<10000x64xf32, #tpu.memory_space<hbm>> -> memref<10000x64xf32, #tpu.memory_space<hbm>>
        tpu.enqueue_indirect_dma source(%dma_start3A_204 : memref<10000x64xf32, #tpu.memory_space<hbm>>) target(%dma_start3A_200 : memref<80x64xf32, #tpu.memory_space<vmem>>) offsets(%dma_start3A_201 : memref<80xi32, #tpu.memory_space<vmem>>) semaphore(%arg10 : memref<!tpu.dma_semaphore, #tpu.memory_space<semaphore_mem>>)
      } else {
      }
      %mul3A_92 = arith.constant 5 : i32
      %mul3A_93 = arith.muli %scan3A_68, %mul3A_92 : i32
      %add3A_94 = arith.constant 1 : i32
      %add3A_95 = arith.addi %mul3A_93, %add3A_94 : i32
      %mul3A_96 = arith.constant 80 : i32
      %mul3A_97 = arith.muli %add3A_95, %mul3A_96 : i32
      %mul3A_98 = arith.constant 80 : i32
      %mul3A_99 = arith.muli %add3A_95, %mul3A_98 : i32
      %dma_wait3A_100 = arith.constant 1 : i32
      %dma_wait3A_101 = arith.constant 0 : i32
      %dma_wait3A_102 = arith.constant 0 : i32
      %dma_wait3A_103 = tpu.memref_slice %arg8[%dma_wait3A_100, %dma_wait3A_101, %dma_wait3A_102] : memref<5x80x64xf32, #tpu.memory_space<vmem>> -> memref<1x80x64xf32, #tpu.memory_space<vmem>>
      %dma_wait3A_104 = tpu.memref_squeeze %dma_wait3A_103 : memref<1x80x64xf32, #tpu.memory_space<vmem>> -> memref<80x64xf32, #tpu.memory_space<vmem>>
      %dma_wait3A_105 = tpu.memref_slice %arg6[%mul3A_99] : memref<10000xi32, #tpu.memory_space<vmem>> -> memref<80xi32, #tpu.memory_space<vmem>>
      %dma_wait3A_106 = arith.constant 0 : i32
      %dma_wait3A_107 = arith.constant 0 : i32
      %dma_wait3A_108 = tpu.memref_slice %arg2[%dma_wait3A_106, %dma_wait3A_107] : memref<10000x64xf32, #tpu.memory_space<hbm>> -> memref<10000x64xf32, #tpu.memory_space<hbm>>
      tpu.wait_indirect_dma semaphore(%arg11 : memref<!tpu.dma_semaphore, #tpu.memory_space<semaphore_mem>>) src(%dma_wait3A_108 : memref<10000x64xf32, #tpu.memory_space<hbm>>) dst(%dma_wait3A_104 : memref<80x64xf32, #tpu.memory_space<vmem>>)
      %run_scoped3A_109 = arith.constant 1 : i32
      "tpu.region"() ({
        %run_scoped3A_192 = tpu.sem_alloc : memref<!tpu.dma_semaphore, #tpu.memory_space<semaphore_mem>>
        %dma_start3A_193 = arith.constant 0 : i32
        %dma_start3A_194 = arith.constant 0 : i32
        %dma_start3A_195 = tpu.memref_slice %arg8[%run_scoped3A_109, %dma_start3A_193, %dma_start3A_194] : memref<5x80x64xf32, #tpu.memory_space<vmem>> -> memref<1x80x64xf32, #tpu.memory_space<vmem>>
        %dma_start3A_196 = tpu.memref_squeeze %dma_start3A_195 : memref<1x80x64xf32, #tpu.memory_space<vmem>> -> memref<80x64xf32, #tpu.memory_space<vmem>>
        %dma_start3A_197 = tpu.memref_slice %arg7[%mul3A_97] : memref<10000xi32, #tpu.memory_space<vmem>> -> memref<80xi32, #tpu.memory_space<vmem>>
        %dma_start3A_198 = arith.constant 0 : i32
        %dma_start3A_199 = arith.constant 0 : i32
        %dma_start3A_200 = tpu.memref_slice %arg9[%dma_start3A_198, %dma_start3A_199] : memref<10016x64xf32, #tpu.memory_space<vmem_shared>> -> memref<10016x64xf32, #tpu.memory_space<vmem_shared>>
        tpu.enqueue_indirect_dma source(%dma_start3A_196 : memref<80x64xf32, #tpu.memory_space<vmem>>) target(%dma_start3A_200 : memref<10016x64xf32, #tpu.memory_space<vmem_shared>>) offsets(%dma_start3A_197 : memref<80xi32, #tpu.memory_space<vmem>>) semaphore(%run_scoped3A_192 : memref<!tpu.dma_semaphore, #tpu.memory_space<semaphore_mem>>) {add = true}
        %dma_wait3A_201 = arith.constant 0 : i32
        %dma_wait3A_202 = arith.constant 0 : i32
        %dma_wait3A_203 = tpu.memref_slice %arg8[%run_scoped3A_109, %dma_wait3A_201, %dma_wait3A_202] : memref<5x80x64xf32, #tpu.memory_space<vmem>> -> memref<1x80x64xf32, #tpu.memory_space<vmem>>
        %dma_wait3A_204 = tpu.memref_squeeze %dma_wait3A_203 : memref<1x80x64xf32, #tpu.memory_space<vmem>> -> memref<80x64xf32, #tpu.memory_space<vmem>>
        %dma_wait3A_205 = tpu.memref_slice %arg7[%mul3A_97] : memref<10000xi32, #tpu.memory_space<vmem>> -> memref<80xi32, #tpu.memory_space<vmem>>
        %dma_wait3A_206 = arith.constant 0 : i32
        %dma_wait3A_207 = arith.constant 0 : i32
        %dma_wait3A_208 = tpu.memref_slice %arg9[%dma_wait3A_206, %dma_wait3A_207] : memref<10016x64xf32, #tpu.memory_space<vmem_shared>> -> memref<10016x64xf32, #tpu.memory_space<vmem_shared>>
        tpu.wait_indirect_dma semaphore(%run_scoped3A_192 : memref<!tpu.dma_semaphore, #tpu.memory_space<semaphore_mem>>) src(%dma_wait3A_204 : memref<80x64xf32, #tpu.memory_space<vmem>>) dst(%dma_wait3A_208 : memref<10016x64xf32, #tpu.memory_space<vmem_shared>>)
        tpu.yield
      }) : () -> ()
      %add3A_110 = arith.constant 5 : i32
      %add3A_111 = arith.addi %add3A_95, %add3A_110 : i32
      %lt3A_112 = arith.constant 125 : i32
      %lt3A_113 = arith.cmpi slt, %add3A_111, %lt3A_112 : i32
      %convert_element_type3A_114 = arith.extui %lt3A_113 : i1 to i32
      %cond3A_115 = arith.constant 0 : i32
      %cond3A_116 = arith.cmpi ne, %convert_element_type3A_114, %cond3A_115 : i32
      scf.if %cond3A_116 {
        %add3A_192 = arith.constant 5 : i32
        %add3A_193 = arith.addi %add3A_95, %add3A_192 : i32
        %mul3A_194 = arith.constant 80 : i32
        %mul3A_195 = arith.muli %add3A_193, %mul3A_194 : i32
        %dma_start3A_196 = arith.constant 1 : i32
        %dma_start3A_197 = arith.constant 0 : i32
        %dma_start3A_198 = arith.constant 0 : i32
        %dma_start3A_199 = tpu.memref_slice %arg8[%dma_start3A_196, %dma_start3A_197, %dma_start3A_198] : memref<5x80x64xf32, #tpu.memory_space<vmem>> -> memref<1x80x64xf32, #tpu.memory_space<vmem>>
        %dma_start3A_200 = tpu.memref_squeeze %dma_start3A_199 : memref<1x80x64xf32, #tpu.memory_space<vmem>> -> memref<80x64xf32, #tpu.memory_space<vmem>>
        %dma_start3A_201 = tpu.memref_slice %arg6[%mul3A_195] : memref<10000xi32, #tpu.memory_space<vmem>> -> memref<80xi32, #tpu.memory_space<vmem>>
        %dma_start3A_202 = arith.constant 0 : i32
        %dma_start3A_203 = arith.constant 0 : i32
        %dma_start3A_204 = tpu.memref_slice %arg2[%dma_start3A_202, %dma_start3A_203] : memref<10000x64xf32, #tpu.memory_space<hbm>> -> memref<10000x64xf32, #tpu.memory_space<hbm>>
        tpu.enqueue_indirect_dma source(%dma_start3A_204 : memref<10000x64xf32, #tpu.memory_space<hbm>>) target(%dma_start3A_200 : memref<80x64xf32, #tpu.memory_space<vmem>>) offsets(%dma_start3A_201 : memref<80xi32, #tpu.memory_space<vmem>>) semaphore(%arg11 : memref<!tpu.dma_semaphore, #tpu.memory_space<semaphore_mem>>)
      } else {
      }
      %mul3A_117 = arith.constant 5 : i32
      %mul3A_118 = arith.muli %scan3A_68, %mul3A_117 : i32
      %add3A_119 = arith.constant 2 : i32
      %add3A_120 = arith.addi %mul3A_118, %add3A_119 : i32
      %mul3A_121 = arith.constant 80 : i32
      %mul3A_122 = arith.muli %add3A_120, %mul3A_121 : i32
      %mul3A_123 = arith.constant 80 : i32
      %mul3A_124 = arith.muli %add3A_120, %mul3A_123 : i32
      %dma_wait3A_125 = arith.constant 2 : i32
      %dma_wait3A_126 = arith.constant 0 : i32
      %dma_wait3A_127 = arith.constant 0 : i32
      %dma_wait3A_128 = tpu.memref_slice %arg8[%dma_wait3A_125, %dma_wait3A_126, %dma_wait3A_127] : memref<5x80x64xf32, #tpu.memory_space<vmem>> -> memref<1x80x64xf32, #tpu.memory_space<vmem>>
      %dma_wait3A_129 = tpu.memref_squeeze %dma_wait3A_128 : memref<1x80x64xf32, #tpu.memory_space<vmem>> -> memref<80x64xf32, #tpu.memory_space<vmem>>
      %dma_wait3A_130 = tpu.memref_slice %arg6[%mul3A_124] : memref<10000xi32, #tpu.memory_space<vmem>> -> memref<80xi32, #tpu.memory_space<vmem>>
      %dma_wait3A_131 = arith.constant 0 : i32
      %dma_wait3A_132 = arith.constant 0 : i32
      %dma_wait3A_133 = tpu.memref_slice %arg2[%dma_wait3A_131, %dma_wait3A_132] : memref<10000x64xf32, #tpu.memory_space<hbm>> -> memref<10000x64xf32, #tpu.memory_space<hbm>>
      tpu.wait_indirect_dma semaphore(%arg12 : memref<!tpu.dma_semaphore, #tpu.memory_space<semaphore_mem>>) src(%dma_wait3A_133 : memref<10000x64xf32, #tpu.memory_space<hbm>>) dst(%dma_wait3A_129 : memref<80x64xf32, #tpu.memory_space<vmem>>)
      %run_scoped3A_134 = arith.constant 2 : i32
      "tpu.region"() ({
        %run_scoped3A_192 = tpu.sem_alloc : memref<!tpu.dma_semaphore, #tpu.memory_space<semaphore_mem>>
        %dma_start3A_193 = arith.constant 0 : i32
        %dma_start3A_194 = arith.constant 0 : i32
        %dma_start3A_195 = tpu.memref_slice %arg8[%run_scoped3A_134, %dma_start3A_193, %dma_start3A_194] : memref<5x80x64xf32, #tpu.memory_space<vmem>> -> memref<1x80x64xf32, #tpu.memory_space<vmem>>
        %dma_start3A_196 = tpu.memref_squeeze %dma_start3A_195 : memref<1x80x64xf32, #tpu.memory_space<vmem>> -> memref<80x64xf32, #tpu.memory_space<vmem>>
        %dma_start3A_197 = tpu.memref_slice %arg7[%mul3A_122] : memref<10000xi32, #tpu.memory_space<vmem>> -> memref<80xi32, #tpu.memory_space<vmem>>
        %dma_start3A_198 = arith.constant 0 : i32
        %dma_start3A_199 = arith.constant 0 : i32
        %dma_start3A_200 = tpu.memref_slice %arg9[%dma_start3A_198, %dma_start3A_199] : memref<10016x64xf32, #tpu.memory_space<vmem_shared>> -> memref<10016x64xf32, #tpu.memory_space<vmem_shared>>
        tpu.enqueue_indirect_dma source(%dma_start3A_196 : memref<80x64xf32, #tpu.memory_space<vmem>>) target(%dma_start3A_200 : memref<10016x64xf32, #tpu.memory_space<vmem_shared>>) offsets(%dma_start3A_197 : memref<80xi32, #tpu.memory_space<vmem>>) semaphore(%run_scoped3A_192 : memref<!tpu.dma_semaphore, #tpu.memory_space<semaphore_mem>>) {add = true}
        %dma_wait3A_201 = arith.constant 0 : i32
        %dma_wait3A_202 = arith.constant 0 : i32
        %dma_wait3A_203 = tpu.memref_slice %arg8[%run_scoped3A_134, %dma_wait3A_201, %dma_wait3A_202] : memref<5x80x64xf32, #tpu.memory_space<vmem>> -> memref<1x80x64xf32, #tpu.memory_space<vmem>>
        %dma_wait3A_204 = tpu.memref_squeeze %dma_wait3A_203 : memref<1x80x64xf32, #tpu.memory_space<vmem>> -> memref<80x64xf32, #tpu.memory_space<vmem>>
        %dma_wait3A_205 = tpu.memref_slice %arg7[%mul3A_122] : memref<10000xi32, #tpu.memory_space<vmem>> -> memref<80xi32, #tpu.memory_space<vmem>>
        %dma_wait3A_206 = arith.constant 0 : i32
        %dma_wait3A_207 = arith.constant 0 : i32
        %dma_wait3A_208 = tpu.memref_slice %arg9[%dma_wait3A_206, %dma_wait3A_207] : memref<10016x64xf32, #tpu.memory_space<vmem_shared>> -> memref<10016x64xf32, #tpu.memory_space<vmem_shared>>
        tpu.wait_indirect_dma semaphore(%run_scoped3A_192 : memref<!tpu.dma_semaphore, #tpu.memory_space<semaphore_mem>>) src(%dma_wait3A_204 : memref<80x64xf32, #tpu.memory_space<vmem>>) dst(%dma_wait3A_208 : memref<10016x64xf32, #tpu.memory_space<vmem_shared>>)
        tpu.yield
      }) : () -> ()
      %add3A_135 = arith.constant 5 : i32
      %add3A_136 = arith.addi %add3A_120, %add3A_135 : i32
      %lt3A_137 = arith.constant 125 : i32
      %lt3A_138 = arith.cmpi slt, %add3A_136, %lt3A_137 : i32
      %convert_element_type3A_139 = arith.extui %lt3A_138 : i1 to i32
      %cond3A_140 = arith.constant 0 : i32
      %cond3A_141 = arith.cmpi ne, %convert_element_type3A_139, %cond3A_140 : i32
      scf.if %cond3A_141 {
        %add3A_192 = arith.constant 5 : i32
        %add3A_193 = arith.addi %add3A_120, %add3A_192 : i32
        %mul3A_194 = arith.constant 80 : i32
        %mul3A_195 = arith.muli %add3A_193, %mul3A_194 : i32
        %dma_start3A_196 = arith.constant 2 : i32
        %dma_start3A_197 = arith.constant 0 : i32
        %dma_start3A_198 = arith.constant 0 : i32
        %dma_start3A_199 = tpu.memref_slice %arg8[%dma_start3A_196, %dma_start3A_197, %dma_start3A_198] : memref<5x80x64xf32, #tpu.memory_space<vmem>> -> memref<1x80x64xf32, #tpu.memory_space<vmem>>
        %dma_start3A_200 = tpu.memref_squeeze %dma_start3A_199 : memref<1x80x64xf32, #tpu.memory_space<vmem>> -> memref<80x64xf32, #tpu.memory_space<vmem>>
        %dma_start3A_201 = tpu.memref_slice %arg6[%mul3A_195] : memref<10000xi32, #tpu.memory_space<vmem>> -> memref<80xi32, #tpu.memory_space<vmem>>
        %dma_start3A_202 = arith.constant 0 : i32
        %dma_start3A_203 = arith.constant 0 : i32
        %dma_start3A_204 = tpu.memref_slice %arg2[%dma_start3A_202, %dma_start3A_203] : memref<10000x64xf32, #tpu.memory_space<hbm>> -> memref<10000x64xf32, #tpu.memory_space<hbm>>
        tpu.enqueue_indirect_dma source(%dma_start3A_204 : memref<10000x64xf32, #tpu.memory_space<hbm>>) target(%dma_start3A_200 : memref<80x64xf32, #tpu.memory_space<vmem>>) offsets(%dma_start3A_201 : memref<80xi32, #tpu.memory_space<vmem>>) semaphore(%arg12 : memref<!tpu.dma_semaphore, #tpu.memory_space<semaphore_mem>>)
      } else {
      }
      %mul3A_142 = arith.constant 5 : i32
      %mul3A_143 = arith.muli %scan3A_68, %mul3A_142 : i32
      %add3A_144 = arith.constant 3 : i32
      %add3A_145 = arith.addi %mul3A_143, %add3A_144 : i32
      %mul3A_146 = arith.constant 80 : i32
      %mul3A_147 = arith.muli %add3A_145, %mul3A_146 : i32
      %mul3A_148 = arith.constant 80 : i32
      %mul3A_149 = arith.muli %add3A_145, %mul3A_148 : i32
      %dma_wait3A_150 = arith.constant 3 : i32
      %dma_wait3A_151 = arith.constant 0 : i32
      %dma_wait3A_152 = arith.constant 0 : i32
      %dma_wait3A_153 = tpu.memref_slice %arg8[%dma_wait3A_150, %dma_wait3A_151, %dma_wait3A_152] : memref<5x80x64xf32, #tpu.memory_space<vmem>> -> memref<1x80x64xf32, #tpu.memory_space<vmem>>
      %dma_wait3A_154 = tpu.memref_squeeze %dma_wait3A_153 : memref<1x80x64xf32, #tpu.memory_space<vmem>> -> memref<80x64xf32, #tpu.memory_space<vmem>>
      %dma_wait3A_155 = tpu.memref_slice %arg6[%mul3A_149] : memref<10000xi32, #tpu.memory_space<vmem>> -> memref<80xi32, #tpu.memory_space<vmem>>
      %dma_wait3A_156 = arith.constant 0 : i32
      %dma_wait3A_157 = arith.constant 0 : i32
      %dma_wait3A_158 = tpu.memref_slice %arg2[%dma_wait3A_156, %dma_wait3A_157] : memref<10000x64xf32, #tpu.memory_space<hbm>> -> memref<10000x64xf32, #tpu.memory_space<hbm>>
      tpu.wait_indirect_dma semaphore(%arg13 : memref<!tpu.dma_semaphore, #tpu.memory_space<semaphore_mem>>) src(%dma_wait3A_158 : memref<10000x64xf32, #tpu.memory_space<hbm>>) dst(%dma_wait3A_154 : memref<80x64xf32, #tpu.memory_space<vmem>>)
      %run_scoped3A_159 = arith.constant 3 : i32
      "tpu.region"() ({
        %run_scoped3A_192 = tpu.sem_alloc : memref<!tpu.dma_semaphore, #tpu.memory_space<semaphore_mem>>
        %dma_start3A_193 = arith.constant 0 : i32
        %dma_start3A_194 = arith.constant 0 : i32
        %dma_start3A_195 = tpu.memref_slice %arg8[%run_scoped3A_159, %dma_start3A_193, %dma_start3A_194] : memref<5x80x64xf32, #tpu.memory_space<vmem>> -> memref<1x80x64xf32, #tpu.memory_space<vmem>>
        %dma_start3A_196 = tpu.memref_squeeze %dma_start3A_195 : memref<1x80x64xf32, #tpu.memory_space<vmem>> -> memref<80x64xf32, #tpu.memory_space<vmem>>
        %dma_start3A_197 = tpu.memref_slice %arg7[%mul3A_147] : memref<10000xi32, #tpu.memory_space<vmem>> -> memref<80xi32, #tpu.memory_space<vmem>>
        %dma_start3A_198 = arith.constant 0 : i32
        %dma_start3A_199 = arith.constant 0 : i32
        %dma_start3A_200 = tpu.memref_slice %arg9[%dma_start3A_198, %dma_start3A_199] : memref<10016x64xf32, #tpu.memory_space<vmem_shared>> -> memref<10016x64xf32, #tpu.memory_space<vmem_shared>>
        tpu.enqueue_indirect_dma source(%dma_start3A_196 : memref<80x64xf32, #tpu.memory_space<vmem>>) target(%dma_start3A_200 : memref<10016x64xf32, #tpu.memory_space<vmem_shared>>) offsets(%dma_start3A_197 : memref<80xi32, #tpu.memory_space<vmem>>) semaphore(%run_scoped3A_192 : memref<!tpu.dma_semaphore, #tpu.memory_space<semaphore_mem>>) {add = true}
        %dma_wait3A_201 = arith.constant 0 : i32
        %dma_wait3A_202 = arith.constant 0 : i32
        %dma_wait3A_203 = tpu.memref_slice %arg8[%run_scoped3A_159, %dma_wait3A_201, %dma_wait3A_202] : memref<5x80x64xf32, #tpu.memory_space<vmem>> -> memref<1x80x64xf32, #tpu.memory_space<vmem>>
        %dma_wait3A_204 = tpu.memref_squeeze %dma_wait3A_203 : memref<1x80x64xf32, #tpu.memory_space<vmem>> -> memref<80x64xf32, #tpu.memory_space<vmem>>
        %dma_wait3A_205 = tpu.memref_slice %arg7[%mul3A_147] : memref<10000xi32, #tpu.memory_space<vmem>> -> memref<80xi32, #tpu.memory_space<vmem>>
        %dma_wait3A_206 = arith.constant 0 : i32
        %dma_wait3A_207 = arith.constant 0 : i32
        %dma_wait3A_208 = tpu.memref_slice %arg9[%dma_wait3A_206, %dma_wait3A_207] : memref<10016x64xf32, #tpu.memory_space<vmem_shared>> -> memref<10016x64xf32, #tpu.memory_space<vmem_shared>>
        tpu.wait_indirect_dma semaphore(%run_scoped3A_192 : memref<!tpu.dma_semaphore, #tpu.memory_space<semaphore_mem>>) src(%dma_wait3A_204 : memref<80x64xf32, #tpu.memory_space<vmem>>) dst(%dma_wait3A_208 : memref<10016x64xf32, #tpu.memory_space<vmem_shared>>)
        tpu.yield
      }) : () -> ()
      %add3A_160 = arith.constant 5 : i32
      %add3A_161 = arith.addi %add3A_145, %add3A_160 : i32
      %lt3A_162 = arith.constant 125 : i32
      %lt3A_163 = arith.cmpi slt, %add3A_161, %lt3A_162 : i32
      %convert_element_type3A_164 = arith.extui %lt3A_163 : i1 to i32
      %cond3A_165 = arith.constant 0 : i32
      %cond3A_166 = arith.cmpi ne, %convert_element_type3A_164, %cond3A_165 : i32
      scf.if %cond3A_166 {
        %add3A_192 = arith.constant 5 : i32
        %add3A_193 = arith.addi %add3A_145, %add3A_192 : i32
        %mul3A_194 = arith.constant 80 : i32
        %mul3A_195 = arith.muli %add3A_193, %mul3A_194 : i32
        %dma_start3A_196 = arith.constant 3 : i32
        %dma_start3A_197 = arith.constant 0 : i32
        %dma_start3A_198 = arith.constant 0 : i32
        %dma_start3A_199 = tpu.memref_slice %arg8[%dma_start3A_196, %dma_start3A_197, %dma_start3A_198] : memref<5x80x64xf32, #tpu.memory_space<vmem>> -> memref<1x80x64xf32, #tpu.memory_space<vmem>>
        %dma_start3A_200 = tpu.memref_squeeze %dma_start3A_199 : memref<1x80x64xf32, #tpu.memory_space<vmem>> -> memref<80x64xf32, #tpu.memory_space<vmem>>
        %dma_start3A_201 = tpu.memref_slice %arg6[%mul3A_195] : memref<10000xi32, #tpu.memory_space<vmem>> -> memref<80xi32, #tpu.memory_space<vmem>>
        %dma_start3A_202 = arith.constant 0 : i32
        %dma_start3A_203 = arith.constant 0 : i32
        %dma_start3A_204 = tpu.memref_slice %arg2[%dma_start3A_202, %dma_start3A_203] : memref<10000x64xf32, #tpu.memory_space<hbm>> -> memref<10000x64xf32, #tpu.memory_space<hbm>>
        tpu.enqueue_indirect_dma source(%dma_start3A_204 : memref<10000x64xf32, #tpu.memory_space<hbm>>) target(%dma_start3A_200 : memref<80x64xf32, #tpu.memory_space<vmem>>) offsets(%dma_start3A_201 : memref<80xi32, #tpu.memory_space<vmem>>) semaphore(%arg13 : memref<!tpu.dma_semaphore, #tpu.memory_space<semaphore_mem>>)
      } else {
      }
      %mul3A_167 = arith.constant 5 : i32
      %mul3A_168 = arith.muli %scan3A_68, %mul3A_167 : i32
      %add3A_169 = arith.constant 4 : i32
      %add3A_170 = arith.addi %mul3A_168, %add3A_169 : i32
      %mul3A_171 = arith.constant 80 : i32
      %mul3A_172 = arith.muli %add3A_170, %mul3A_171 : i32
      %mul3A_173 = arith.constant 80 : i32
      %mul3A_174 = arith.muli %add3A_170, %mul3A_173 : i32
      %dma_wait3A_175 = arith.constant 4 : i32
      %dma_wait3A_176 = arith.constant 0 : i32
      %dma_wait3A_177 = arith.constant 0 : i32
      %dma_wait3A_178 = tpu.memref_slice %arg8[%dma_wait3A_175, %dma_wait3A_176, %dma_wait3A_177] : memref<5x80x64xf32, #tpu.memory_space<vmem>> -> memref<1x80x64xf32, #tpu.memory_space<vmem>>
      %dma_wait3A_179 = tpu.memref_squeeze %dma_wait3A_178 : memref<1x80x64xf32, #tpu.memory_space<vmem>> -> memref<80x64xf32, #tpu.memory_space<vmem>>
      %dma_wait3A_180 = tpu.memref_slice %arg6[%mul3A_174] : memref<10000xi32, #tpu.memory_space<vmem>> -> memref<80xi32, #tpu.memory_space<vmem>>
      %dma_wait3A_181 = arith.constant 0 : i32
      %dma_wait3A_182 = arith.constant 0 : i32
      %dma_wait3A_183 = tpu.memref_slice %arg2[%dma_wait3A_181, %dma_wait3A_182] : memref<10000x64xf32, #tpu.memory_space<hbm>> -> memref<10000x64xf32, #tpu.memory_space<hbm>>
      tpu.wait_indirect_dma semaphore(%arg14 : memref<!tpu.dma_semaphore, #tpu.memory_space<semaphore_mem>>) src(%dma_wait3A_183 : memref<10000x64xf32, #tpu.memory_space<hbm>>) dst(%dma_wait3A_179 : memref<80x64xf32, #tpu.memory_space<vmem>>)
      %run_scoped3A_184 = arith.constant 4 : i32
      "tpu.region"() ({
        %run_scoped3A_192 = tpu.sem_alloc : memref<!tpu.dma_semaphore, #tpu.memory_space<semaphore_mem>>
        %dma_start3A_193 = arith.constant 0 : i32
        %dma_start3A_194 = arith.constant 0 : i32
        %dma_start3A_195 = tpu.memref_slice %arg8[%run_scoped3A_184, %dma_start3A_193, %dma_start3A_194] : memref<5x80x64xf32, #tpu.memory_space<vmem>> -> memref<1x80x64xf32, #tpu.memory_space<vmem>>
        %dma_start3A_196 = tpu.memref_squeeze %dma_start3A_195 : memref<1x80x64xf32, #tpu.memory_space<vmem>> -> memref<80x64xf32, #tpu.memory_space<vmem>>
        %dma_start3A_197 = tpu.memref_slice %arg7[%mul3A_172] : memref<10000xi32, #tpu.memory_space<vmem>> -> memref<80xi32, #tpu.memory_space<vmem>>
        %dma_start3A_198 = arith.constant 0 : i32
        %dma_start3A_199 = arith.constant 0 : i32
        %dma_start3A_200 = tpu.memref_slice %arg9[%dma_start3A_198, %dma_start3A_199] : memref<10016x64xf32, #tpu.memory_space<vmem_shared>> -> memref<10016x64xf32, #tpu.memory_space<vmem_shared>>
        tpu.enqueue_indirect_dma source(%dma_start3A_196 : memref<80x64xf32, #tpu.memory_space<vmem>>) target(%dma_start3A_200 : memref<10016x64xf32, #tpu.memory_space<vmem_shared>>) offsets(%dma_start3A_197 : memref<80xi32, #tpu.memory_space<vmem>>) semaphore(%run_scoped3A_192 : memref<!tpu.dma_semaphore, #tpu.memory_space<semaphore_mem>>) {add = true}
        %dma_wait3A_201 = arith.constant 0 : i32
        %dma_wait3A_202 = arith.constant 0 : i32
        %dma_wait3A_203 = tpu.memref_slice %arg8[%run_scoped3A_184, %dma_wait3A_201, %dma_wait3A_202] : memref<5x80x64xf32, #tpu.memory_space<vmem>> -> memref<1x80x64xf32, #tpu.memory_space<vmem>>
        %dma_wait3A_204 = tpu.memref_squeeze %dma_wait3A_203 : memref<1x80x64xf32, #tpu.memory_space<vmem>> -> memref<80x64xf32, #tpu.memory_space<vmem>>
        %dma_wait3A_205 = tpu.memref_slice %arg7[%mul3A_172] : memref<10000xi32, #tpu.memory_space<vmem>> -> memref<80xi32, #tpu.memory_space<vmem>>
        %dma_wait3A_206 = arith.constant 0 : i32
        %dma_wait3A_207 = arith.constant 0 : i32
        %dma_wait3A_208 = tpu.memref_slice %arg9[%dma_wait3A_206, %dma_wait3A_207] : memref<10016x64xf32, #tpu.memory_space<vmem_shared>> -> memref<10016x64xf32, #tpu.memory_space<vmem_shared>>
        tpu.wait_indirect_dma semaphore(%run_scoped3A_192 : memref<!tpu.dma_semaphore, #tpu.memory_space<semaphore_mem>>) src(%dma_wait3A_204 : memref<80x64xf32, #tpu.memory_space<vmem>>) dst(%dma_wait3A_208 : memref<10016x64xf32, #tpu.memory_space<vmem_shared>>)
        tpu.yield
      }) : () -> ()
      %add3A_185 = arith.constant 5 : i32
      %add3A_186 = arith.addi %add3A_170, %add3A_185 : i32
      %lt3A_187 = arith.constant 125 : i32
      %lt3A_188 = arith.cmpi slt, %add3A_186, %lt3A_187 : i32
      %convert_element_type3A_189 = arith.extui %lt3A_188 : i1 to i32
      %cond3A_190 = arith.constant 0 : i32
      %cond3A_191 = arith.cmpi ne, %convert_element_type3A_189, %cond3A_190 : i32
      scf.if %cond3A_191 {
        %add3A_192 = arith.constant 5 : i32
        %add3A_193 = arith.addi %add3A_170, %add3A_192 : i32
        %mul3A_194 = arith.constant 80 : i32
        %mul3A_195 = arith.muli %add3A_193, %mul3A_194 : i32
        %dma_start3A_196 = arith.constant 4 : i32
        %dma_start3A_197 = arith.constant 0 : i32
        %dma_start3A_198 = arith.constant 0 : i32
        %dma_start3A_199 = tpu.memref_slice %arg8[%dma_start3A_196, %dma_start3A_197, %dma_start3A_198] : memref<5x80x64xf32, #tpu.memory_space<vmem>> -> memref<1x80x64xf32, #tpu.memory_space<vmem>>
        %dma_start3A_200 = tpu.memref_squeeze %dma_start3A_199 : memref<1x80x64xf32, #tpu.memory_space<vmem>> -> memref<80x64xf32, #tpu.memory_space<vmem>>
        %dma_start3A_201 = tpu.memref_slice %arg6[%mul3A_195] : memref<10000xi32, #tpu.memory_space<vmem>> -> memref<80xi32, #tpu.memory_space<vmem>>
        %dma_start3A_202 = arith.constant 0 : i32
        %dma_start3A_203 = arith.constant 0 : i32
        %dma_start3A_204 = tpu.memref_slice %arg2[%dma_start3A_202, %dma_start3A_203] : memref<10000x64xf32, #tpu.memory_space<hbm>> -> memref<10000x64xf32, #tpu.memory_space<hbm>>
        tpu.enqueue_indirect_dma source(%dma_start3A_204 : memref<10000x64xf32, #tpu.memory_space<hbm>>) target(%dma_start3A_200 : memref<80x64xf32, #tpu.memory_space<vmem>>) offsets(%dma_start3A_201 : memref<80xi32, #tpu.memory_space<vmem>>) semaphore(%arg14 : memref<!tpu.dma_semaphore, #tpu.memory_space<semaphore_mem>>)
      } else {
      }
    }
    %scan3A_61 = arith.constant 25 : i32
    %barrier3A_62 = arith.constant 0 : index
    tpu.barrier barrier_id(%barrier3A_62)
    "tpu.region"() ({
      %run_scoped3A_68 = tpu.sem_alloc : memref<!tpu.dma_semaphore, #tpu.memory_space<semaphore_mem>>
      %dma_start3A_69 = arith.constant 0 : i32
      %dma_start3A_70 = tpu.memref_slice %arg5[%arg0, %mul3A_2, %dma_start3A_69] : memref<2x10000x64xf32, #tpu.memory_space<hbm>> -> memref<1x624x64xf32, #tpu.memory_space<hbm>>
      %dma_start3A_71 = tpu.memref_squeeze %dma_start3A_70 : memref<1x624x64xf32, #tpu.memory_space<hbm>> -> memref<624x64xf32, #tpu.memory_space<hbm>>
      %dma_start3A_72 = arith.constant 0 : i32
      %dma_start3A_73 = tpu.memref_slice %arg9[%mul3A_2, %dma_start3A_72] : memref<10016x64xf32, #tpu.memory_space<vmem_shared>> -> memref<624x64xf32, #tpu.memory_space<vmem_shared>>
      tpu.enqueue_dma source(%dma_start3A_73 : memref<624x64xf32, #tpu.memory_space<vmem_shared>>) target(%dma_start3A_71 : memref<624x64xf32, #tpu.memory_space<hbm>>) target_semaphore(%run_scoped3A_68 : memref<!tpu.dma_semaphore, #tpu.memory_space<semaphore_mem>>)
      %dma_wait3A = arith.constant 0 : i32
      %dma_wait3A_74 = tpu.memref_slice %arg5[%arg0, %mul3A_2, %dma_wait3A] : memref<2x10000x64xf32, #tpu.memory_space<hbm>> -> memref<1x624x64xf32, #tpu.memory_space<hbm>>
      %dma_wait3A_75 = tpu.memref_squeeze %dma_wait3A_74 : memref<1x624x64xf32, #tpu.memory_space<hbm>> -> memref<624x64xf32, #tpu.memory_space<hbm>>
      %dma_wait3A_76 = arith.constant 0 : i32
      %dma_wait3A_77 = tpu.memref_slice %arg9[%mul3A_2, %dma_wait3A_76] : memref<10016x64xf32, #tpu.memory_space<vmem_shared>> -> memref<624x64xf32, #tpu.memory_space<vmem_shared>>
      tpu.wait_dma2 semaphore(%run_scoped3A_68 : memref<!tpu.dma_semaphore, #tpu.memory_space<semaphore_mem>>) src(%dma_wait3A_77 : memref<624x64xf32, #tpu.memory_space<vmem_shared>>) dst(%dma_wait3A_75 : memref<624x64xf32, #tpu.memory_space<hbm>>)
      tpu.yield
    }) : () -> ()
    %eq3A_63 = arith.constant 0 : i32
    %eq3A_64 = arith.cmpi eq, %arg1, %eq3A_63 : i32
    %convert_element_type3A_65 = arith.extui %eq3A_64 : i1 to i32
    %cond3A_66 = arith.constant 0 : i32
    %cond3A_67 = arith.cmpi ne, %convert_element_type3A_65, %cond3A_66 : i32
    scf.if %cond3A_67 {
      "tpu.region"() ({
        %run_scoped3A_68 = tpu.sem_alloc : memref<!tpu.dma_semaphore, #tpu.memory_space<semaphore_mem>>
        %dma_start3A_69 = arith.constant 9984 : i32
        %dma_start3A_70 = arith.constant 0 : i32
        %dma_start3A_71 = tpu.memref_slice %arg5[%arg0, %dma_start3A_69, %dma_start3A_70] : memref<2x10000x64xf32, #tpu.memory_space<hbm>> -> memref<1x16x64xf32, #tpu.memory_space<hbm>>
        %dma_start3A_72 = tpu.memref_squeeze %dma_start3A_71 : memref<1x16x64xf32, #tpu.memory_space<hbm>> -> memref<16x64xf32, #tpu.memory_space<hbm>>
        %dma_start3A_73 = arith.constant 9984 : i32
        %dma_start3A_74 = arith.constant 0 : i32
        %dma_start3A_75 = tpu.memref_slice %arg9[%dma_start3A_73, %dma_start3A_74] : memref<10016x64xf32, #tpu.memory_space<vmem_shared>> -> memref<16x64xf32, #tpu.memory_space<vmem_shared>>
        tpu.enqueue_dma source(%dma_start3A_75 : memref<16x64xf32, #tpu.memory_space<vmem_shared>>) target(%dma_start3A_72 : memref<16x64xf32, #tpu.memory_space<hbm>>) target_semaphore(%run_scoped3A_68 : memref<!tpu.dma_semaphore, #tpu.memory_space<semaphore_mem>>)
        %dma_wait3A = arith.constant 9984 : i32
        %dma_wait3A_76 = arith.constant 0 : i32
        %dma_wait3A_77 = tpu.memref_slice %arg5[%arg0, %dma_wait3A, %dma_wait3A_76] : memref<2x10000x64xf32, #tpu.memory_space<hbm>> -> memref<1x16x64xf32, #tpu.memory_space<hbm>>
        %dma_wait3A_78 = tpu.memref_squeeze %dma_wait3A_77 : memref<1x16x64xf32, #tpu.memory_space<hbm>> -> memref<16x64xf32, #tpu.memory_space<hbm>>
        %dma_wait3A_79 = arith.constant 9984 : i32
        %dma_wait3A_80 = arith.constant 0 : i32
        %dma_wait3A_81 = tpu.memref_slice %arg9[%dma_wait3A_79, %dma_wait3A_80] : memref<10016x64xf32, #tpu.memory_space<vmem_shared>> -> memref<16x64xf32, #tpu.memory_space<vmem_shared>>
        tpu.wait_dma2 semaphore(%run_scoped3A_68 : memref<!tpu.dma_semaphore, #tpu.memory_space<semaphore_mem>>) src(%dma_wait3A_81 : memref<16x64xf32, #tpu.memory_space<vmem_shared>>) dst(%dma_wait3A_78 : memref<16x64xf32, #tpu.memory_space<hbm>>)
        tpu.yield
      }) : () -> ()
    } else {
    }
    return
  }
}

module attributes {stable_mosaic.version = 14 : i64} {
  func.func @_tc1_body(%arg0: i32, %arg1: memref<1000x128xf32, #tpu.memory_space<vmem>>, %arg2: memref<128x64xf32, #tpu.memory_space<vmem>>, %arg3: memref<128x64xf32, #tpu.memory_space<vmem>>, %arg4: memref<1000x64xf32, #tpu.memory_space<vmem>>, %arg5: memref<1000x64xf32, #tpu.memory_space<vmem>>) attributes {dimension_semantics = [#tpu.dimension_semantics<arbitrary>], iteration_bounds = array<i64: 10>, scalar_prefetch = 0 : i64, scratch_operands = 0 : i64, tpu.core_type = #tpu.core_type<tc>, window_params = [{transform_indices = @transform_0, window_bounds = array<i64: 1000, 128>}, {pipeline_mode = #tpu.pipeline_mode<synchronous>, transform_indices = @transform_1, window_bounds = array<i64: 128, 64>}, {pipeline_mode = #tpu.pipeline_mode<synchronous>, transform_indices = @transform_2, window_bounds = array<i64: 128, 64>}, {transform_indices = @transform_3, window_bounds = array<i64: 1000, 64>}, {transform_indices = @transform_4, window_bounds = array<i64: 1000, 64>}]} {
    %get3A = arith.constant 0 : index
    %get3A_0 = arith.constant 0 : index
    %get3A_1 = vector.load %arg1[%get3A, %get3A_0] : memref<1000x128xf32, #tpu.memory_space<vmem>>, vector<1000x128xf32>
    %add3A = arith.constant 1.000000e+00 : f32
    %add3A_2 = vector.broadcast %add3A : f32 to vector<1000x128xf32>
    %add3A_3 = arith.addf %get3A_1, %add3A_2 : vector<1000x128xf32>
    %log3A = math.log %add3A_3 : vector<1000x128xf32>
    %get3A_4 = arith.constant 0 : index
    %get3A_5 = arith.constant 0 : index
    %get3A_6 = vector.load %arg2[%get3A_4, %get3A_5] : memref<128x64xf32, #tpu.memory_space<vmem>>, vector<128x64xf32>
    %dot_general3A = arith.constant dense<0.000000e+00> : vector<1000x64xf32>
    %dot_general3A_7 = tpu.matmul %log3A, %get3A_6, %dot_general3A {dimension_numbers = #tpu.dot_dimension_numbers<[1], [0], [0], [1], [0, 0, 1, 1], [], []>, transpose_lhs_hint = false} : vector<1000x128xf32>, vector<128x64xf32>, vector<1000x64xf32> -> vector<1000x64xf32>
    %swap3A = arith.constant 0 : index
    %swap3A_8 = arith.constant 0 : index
    %swap3A_9 = vector.load %arg4[%swap3A, %swap3A_8] : memref<1000x64xf32, #tpu.memory_space<vmem>>, vector<1000x64xf32>
    tpu.vector_store %arg4[%swap3A, %swap3A_8], %dot_general3A_7 {strides = array<i32>} : memref<1000x64xf32, #tpu.memory_space<vmem>>, vector<1000x64xf32>,
    %get3A_10 = arith.constant 0 : index
    %get3A_11 = arith.constant 0 : index
    %get3A_12 = vector.load %arg3[%get3A_10, %get3A_11] : memref<128x64xf32, #tpu.memory_space<vmem>>, vector<128x64xf32>
    %dot_general3A_13 = arith.constant dense<0.000000e+00> : vector<1000x64xf32>
    %dot_general3A_14 = tpu.matmul %log3A, %get3A_12, %dot_general3A_13 {dimension_numbers = #tpu.dot_dimension_numbers<[1], [0], [0], [1], [0, 0, 1, 1], [], []>, transpose_lhs_hint = false} : vector<1000x128xf32>, vector<128x64xf32>, vector<1000x64xf32> -> vector<1000x64xf32>
    %swap3A_15 = arith.constant 0 : index
    %swap3A_16 = arith.constant 0 : index
    %swap3A_17 = vector.load %arg5[%swap3A_15, %swap3A_16] : memref<1000x64xf32, #tpu.memory_space<vmem>>, vector<1000x64xf32>
    tpu.vector_store %arg5[%swap3A_15, %swap3A_16], %dot_general3A_14 {strides = array<i32>} : memref<1000x64xf32, #tpu.memory_space<vmem>>, vector<1000x64xf32>,
    return
  }
  func.func @transform_0(%arg0: i32) -> (i32, i32) {
    %c0_i32 = arith.constant 0 : i32
    %c0_i32_0 = arith.constant 0 : i32
    return %arg0, %c0_i32 : i32, i32
  }
  func.func @transform_1(%arg0: i32) -> (i32, i32) {
    %c0_i32 = arith.constant 0 : i32
    %c0_i32_0 = arith.constant 0 : i32
    %c0_i32_1 = arith.constant 0 : i32
    return %c0_i32, %c0_i32_0 : i32, i32
  }
  func.func @transform_2(%arg0: i32) -> (i32, i32) {
    %c0_i32 = arith.constant 0 : i32
    %c0_i32_0 = arith.constant 0 : i32
    %c0_i32_1 = arith.constant 0 : i32
    return %c0_i32, %c0_i32_0 : i32, i32
  }
  func.func @transform_3(%arg0: i32) -> (i32, i32) {
    %c0_i32 = arith.constant 0 : i32
    %c0_i32_0 = arith.constant 0 : i32
    return %arg0, %c0_i32 : i32, i32
  }
  func.func @transform_4(%arg0: i32) -> (i32, i32) {
    %c0_i32 = arith.constant 0 : i32
    %c0_i32_0 = arith.constant 0 : i32
    return %arg0, %c0_i32 : i32, i32
  }
}

module attributes {stable_mosaic.version = 14 : i64} {
  func.func @_tc2_body(%arg0: i32, %arg1: memref<2x1000x64xf32, #tpu.memory_space<vmem>>, %arg2: memref<2x1000x16xf32, #tpu.memory_space<vmem>>, %arg3: memref<1000x64xf32, #tpu.memory_space<vmem>>, %arg4: memref<1x64xf32, #tpu.memory_space<vmem>>, %arg5: memref<64x64xf32, #tpu.memory_space<vmem>>, %arg6: memref<64x64xf32, #tpu.memory_space<vmem>>, %arg7: memref<1000x64xf32, #tpu.memory_space<vmem>>, %arg8: memref<1000x64xf32, #tpu.memory_space<vmem>>, %arg9: memref<1000x1xf32, #tpu.memory_space<vmem>>) attributes {dimension_semantics = [#tpu.dimension_semantics<arbitrary>], iteration_bounds = array<i64: 10>, scalar_prefetch = 0 : i64, scratch_operands = 0 : i64, tpu.core_type = #tpu.core_type<tc>, window_params = [{transform_indices = @transform_0, window_bounds = array<i64: 2, 1000, 64>}, {transform_indices = @transform_1, window_bounds = array<i64: 2, 1000, 16>}, {transform_indices = @transform_2, window_bounds = array<i64: 1000, 64>}, {pipeline_mode = #tpu.pipeline_mode<synchronous>, transform_indices = @transform_3, window_bounds = array<i64: 1, 64>}, {pipeline_mode = #tpu.pipeline_mode<synchronous>, transform_indices = @transform_4, window_bounds = array<i64: 64, 64>}, {pipeline_mode = #tpu.pipeline_mode<synchronous>, transform_indices = @transform_5, window_bounds = array<i64: 64, 64>}, {transform_indices = @transform_6, window_bounds = array<i64: 1000, 64>}, {transform_indices = @transform_7, window_bounds = array<i64: 1000, 64>}, {transform_indices = @transform_8, window_bounds = array<i64: 1000, 1>}]} {
    %get3A = arith.constant 0 : index
    %get3A_0 = arith.constant 0 : index
    %get3A_1 = arith.constant 0 : index
    %get3A_2 = vector.load %arg1[%get3A, %get3A_0, %get3A_1] : memref<2x1000x64xf32, #tpu.memory_space<vmem>>, vector<1x1000x64xf32>
    %get3A_3 = vector.shape_cast %get3A_2 : vector<1x1000x64xf32> to vector<1000x64xf32>
    %get3A_4 = arith.constant 1 : index
    %get3A_5 = arith.constant 0 : index
    %get3A_6 = arith.constant 0 : index
    %get3A_7 = vector.load %arg1[%get3A_4, %get3A_5, %get3A_6] : memref<2x1000x64xf32, #tpu.memory_space<vmem>>, vector<1x1000x64xf32>
    %get3A_8 = vector.shape_cast %get3A_7 : vector<1x1000x64xf32> to vector<1000x64xf32>
    %add3A = arith.addf %get3A_3, %get3A_8 : vector<1000x64xf32>
    %get3A_9 = arith.constant 0 : index
    %get3A_10 = arith.constant 0 : index
    %get3A_11 = arith.constant 0 : index
    %get3A_12 = vector.load %arg2[%get3A_9, %get3A_10, %get3A_11] : memref<2x1000x16xf32, #tpu.memory_space<vmem>>, vector<1x1000x1xf32>
    %get3A_13 = vector.shape_cast %get3A_12 : vector<1x1000x1xf32> to vector<1000x1xf32>
    %get3A_14 = arith.constant 1 : index
    %get3A_15 = arith.constant 0 : index
    %get3A_16 = arith.constant 0 : index
    %get3A_17 = vector.load %arg2[%get3A_14, %get3A_15, %get3A_16] : memref<2x1000x16xf32, #tpu.memory_space<vmem>>, vector<1x1000x1xf32>
    %get3A_18 = vector.shape_cast %get3A_17 : vector<1x1000x1xf32> to vector<1000x1xf32>
    %add3A_19 = arith.addf %get3A_13, %get3A_18 : vector<1000x1xf32>
    %max3A = arith.constant 1.000000e+00 : f32
    %max3A_20 = vector.broadcast %max3A : f32 to vector<1000x1xf32>
    %max3A_21 = arith.maximumf %add3A_19, %max3A_20 : vector<1000x1xf32>
    %div3A = arith.constant 1.000000e+00 : f32
    %div3A_22 = vector.broadcast %div3A : f32 to vector<1000x1xf32>
    %div3A_23 = arith.divf %div3A_22, %max3A_21 : vector<1000x1xf32>
    %get3A_24 = arith.constant 0 : index
    %get3A_25 = arith.constant 0 : index
    %get3A_26 = vector.load %arg3[%get3A_24, %get3A_25] : memref<1000x64xf32, #tpu.memory_space<vmem>>, vector<1000x64xf32>
    %mul3A = vector.broadcast %div3A_23 : vector<1000x1xf32> to vector<1000x64xf32>
    %mul3A_27 = arith.mulf %add3A, %mul3A : vector<1000x64xf32>
    %add3A_28 = arith.addf %get3A_26, %mul3A_27 : vector<1000x64xf32>
    %get3A_29 = arith.constant 0 : index
    %get3A_30 = arith.constant 0 : index
    %get3A_31 = vector.load %arg4[%get3A_29, %get3A_30] : memref<1x64xf32, #tpu.memory_space<vmem>>, vector<1x64xf32>
    %add3A_32 = vector.broadcast %get3A_31 : vector<1x64xf32> to vector<1000x64xf32>
    %add3A_33 = arith.addf %add3A_28, %add3A_32 : vector<1000x64xf32>
    %max3A_34 = arith.constant 0.000000e+00 : f32
    %max3A_35 = vector.broadcast %max3A_34 : f32 to vector<1000x64xf32>
    %max3A_36 = arith.maximumf %add3A_33, %max3A_35 : vector<1000x64xf32>
    %mul3A_37 = arith.mulf %max3A_36, %max3A_36 : vector<1000x64xf32>
    %reduce_sum3A = arith.constant dense<0.000000e+00> : vector<1000xf32>
    %reduce_sum3A_38 = vector.multi_reduction <add>, %mul3A_37, %reduce_sum3A [1] : vector<1000x64xf32> to vector<1000xf32>
    %broadcast_in_dim3A = vector.shape_cast %reduce_sum3A_38 : vector<1000xf32> to vector<1000x1xf32>
    %sqrt3A = math.sqrt %broadcast_in_dim3A : vector<1000x1xf32>
    %add3A_39 = arith.constant 9.99999996E-13 : f32
    %add3A_40 = vector.broadcast %add3A_39 : f32 to vector<1000x1xf32>
    %add3A_41 = arith.addf %sqrt3A, %add3A_40 : vector<1000x1xf32>
    %div3A_42 = vector.broadcast %add3A_41 : vector<1000x1xf32> to vector<1000x64xf32>
    %div3A_43 = arith.divf %max3A_36, %div3A_42 : vector<1000x64xf32>
    %get3A_44 = arith.constant 0 : index
    %get3A_45 = arith.constant 0 : index
    %get3A_46 = vector.load %arg5[%get3A_44, %get3A_45] : memref<64x64xf32, #tpu.memory_space<vmem>>, vector<64x64xf32>
    %dot_general3A = arith.constant dense<0.000000e+00> : vector<1000x64xf32>
    %dot_general3A_47 = tpu.matmul %div3A_43, %get3A_46, %dot_general3A {dimension_numbers = #tpu.dot_dimension_numbers<[1], [0], [0], [1], [0, 0, 1, 1], [], []>, transpose_lhs_hint = false} : vector<1000x64xf32>, vector<64x64xf32>, vector<1000x64xf32> -> vector<1000x64xf32>
    %swap3A = arith.constant 0 : index
    %swap3A_48 = arith.constant 0 : index
    %swap3A_49 = vector.load %arg7[%swap3A, %swap3A_48] : memref<1000x64xf32, #tpu.memory_space<vmem>>, vector<1000x64xf32>
    tpu.vector_store %arg7[%swap3A, %swap3A_48], %dot_general3A_47 {strides = array<i32>} : memref<1000x64xf32, #tpu.memory_space<vmem>>, vector<1000x64xf32>,
    %get3A_50 = arith.constant 0 : index
    %get3A_51 = arith.constant 0 : index
    %get3A_52 = vector.load %arg6[%get3A_50, %get3A_51] : memref<64x64xf32, #tpu.memory_space<vmem>>, vector<64x64xf32>
    %dot_general3A_53 = arith.constant dense<0.000000e+00> : vector<1000x64xf32>
    %dot_general3A_54 = tpu.matmul %div3A_43, %get3A_52, %dot_general3A_53 {dimension_numbers = #tpu.dot_dimension_numbers<[1], [0], [0], [1], [0, 0, 1, 1], [], []>, transpose_lhs_hint = false} : vector<1000x64xf32>, vector<64x64xf32>, vector<1000x64xf32> -> vector<1000x64xf32>
    %swap3A_55 = arith.constant 0 : index
    %swap3A_56 = arith.constant 0 : index
    %swap3A_57 = vector.load %arg8[%swap3A_55, %swap3A_56] : memref<1000x64xf32, #tpu.memory_space<vmem>>, vector<1000x64xf32>
    tpu.vector_store %arg8[%swap3A_55, %swap3A_56], %dot_general3A_54 {strides = array<i32>} : memref<1000x64xf32, #tpu.memory_space<vmem>>, vector<1000x64xf32>,
    %swap3A_58 = arith.constant 0 : index
    %swap3A_59 = arith.constant 0 : index
    %swap3A_60 = vector.load %arg9[%swap3A_58, %swap3A_59] : memref<1000x1xf32, #tpu.memory_space<vmem>>, vector<1000x1xf32>
    tpu.vector_store %arg9[%swap3A_58, %swap3A_59], %div3A_23 {strides = array<i32>} : memref<1000x1xf32, #tpu.memory_space<vmem>>, vector<1000x1xf32>,
    return
  }
  func.func @transform_0(%arg0: i32) -> (i32, i32, i32) {
    %c0_i32 = arith.constant 0 : i32
    %c0_i32_0 = arith.constant 0 : i32
    %c0_i32_1 = arith.constant 0 : i32
    return %c0_i32, %arg0, %c0_i32_0 : i32, i32, i32
  }
  func.func @transform_1(%arg0: i32) -> (i32, i32, i32) {
    %c0_i32 = arith.constant 0 : i32
    %c0_i32_0 = arith.constant 0 : i32
    %c0_i32_1 = arith.constant 0 : i32
    return %c0_i32, %arg0, %c0_i32_0 : i32, i32, i32
  }
  func.func @transform_2(%arg0: i32) -> (i32, i32) {
    %c0_i32 = arith.constant 0 : i32
    %c0_i32_0 = arith.constant 0 : i32
    return %arg0, %c0_i32 : i32, i32
  }
  func.func @transform_3(%arg0: i32) -> (i32, i32) {
    %c0_i32 = arith.constant 0 : i32
    %c0_i32_0 = arith.constant 0 : i32
    %c0_i32_1 = arith.constant 0 : i32
    return %c0_i32, %c0_i32_0 : i32, i32
  }
  func.func @transform_4(%arg0: i32) -> (i32, i32) {
    %c0_i32 = arith.constant 0 : i32
    %c0_i32_0 = arith.constant 0 : i32
    %c0_i32_1 = arith.constant 0 : i32
    return %c0_i32, %c0_i32_0 : i32, i32
  }
  func.func @transform_5(%arg0: i32) -> (i32, i32) {
    %c0_i32 = arith.constant 0 : i32
    %c0_i32_0 = arith.constant 0 : i32
    %c0_i32_1 = arith.constant 0 : i32
    return %c0_i32, %c0_i32_0 : i32, i32
  }
  func.func @transform_6(%arg0: i32) -> (i32, i32) {
    %c0_i32 = arith.constant 0 : i32
    %c0_i32_0 = arith.constant 0 : i32
    return %arg0, %c0_i32 : i32, i32
  }
  func.func @transform_7(%arg0: i32) -> (i32, i32) {
    %c0_i32 = arith.constant 0 : i32
    %c0_i32_0 = arith.constant 0 : i32
    return %arg0, %c0_i32 : i32, i32
  }
  func.func @transform_8(%arg0: i32) -> (i32, i32) {
    %c0_i32 = arith.constant 0 : i32
    %c0_i32_0 = arith.constant 0 : i32
    return %arg0, %c0_i32 : i32, i32
  }
}

module attributes {stable_mosaic.version = 14 : i64} {
  func.func @_tc3_body(%arg0: i32, %arg1: memref<2x1000x64xf32, #tpu.memory_space<vmem>>, %arg2: memref<1000x64xf32, #tpu.memory_space<vmem>>, %arg3: memref<1000x1xf32, #tpu.memory_space<vmem>>, %arg4: memref<1x64xf32, #tpu.memory_space<vmem>>, %arg5: memref<64x64xf32, #tpu.memory_space<vmem>>, %arg6: memref<1x64xf32, #tpu.memory_space<vmem>>, %arg7: memref<64x64xf32, #tpu.memory_space<vmem>>, %arg8: memref<1x64xf32, #tpu.memory_space<vmem>>, %arg9: memref<1000x64xf32, #tpu.memory_space<vmem>>, %arg10: memref<1000x64xf32, #tpu.memory_space<vmem>>) attributes {dimension_semantics = [#tpu.dimension_semantics<arbitrary>], iteration_bounds = array<i64: 10>, scalar_prefetch = 0 : i64, scratch_operands = 0 : i64, tpu.core_type = #tpu.core_type<tc>, window_params = [{transform_indices = @transform_0, window_bounds = array<i64: 2, 1000, 64>}, {transform_indices = @transform_1, window_bounds = array<i64: 1000, 64>}, {transform_indices = @transform_2, window_bounds = array<i64: 1000, 1>}, {pipeline_mode = #tpu.pipeline_mode<synchronous>, transform_indices = @transform_3, window_bounds = array<i64: 1, 64>}, {pipeline_mode = #tpu.pipeline_mode<synchronous>, transform_indices = @transform_4, window_bounds = array<i64: 64, 64>}, {pipeline_mode = #tpu.pipeline_mode<synchronous>, transform_indices = @transform_5, window_bounds = array<i64: 1, 64>}, {pipeline_mode = #tpu.pipeline_mode<synchronous>, transform_indices = @transform_6, window_bounds = array<i64: 64, 64>}, {pipeline_mode = #tpu.pipeline_mode<synchronous>, transform_indices = @transform_7, window_bounds = array<i64: 1, 64>}, {transform_indices = @transform_8, window_bounds = array<i64: 1000, 64>}, {transform_indices = @transform_9, window_bounds = array<i64: 1000, 64>}]} {
    %get3A = arith.constant 0 : index
    %get3A_0 = arith.constant 0 : index
    %get3A_1 = arith.constant 0 : index
    %get3A_2 = vector.load %arg1[%get3A, %get3A_0, %get3A_1] : memref<2x1000x64xf32, #tpu.memory_space<vmem>>, vector<1x1000x64xf32>
    %get3A_3 = vector.shape_cast %get3A_2 : vector<1x1000x64xf32> to vector<1000x64xf32>
    %get3A_4 = arith.constant 1 : index
    %get3A_5 = arith.constant 0 : index
    %get3A_6 = arith.constant 0 : index
    %get3A_7 = vector.load %arg1[%get3A_4, %get3A_5, %get3A_6] : memref<2x1000x64xf32, #tpu.memory_space<vmem>>, vector<1x1000x64xf32>
    %get3A_8 = vector.shape_cast %get3A_7 : vector<1x1000x64xf32> to vector<1000x64xf32>
    %add3A = arith.addf %get3A_3, %get3A_8 : vector<1000x64xf32>
    %get3A_9 = arith.constant 0 : index
    %get3A_10 = arith.constant 0 : index
    %get3A_11 = vector.load %arg2[%get3A_9, %get3A_10] : memref<1000x64xf32, #tpu.memory_space<vmem>>, vector<1000x64xf32>
    %get3A_12 = arith.constant 0 : index
    %get3A_13 = arith.constant 0 : index
    %get3A_14 = vector.load %arg3[%get3A_12, %get3A_13] : memref<1000x1xf32, #tpu.memory_space<vmem>>, vector<1000x1xf32>
    %mul3A = vector.broadcast %get3A_14 : vector<1000x1xf32> to vector<1000x64xf32>
    %mul3A_15 = arith.mulf %add3A, %mul3A : vector<1000x64xf32>
    %add3A_16 = arith.addf %get3A_11, %mul3A_15 : vector<1000x64xf32>
    %get3A_17 = arith.constant 0 : index
    %get3A_18 = arith.constant 0 : index
    %get3A_19 = vector.load %arg4[%get3A_17, %get3A_18] : memref<1x64xf32, #tpu.memory_space<vmem>>, vector<1x64xf32>
    %add3A_20 = vector.broadcast %get3A_19 : vector<1x64xf32> to vector<1000x64xf32>
    %add3A_21 = arith.addf %add3A_16, %add3A_20 : vector<1000x64xf32>
    %max3A = arith.constant 0.000000e+00 : f32
    %max3A_22 = vector.broadcast %max3A : f32 to vector<1000x64xf32>
    %max3A_23 = arith.maximumf %add3A_21, %max3A_22 : vector<1000x64xf32>
    %mul3A_24 = arith.mulf %max3A_23, %max3A_23 : vector<1000x64xf32>
    %reduce_sum3A = arith.constant dense<0.000000e+00> : vector<1000xf32>
    %reduce_sum3A_25 = vector.multi_reduction <add>, %mul3A_24, %reduce_sum3A [1] : vector<1000x64xf32> to vector<1000xf32>
    %broadcast_in_dim3A = vector.shape_cast %reduce_sum3A_25 : vector<1000xf32> to vector<1000x1xf32>
    %sqrt3A = math.sqrt %broadcast_in_dim3A : vector<1000x1xf32>
    %add3A_26 = arith.constant 9.99999996E-13 : f32
    %add3A_27 = vector.broadcast %add3A_26 : f32 to vector<1000x1xf32>
    %add3A_28 = arith.addf %sqrt3A, %add3A_27 : vector<1000x1xf32>
    %div3A = vector.broadcast %add3A_28 : vector<1000x1xf32> to vector<1000x64xf32>
    %div3A_29 = arith.divf %max3A_23, %div3A : vector<1000x64xf32>
    %get3A_30 = arith.constant 0 : index
    %get3A_31 = arith.constant 0 : index
    %get3A_32 = vector.load %arg5[%get3A_30, %get3A_31] : memref<64x64xf32, #tpu.memory_space<vmem>>, vector<64x64xf32>
    %dot_general3A = arith.constant dense<0.000000e+00> : vector<1000x64xf32>
    %dot_general3A_33 = tpu.matmul %div3A_29, %get3A_32, %dot_general3A {dimension_numbers = #tpu.dot_dimension_numbers<[1], [0], [0], [1], [0, 0, 1, 1], [], []>, transpose_lhs_hint = false} : vector<1000x64xf32>, vector<64x64xf32>, vector<1000x64xf32> -> vector<1000x64xf32>
    %get3A_34 = arith.constant 0 : index
    %get3A_35 = arith.constant 0 : index
    %get3A_36 = vector.load %arg6[%get3A_34, %get3A_35] : memref<1x64xf32, #tpu.memory_space<vmem>>, vector<1x64xf32>
    %add3A_37 = vector.broadcast %get3A_36 : vector<1x64xf32> to vector<1000x64xf32>
    %add3A_38 = arith.addf %dot_general3A_33, %add3A_37 : vector<1000x64xf32>
    %swap3A = arith.constant 0 : index
    %swap3A_39 = arith.constant 0 : index
    %swap3A_40 = vector.load %arg9[%swap3A, %swap3A_39] : memref<1000x64xf32, #tpu.memory_space<vmem>>, vector<1000x64xf32>
    tpu.vector_store %arg9[%swap3A, %swap3A_39], %add3A_38 {strides = array<i32>} : memref<1000x64xf32, #tpu.memory_space<vmem>>, vector<1000x64xf32>,
    %get3A_41 = arith.constant 0 : index
    %get3A_42 = arith.constant 0 : index
    %get3A_43 = vector.load %arg7[%get3A_41, %get3A_42] : memref<64x64xf32, #tpu.memory_space<vmem>>, vector<64x64xf32>
    %dot_general3A_44 = arith.constant dense<0.000000e+00> : vector<1000x64xf32>
    %dot_general3A_45 = tpu.matmul %div3A_29, %get3A_43, %dot_general3A_44 {dimension_numbers = #tpu.dot_dimension_numbers<[1], [0], [0], [1], [0, 0, 1, 1], [], []>, transpose_lhs_hint = false} : vector<1000x64xf32>, vector<64x64xf32>, vector<1000x64xf32> -> vector<1000x64xf32>
    %get3A_46 = arith.constant 0 : index
    %get3A_47 = arith.constant 0 : index
    %get3A_48 = vector.load %arg8[%get3A_46, %get3A_47] : memref<1x64xf32, #tpu.memory_space<vmem>>, vector<1x64xf32>
    %add3A_49 = vector.broadcast %get3A_48 : vector<1x64xf32> to vector<1000x64xf32>
    %add3A_50 = arith.addf %dot_general3A_45, %add3A_49 : vector<1000x64xf32>
    %exp3A = math.exp %add3A_50 : vector<1000x64xf32>
    %swap3A_51 = arith.constant 0 : index
    %swap3A_52 = arith.constant 0 : index
    %swap3A_53 = vector.load %arg10[%swap3A_51, %swap3A_52] : memref<1000x64xf32, #tpu.memory_space<vmem>>, vector<1000x64xf32>
    tpu.vector_store %arg10[%swap3A_51, %swap3A_52], %exp3A {strides = array<i32>} : memref<1000x64xf32, #tpu.memory_space<vmem>>, vector<1000x64xf32>,
    return
  }
  func.func @transform_0(%arg0: i32) -> (i32, i32, i32) {
    %c0_i32 = arith.constant 0 : i32
    %c0_i32_0 = arith.constant 0 : i32
    %c0_i32_1 = arith.constant 0 : i32
    return %c0_i32, %arg0, %c0_i32_0 : i32, i32, i32
  }
  func.func @transform_1(%arg0: i32) -> (i32, i32) {
    %c0_i32 = arith.constant 0 : i32
    %c0_i32_0 = arith.constant 0 : i32
    return %arg0, %c0_i32 : i32, i32
  }
  func.func @transform_2(%arg0: i32) -> (i32, i32) {
    %c0_i32 = arith.constant 0 : i32
    %c0_i32_0 = arith.constant 0 : i32
    return %arg0, %c0_i32 : i32, i32
  }
  func.func @transform_3(%arg0: i32) -> (i32, i32) {
    %c0_i32 = arith.constant 0 : i32
    %c0_i32_0 = arith.constant 0 : i32
    %c0_i32_1 = arith.constant 0 : i32
    return %c0_i32, %c0_i32_0 : i32, i32
  }
  func.func @transform_4(%arg0: i32) -> (i32, i32) {
    %c0_i32 = arith.constant 0 : i32
    %c0_i32_0 = arith.constant 0 : i32
    %c0_i32_1 = arith.constant 0 : i32
    return %c0_i32, %c0_i32_0 : i32, i32
  }
  func.func @transform_5(%arg0: i32) -> (i32, i32) {
    %c0_i32 = arith.constant 0 : i32
    %c0_i32_0 = arith.constant 0 : i32
    %c0_i32_1 = arith.constant 0 : i32
    return %c0_i32, %c0_i32_0 : i32, i32
  }
  func.func @transform_6(%arg0: i32) -> (i32, i32) {
    %c0_i32 = arith.constant 0 : i32
    %c0_i32_0 = arith.constant 0 : i32
    %c0_i32_1 = arith.constant 0 : i32
    return %c0_i32, %c0_i32_0 : i32, i32
  }
  func.func @transform_7(%arg0: i32) -> (i32, i32) {
    %c0_i32 = arith.constant 0 : i32
    %c0_i32_0 = arith.constant 0 : i32
    %c0_i32_1 = arith.constant 0 : i32
    return %c0_i32, %c0_i32_0 : i32, i32
  }
  func.func @transform_8(%arg0: i32) -> (i32, i32) {
    %c0_i32 = arith.constant 0 : i32
    %c0_i32_0 = arith.constant 0 : i32
    return %arg0, %c0_i32 : i32, i32
  }
  func.func @transform_9(%arg0: i32) -> (i32, i32) {
    %c0_i32 = arith.constant 0 : i32
    %c0_i32_0 = arith.constant 0 : i32
    return %arg0, %c0_i32 : i32, i32
  }
}

</mosaic_0001>

<sc_bundles>
// kernel: kernel.10.cloned.1.call-start
scs
__scs_entry_jumppad:
0x0: {  	(pc) =	sbr.rel $0x88, $3  }
0x1: {  	(tag) =	ssettag $0x0;
	lr =	simm.s32 $0x1  }
0x2: {  	[smem:$0x3F95] =	sst lr;
	_ =	strace $0xD0000000  }
0x3: {  	_ = 	snop  }
0x4: {  	_ = 	snop  }
0x5: {  	_ = 	snop  }
0x6: {  	_ = 	snop  }
0x7: {  	_ = 	snop  }
__scs_overlays_trampoline_lowered:
0x8: {  	[smem:$0x3FA4] =	sst s0  }
0x9: {  	[smem:$0x3FA5] =	sst s1  }
0xa: {  	[smem:$0x3FA6] =	sst s2  }
0xb: {  	[smem:$0x3FA7] =	sst s3  }
0xc: {  	[smem:$0x3FA8] =	sst s4  }
0xd: {  	[smem:$0x3FA9] =	sst s5  }
0xe: {  	[smem:$0x3FAA] =	sst s6  }
0xf: {  	[smem:$0x3FAB] =	sst s7  }
0x10: {  	[smem:$0x3FAC] =	sst s8  }
0x11: {  	[smem:$0x3FAD] =	sst s9;
	s0 =	simm.s32 @!p0 $0x0  }
0x12: {  	s1 =	sld [smem:$0x3F93];
	s0 =	simm.s32 @p0 $0x1  }
0x13: {  	[smem:$0x3FAE] =	sst s0;
	s0 =	simm.s32 @!p1 $0x0  }
0x14: {  	s2 =	sld [smem:$0x3F92];
	s0 =	simm.s32 @p1 $0x1  }
0x15: {  	[smem:$0x3FAF] =	sst s0;
	s0 =	simm.s32 @!p2 $0x0  }
0x16: {  	s3 =	sld [smem:$0x3FDB];
	s0 =	simm.s32 @p2 $0x1  }
0x17: {  	s4 =	simm.s32 $0x1BF5;
	[smem:$0x3FB1] =	sst s0  }
0x18: {  	s0 =	sld [smem:$0x3F94];
	_ =	swait.ge [sflag:s4], $0x0  }
0x19: {  	s7 =	sld [smem:$0x3F95]  }
0x1a: {  	s8 =	sadd.s32 $0xFFFFE003, lr  }
0x1b: {  	s9 =	sadd.s32 $0xFFFFFEF7, lr;
	s5 =	simm.s32 $0xFFFFFFFF;
	p2 =	slt.u32 s8, $0xFFFFF086  }
0x1c: {  	p1 =	slt.u32 s9, $0xF7A;
	s5 =	simm.s32 @!p2 $0x0  }
0x1d: {  	s5 =	simm.s32 @p1 $0x1;
	p0 =	seq.s32 s7, s2  }
0x1e: {  	s7 =	smul.u32 @!p0 $0xF7A, s2;
	p2 =	seq.s32 @!p0 s5, $0x0  }
0x1f: {  	s9 =	smul.u32 $0xF7A, s1;
	s8 =	simm.s32 @!p0 $0x1BF5;
	p2 =	por !p2, p0  }
0x20: {  	[sflag:s8] =	ssyncset.s32 @!p0 $0xFFFFF086;
	s6 =	sadd.s32 @!p0 s3, s7;
	s7 =	simm.s32 @!p0 $0x108  }
0x21: {  	s3 =	sadd.s32 s3, s9;
	s6 =	sadd.s32 @!p0 $0x88, s6;
	s7 =	simm.s32 @p2 $0x1082  }
0x22: {  	[simem:s7], [sflag:s8] =	dma.local @!p0 [hbm:s6], $0xF7A  }
0x23: {  	s9 =	sor.u32 $0xD0000000, s2;
	s6 =	simm.s32 $0x108;
	_ =	swait.ge @!p0 [sflag:s8], $0x0  }
0x24: {  	s3 =	sadd.s32 $0x88, s3;
	s6 =	simm.s32 @!p1 $0x1082;
	[sflag:s4] =	ssyncset.s32 $0xFFFFF086  }
0x25: {  	[simem:s6], [sflag:s4] =	dma.local [hbm:s3], $0xF7A  }
0x26: {  	[smem:$0x3F95] =	sst s1;
	(tag) =	ssettag s2;
	_ =	strace s9  }
0x27: {  	s1 =	sld [smem:$0x3FA5]  }
0x28: {  	s2 =	sld [smem:$0x3FA6]  }
0x29: {  	s4 =	sld [smem:$0x3FA8]  }
0x2a: {  	p0 =	seq.s32 s5, $0x0;
	s5 =	sld [smem:$0x3FA9]  }
0x2b: {  	s6 =	sld [smem:$0x3FAA]  }
0x2c: {  	s7 =	sld [smem:$0x3FAB]  }
0x2d: {  	s3 =	simm.s32 $0x108;
	s8 =	sld [smem:$0x3FAC]  }
0x2e: {  	s3 =	simm.s32 @!p0 $0x1082;
	s9 =	sld [smem:$0x3FAD]  }
0x2f: {  	lr =	sadd.s32 s0, s3;
	s0 =	sld [smem:$0x3FA4]  }
0x30: {  	s3 =	sld [smem:$0x3FA7]  }
0x31: {  	[smem:$0x3FB0] =	sst s10  }
0x32: {  	s10 =	sld [smem:$0x3FAE];
	_ =	sdelay $0x3  }
0x33: {  	p0 =	seq.s32 s10, $0x1;
	s10 =	sld [smem:$0x3FB0];
	_ =	sdelay $0x3  }
0x34: {  	[smem:$0x3FB0] =	sst s10  }
0x35: {  	s10 =	sld [smem:$0x3FAF];
	_ =	sdelay $0x3  }
0x36: {  	p1 =	seq.s32 s10, $0x1;
	s10 =	sld [smem:$0x3FB0];
	_ =	sdelay $0x3  }
0x37: {  	[smem:$0x3FB0] =	sst s10  }
0x38: {  	s10 =	sld [smem:$0x3FB1]  }
0x39: {  	_ = 	snop;
	(pc) =	sbr.ind lr, $3  }
0x3a: {  	_ = 	snop  }
0x3b: {  	_ = 	snop  }
0x3c: {  	p2 =	seq.s32 s10, $0x1;
	s10 =	sld [smem:$0x3FB0]  }
0x3d: {  	_ =	shalt  }
0x3e: {  	_ =	shalt  }
0x3f: {  	_ =	shalt  }
0x40: {  	_ =	shalt  }
0x41: {  	_ =	shalt  }
0x42: {  	_ =	shalt  }
0x43: {  	_ =	shalt  }
0x44: {  	_ =	shalt  }
0x45: {  	_ =	shalt  }
0x46: {  	_ =	shalt  }
0x47: {  	_ =	shalt  }
0x48: {  	_ =	shalt  }
0x49: {  	_ =	shalt  }
0x4a: {  	_ =	shalt  }
0x4b: {  	_ =	shalt  }
0x4c: {  	_ =	shalt  }
0x4d: {  	_ =	shalt  }
0x4e: {  	_ =	shalt  }
0x4f: {  	_ =	shalt  }
0x50: {  	_ =	shalt  }
0x51: {  	_ =	shalt  }
0x52: {  	_ =	shalt  }
0x53: {  	_ =	shalt  }
0x54: {  	_ =	shalt  }
0x55: {  	_ =	shalt  }
0x56: {  	_ =	shalt  }
0x57: {  	_ =	shalt  }
0x58: {  	_ =	shalt  }
0x59: {  	_ =	shalt  }
0x5a: {  	_ =	shalt  }
0x5b: {  	_ =	shalt  }
0x5c: {  	_ =	shalt  }
0x5d: {  	_ =	shalt  }
0x5e: {  	_ =	shalt  }
0x5f: {  	_ =	shalt  }
0x60: {  	_ =	shalt  }
0x61: {  	_ =	shalt  }
0x62: {  	_ =	shalt  }
0x63: {  	_ =	shalt  }
0x64: {  	_ =	shalt  }
0x65: {  	_ =	shalt  }
0x66: {  	_ =	shalt  }
0x67: {  	_ =	shalt  }
0x68: {  	_ =	shalt  }
0x69: {  	_ =	shalt  }
0x6a: {  	_ =	shalt  }
0x6b: {  	_ =	shalt  }
0x6c: {  	_ =	shalt  }
0x6d: {  	_ =	shalt  }
0x6e: {  	_ =	shalt  }
0x6f: {  	_ =	shalt  }
0x70: {  	_ =	shalt  }
0x71: {  	_ =	shalt  }
0x72: {  	_ =	shalt  }
0x73: {  	_ =	shalt  }
0x74: {  	_ =	shalt  }
0x75: {  	_ =	shalt  }
0x76: {  	_ =	shalt  }
0x77: {  	_ =	shalt  }
0x78: {  	_ =	shalt  }
0x79: {  	_ =	shalt  }
0x7a: {  	_ =	shalt  }
0x7b: {  	_ =	shalt  }
0x7c: {  	_ =	shalt  }
0x7d: {  	_ =	shalt  }
0x7e: {  	_ =	shalt  }
0x7f: {  	_ =	shalt  }
0x80: {  	_ =	shalt  }
0x81: {  	_ =	shalt  }
0x82: {  	_ =	shalt  }
0x83: {  	_ =	shalt  }
0x84: {  	_ =	shalt  }
0x85: {  	_ =	shalt  }
0x86: {  	_ =	shalt  }
0x87: {  	_ =	shalt  }
.Lfunc_end0:
.L_simem_size_0:
called_computation.1_lowered:
.L_overlay_start_0:
0x88: {  	s2 =	sld [smem:$0x3FD9]  }
0x89: {  	s3 =	sld [smem:$0x3FFE];
	_ =	sdelay $0x1  }
0x8a: {  	s1 =	srdreg.scid  }
0x8b: {  	s0 =	sand.u32 $0x1, s1  }
0x8c: {  	s14 =	sshll.u32 s0, $0xA;
	s2 =	sadd.s32 s3, s2  }
0x8d: {  	s2 =	sadd.s32 s2, s14  }
0x8e: {  	[smem:$0x3FBC] =	sst s2  }
0x8f: {  	_ = 	snop  }
0x90: {  	s2 =	sld [smem:$0x3FD0];
	_ =	sdelay $0x2  }
0x91: {  	s15 =	simm.s32 $0xA;
	s4 =	simm.s32 $0x10  }
0x92: {  	[smem:s4], [sflag:s15] =	dma.local [hbm:s2], $0x1  }
0x93: {  	_ =	swait.eq [sflag:s15], $0x1  }
0x94: {  	[sflag:s15] =	ssyncset.done $0x0  }
0x95: {  	s16 =	sld [smem:$0x10];
	[sflag:s15] =	ssyncadd.s32 $0xFFFFFFFF  }
0x96: {  	s17 =	sld [smem:$0x11];
	(tm) =	ssettm $0x1  }
0x97: {  	s18 =	sld [smem:$0x3FFB];
	_ =	sdelay $0x3  }
0x98: {  	_ =	strace s18  }
0x99: {  	s4 =	sld [smem:$0x3FFC];
	_ =	sdelay $0x3  }
0x9a: {  	_ =	strace s4  }
0x9b: {  	s4 =	sld [smem:$0x3FFD];
	_ =	sdelay $0x3  }
0x9c: {  	_ =	strace s4  }
0x9d: {  	_ =	strace $0x8FFFFFFF  }
0x9e: {  	s19 =	sld [smem:$0x3FDB];
	_ =	sdelay $0x1  }
0x9f: {  	s5 =	simm.s32 $_scs_section_size  }
0xa0: {  	s6 =	simm.s32 $_size__tile_overlayer_lowered;
	s7 =	simm.s32 $_tile_overlayer_lowered  }
0xa1: {  	s22 =	simm.s32 $0x1BFF;
	s21 =	sshll.u32 s7, $0x1;
	s4 =	sadd.s32 s5, s19  }
0xa2: {  	s8 =	simm.s32 $0x0;
	s20 =	sshll.u32 s6, $0x1;
	s6 =	sadd.s32 s21, s4  }
0xa3: {  	[timem:s8], [sflag:s22] =	dma.local [hbm:s6], s20  }
0xa4: {  	_ =	swait.ge [sflag:s22], s20  }
0xa5: {  	s5 =	ssub.s32 $0x0, s20;
	[sflag:s22] =	ssyncset.done $0x0  }
0xa6: {  	[sflag:s22] =	ssyncadd.s32 s5;
	_ =	sdelay $0x1  }
0xa7: {  	s23 =	simm.s32 $0x1B8B  }
0xa8: {  	_ =	swait.ge [sflag:s23], $0x1  }
0xa9: {  	[sflag:s23] =	ssyncset.done $0x0  }
0xaa: {  	s25 =	simm.s32 $0x1B8E;
	s24 =	sld [smem:$0x3FFE];
	[sflag:s23] =	ssyncadd.s32 $0xFFFFFFFF  }
0xab: {  	s26 =	simm.s32 $execute0_lowered;
	[smem:$0x3FD2] =	sst s25  }
0xac: {  	s6 =	sshll.u32 s26, $0x1;
	_ =	strace $0x80000049;
	[dreg:$0x1] =	wrdreg $0xFFFFFFFF  }
0xad: {  	s28 =	simm.s32 $_size_execute0_lowered;
	s4 =	sadd.s32 s4, s6;
	[dreg:$0x0] =	wrdreg $0x0  }
0xae: {  	s6 =	sshll.u32 s28, $0x1;
	[dreg:$0x2] =	wrdreg s4  }
0xaf: {  	[dreg:$0x3] =	wrdreg s6  }
0xb0: {  	[dreg:$0x4] =	wrdreg $0xC0  }
0xb1: {  	_ =	task [dreg:s8], $0x5FFFF  }
0xb2: {  	[dreg:$0x1] =	wrdreg $0xFFFFFFFF  }
0xb3: {  	[dreg:$0x0] =	wrdreg $0x60  }
0xb4: {  	[dreg:$0x2] =	wrdreg s17  }
0xb5: {  	[dreg:$0x3] =	wrdreg s16  }
0xb6: {  	[dreg:$0x4] =	wrdreg s24  }
0xb7: {  	[dreg:$0x5] =	wrdreg $0xB2200  }
0xb8: {  	[dreg:$0x6] =	wrdreg $0x9  }
0xb9: {  	_ =	task.clear_ibuf [dreg:s8], $0x7FFFF;
	_ =	strace $0x90000049  }
0xba: {  	s29 =	simm.s32 $0x9;
	_ =	strace $0x8000004B  }
0xbb: {  	_ =	swait.ge [sflag:s29], $0x1  }
0xbc: {  	[sflag:s29] =	ssyncadd.s32 $0xFFFFFFFF  }
0xbd: {  	_ =	strace $0x9000004B  }
0xbe: {  	_ =	sfence  }
0xbf: {  	s30 =	sld [smem:$0x0];
	_ =	sdelay $0x2  }
0xc0: {  	s31 =	sshll.u32 s1, $0xD;
	s1 =	sshrl.u32 s1, $0x2  }
0xc1: {  	s3 =	sand.u32 $0x4000, s31;
	s1 =	sadd.s32 s1, s30  }
0xc2: {  	s0 =	sor.u32 s3, s0;
	s1 =	sshll.u32 s1, $0x11  }
0xc3: {  	s0 =	sor.u32 s1, s0  }
0xc4: {  	s0 =	sadd.s32 $0x8F2B, s0  }
0xc5: {  	[sflag:s0] =	ssyncadd.remote.s32 $0x1  }
0xc6: {  	_ =	sfence.sel $0xFFFF  }
0xc7: {  	[dreg:$0x0] =	wrdreg $0xFFFFFFFF;
	(pc) =	sbr.abs _section_cstart, $3  }
0xc8: {  	[dreg:$0x1] =	wrdreg $0xFFFFFFFF  }
0xc9: {  	_ =	task.clear_ibuf [dreg:s8], $0x2FFFF;
	_ =	strace $0x9FFFFFFF  }
0xca: {  	(tm) =	ssettm $0x7FFFFFFF  }
0xcb: {  	_ =	shalt  }
tec
execute0_lowered:
.L_overlay_start_1:
0x0: {  	(tag) =	ssettag $0x1  }
0x1: {  	s1 =	rddreg [dreg:$0x0]  }
0x2: {  	s0 =	rddreg [dreg:$0x1]  }
0x3: {  	s5 =	rddreg [dreg:$0x2]  }
0x4: {  	s2 =	rddreg [dreg:$0x3];
	s3 =	simm.s32 $0x0  }
0x5: {  	s4 =	srdreg.scid;
	s11 =	stileid.u32;
	s15 =	simm.s32 $0x50  }
0x6: {  	s16 =	simm.s32 $0x4E20;
	s17 =	simm.s32 $0x6220;
	s19 =	simm.s32 $0x7620  }
0x7: {  	s21 =	simm.s32 $0x8A20;
	s23 =	simm.s32 $0x9E20;
	s28 =	simm.s32 $0x4  }
0x8: {  	s29 =	simm.s32 $0x5;
	s18 =	simm.s32 $0x4DD0;
	s20 =	simm.s32 $0x0  }
0x9: {  	[smem:$0x7FF] =	sst s3;
	s6 =	sand.u32 $0x1, s4;
	s8 =	smul.u32 $0x9C00, s11  }
0xa: {  	s12 =	sadd.s32 $0x4000, s5;
	s24 =	sshll.u32 s11, $0x6;
	p0 =	sne.s32 s11, $0x0  }
0xb: {  	_ =	strace $0x8000004A;
	s4 =	sshll.u32 s6, $0x4;
	s7 =	ssub.s32 $0x2, s6  }
0xc: {  	s13 =	smul.u32 $0x9C400, s6;
	s9 =	sor.u32 s11, s4;
	s4 =	sadd.s32 $0x2C00, s5  }
0xd: {  	s10 =	sshrl.u32 s7, $0x1;
	s14 =	sadd.s32 s8, s2;
	s5 =	sor.u32 $0x1C06, s24  }
0xe: {  	s24 =	simm.s32 $0x1;
	s9 =	smul.u32 $0x2710, s9;
	s10 =	ssub.s32 s7, s10  }
0xf: {  	s26 =	sadd.s32 s8, s13;
	s30 =	sshrl.u32 s13, $0x3;
	s13 =	sadd.s32 $0x9C000, s2  }
0x10: {  	s11 =	sshrl.u32 s14, $0x3;
	s31 =	sadd.s32 s12, s30;
	s10 =	smax.u32 s10, $0x1  }
0x11: {  	s14 =	sshrl.u32 @!p0 s13, $0x3;
	s13 =	simm.s32 $0x4D80;
	s25 =	sshrl.u32 s9, $0x3  }
0x12: {  	s9 =	sadd.s32 $0x13800, s31;
	s6 =	sadd.s32 s0, s25;
	s0 =	sshrl.u32 s26, $0x3  }
0x13: {  	s25 =	simm.s32 $0x2;
	s26 =	simm.s32 $0x3;
	s7 =	sadd.s32 $0x9C40, s6  }
0x14: {  	s8 =	sadd.s32 s12, s0;
	s12 =	simm.s32 $0x6;
	s0 =	simm.s32 $0x4D30  }
.LBB2_1:
0x15: {  	[spmem:s11], [sflag:s5] =	dma.local [hbm:s4], $0x1380  }
0x16: {  	_ =	swait.ge [sflag:s12], $0x1380  }
0x17: {  	[sflag:s12] =	ssyncset.done $0x0  }
0x18: {  	[sflag:s12] =	ssyncadd.s32 $0xFFFFEC80  }
0x19: {  	[tilespmem:s3], [sflag:$0x6] =	stream.linear.gather [hbm4b:s6+s3], $0x2710, $0x38;
	[tilespmem:$0x14EA0] =	vst v63  }
0x1a: {  	_ =	swait.ge [sflag:s12], $0x2710  }
0x1b: {  	[sflag:s12] =	ssyncset.done $0x0  }
0x1c: {  	s22 =	simm.s32 $0x2710;
	[sflag:s12] =	ssyncadd.s32 $0xFFFFD8F0  }
0x1d: {  	[tilespmem:s22], [sflag:$0x6] =	stream.linear.gather [hbm4b:s7+s3], $0x2710, $0x38;
	[tilespmem:$0x14EA0] =	vst v63  }
0x1e: {  	_ =	swait.ge [sflag:s12], $0x2710  }
0x1f: {  	[sflag:s12] =	ssyncset.done $0x0  }
0x20: {  	s22 =	simm.s32 @!p0 $0x6;
	[sflag:s12] =	ssyncadd.s32 $0xFFFFD8F0  }
0x21: {  	[spmem:s14], [sflag:s5] =	dma.local @!p0 [hbm:s4], $0x80  }
0x22: {  	_ =	swait.ge @!p0 [sflag:s22], $0x80  }
0x23: {  	[sflag:s22] =	ssyncset.done @!p0 $0x0  }
0x24: {  	[sflag:s22] =	ssyncadd.s32 @!p0 $0xFFFFFF80  }
0x25: {  	[bflag:$0x0] =	sbarrier.arrive $0xFFFF  }
0x26: {  	[tilespmem:s16], [sflag:$0x1] =	stream.indirect.gather [hbm4b:s1+s15], $0x40, s3, s15, $0xb8;
	[tilespmem:$0x14EA0] =	vst v63  }
0x27: {  	_ = 	snop  }
0x28: {  	[tilespmem:s17], [sflag:$0x2] =	stream.indirect.gather [hbm4b:s1+s15], $0x40, s15, s15, $0xb8;
	[tilespmem:$0x14EA0] =	vst v63  }
0x29: {  	s31 =	simm.s32 $0xA0  }
0x2a: {  	[tilespmem:s19], [sflag:$0x3] =	stream.indirect.gather [hbm4b:s1+s15], $0x40, s31, s15, $0xb8;
	[tilespmem:$0x14EA0] =	vst v63  }
0x2b: {  	s31 =	simm.s32 $0xF0  }
0x2c: {  	[tilespmem:s21], [sflag:$0x4] =	stream.indirect.gather [hbm4b:s1+s15], $0x40, s31, s15, $0xb8;
	[tilespmem:$0x14EA0] =	vst v63  }
0x2d: {  	s31 =	simm.s32 $0x140  }
0x2e: {  	[tilespmem:s23], [sflag:$0x5] =	stream.indirect.gather [hbm4b:s1+s15], $0x40, s31, s15, $0xb8;
	[tilespmem:$0x14EA0] =	vst v63  }
0x2f: {  	_ =	swait.ge [sflag:s24], $0x1400  }
0x30: {  	[sflag:s24] =	ssyncset.done $0x0  }
0x31: {  	s31 =	simm.s32 $0x2710;
	[sflag:s24] =	ssyncadd.s32 $0xFFFFEC00  }
0x32: {  	[spmem:s2] =	stream.indirect.scatter.add.f32 [tilespmem:s16], [sflag:$0x6], $0x40, s31, s15, $0xb8;
	[tilespmem:$0x14EA0] =	vst v63  }
0x33: {  	_ =	swait.ge [sflag:s12], $0x1400  }
0x34: {  	[sflag:s12] =	ssyncset.done $0x0  }
0x35: {  	s31 =	simm.s32 $0x190;
	[sflag:s12] =	ssyncadd.s32 $0xFFFFEC00  }
0x36: {  	[tilespmem:s16], [sflag:$0x1] =	stream.indirect.gather [hbm4b:s1+s15], $0x40, s31, s15, $0xb8;
	[tilespmem:$0x14EA0] =	vst v63  }
0x37: {  	_ =	swait.ge [sflag:s25], $0x1400  }
0x38: {  	[sflag:s25] =	ssyncset.done $0x0  }
0x39: {  	s31 =	simm.s32 $0x2760;
	[sflag:s25] =	ssyncadd.s32 $0xFFFFEC00  }
0x3a: {  	[spmem:s2] =	stream.indirect.scatter.add.f32 [tilespmem:s17], [sflag:$0x6], $0x40, s31, s15, $0xb8;
	[tilespmem:$0x14EA0] =	vst v63  }
0x3b: {  	_ =	swait.ge [sflag:s12], $0x1400  }
0x3c: {  	[sflag:s12] =	ssyncset.done $0x0  }
0x3d: {  	s31 =	simm.s32 $0x1E0;
	[sflag:s12] =	ssyncadd.s32 $0xFFFFEC00  }
0x3e: {  	[tilespmem:s17], [sflag:$0x2] =	stream.indirect.gather [hbm4b:s1+s15], $0x40, s31, s15, $0xb8;
	[tilespmem:$0x14EA0] =	vst v63  }
0x3f: {  	_ =	swait.ge [sflag:s26], $0x1400  }
0x40: {  	[sflag:s26] =	ssyncset.done $0x0  }
0x41: {  	s31 =	simm.s32 $0x27B0;
	[sflag:s26] =	ssyncadd.s32 $0xFFFFEC00  }
0x42: {  	[spmem:s2] =	stream.indirect.scatter.add.f32 [tilespmem:s19], [sflag:$0x6], $0x40, s31, s15, $0xb8;
	[tilespmem:$0x14EA0] =	vst v63  }
0x43: {  	_ =	swait.ge [sflag:s12], $0x1400  }
0x44: {  	[sflag:s12] =	ssyncset.done $0x0  }
0x45: {  	s31 =	simm.s32 $0x230;
	[sflag:s12] =	ssyncadd.s32 $0xFFFFEC00  }
0x46: {  	[tilespmem:s19], [sflag:$0x3] =	stream.indirect.gather [hbm4b:s1+s15], $0x40, s31, s15, $0xb8;
	[tilespmem:$0x14EA0] =	vst v63  }
0x47: {  	_ =	swait.ge [sflag:s28], $0x1400  }
0x48: {  	[sflag:s28] =	ssyncset.done $0x0  }
0x49: {  	s31 =	simm.s32 $0x2800;
	[sflag:s28] =	ssyncadd.s32 $0xFFFFEC00  }
0x4a: {  	[spmem:s2] =	stream.indirect.scatter.add.f32 [tilespmem:s21], [sflag:$0x6], $0x40, s31, s15, $0xb8;
	[tilespmem:$0x14EA0] =	vst v63  }
0x4b: {  	_ =	swait.ge [sflag:s12], $0x1400  }
0x4c: {  	[sflag:s12] =	ssyncset.done $0x0  }
0x4d: {  	s31 =	simm.s32 $0x280;
	[sflag:s12] =	ssyncadd.s32 $0xFFFFEC00  }
0x4e: {  	[tilespmem:s21], [sflag:$0x4] =	stream.indirect.gather [hbm4b:s1+s15], $0x40, s31, s15, $0xb8;
	[tilespmem:$0x14EA0] =	vst v63  }
0x4f: {  	_ =	swait.ge [sflag:s29], $0x1400  }
0x50: {  	[sflag:s29] =	ssyncset.done $0x0  }
0x51: {  	s31 =	simm.s32 $0x2850;
	[sflag:s29] =	ssyncadd.s32 $0xFFFFEC00  }
0x52: {  	[spmem:s2] =	stream.indirect.scatter.add.f32 [tilespmem:s23], [sflag:$0x6], $0x40, s31, s15, $0xb8;
	[tilespmem:$0x14EA0] =	vst v63  }
0x53: {  	_ =	swait.ge [sflag:s12], $0x1400  }
0x54: {  	[sflag:s12] =	ssyncset.done $0x0  }
0x55: {  	s30 =	simm.s32 $0x2D0;
	s22 =	simm.s32 $0x640;
	[sflag:s12] =	ssyncadd.s32 $0xFFFFEC00  }
.LBB2_2:
0x56: {  	[tilespmem:s23], [sflag:$0x5] =	stream.indirect.gather [hbm4b:s1+s15], $0x40, s30, s15, $0xb8;
	[tilespmem:$0x14EA0] =	vst v63  }
0x57: {  	s30 =	smov.u32 s22  }
0x58: {  	p1 =	sne.s32 s22, $0x8FC0;
	s22 =	sadd.s32 $0x640, s22;
	_ =	swait.ge [sflag:s24], $0x1400  }
0x59: {  	s30 =	sshra.s32 s30, $0x2;
	[sflag:s24] =	ssyncset.done $0x0  }
0x5a: {  	s31 =	sadd.s32 $0x2710, s30;
	[sflag:s24] =	ssyncadd.s32 $0xFFFFEC00  }
0x5b: {  	[spmem:s2] =	stream.indirect.scatter.add.f32 [tilespmem:s16], [sflag:$0x6], $0x40, s31, s15, $0xb8;
	[tilespmem:$0x14EA0] =	vst v63  }
0x5c: {  	_ =	swait.ge [sflag:s12], $0x1400  }
0x5d: {  	[sflag:s12] =	ssyncset.done $0x0  }
0x5e: {  	s31 =	sadd.s32 $0x190, s30;
	[sflag:s12] =	ssyncadd.s32 $0xFFFFEC00  }
0x5f: {  	[tilespmem:s16], [sflag:$0x1] =	stream.indirect.gather [hbm4b:s1+s15], $0x40, s31, s15, $0xb8;
	[tilespmem:$0x14EA0] =	vst v63  }
0x60: {  	_ =	swait.ge [sflag:s25], $0x1400  }
0x61: {  	[sflag:s25] =	ssyncset.done $0x0  }
0x62: {  	s31 =	sadd.s32 $0x2760, s30;
	[sflag:s25] =	ssyncadd.s32 $0xFFFFEC00  }
0x63: {  	[spmem:s2] =	stream.indirect.scatter.add.f32 [tilespmem:s17], [sflag:$0x6], $0x40, s31, s15, $0xb8;
	[tilespmem:$0x14EA0] =	vst v63  }
0x64: {  	_ =	swait.ge [sflag:s12], $0x1400  }
0x65: {  	[sflag:s12] =	ssyncset.done $0x0  }
0x66: {  	s31 =	sadd.s32 $0x1E0, s30;
	[sflag:s12] =	ssyncadd.s32 $0xFFFFEC00  }
0x67: {  	[tilespmem:s17], [sflag:$0x2] =	stream.indirect.gather [hbm4b:s1+s15], $0x40, s31, s15, $0xb8;
	[tilespmem:$0x14EA0] =	vst v63  }
0x68: {  	_ =	swait.ge [sflag:s26], $0x1400  }
0x69: {  	[sflag:s26] =	ssyncset.done $0x0  }
0x6a: {  	s31 =	sadd.s32 $0x27B0, s30;
	[sflag:s26] =	ssyncadd.s32 $0xFFFFEC00  }
0x6b: {  	[spmem:s2] =	stream.indirect.scatter.add.f32 [tilespmem:s19], [sflag:$0x6], $0x40, s31, s15, $0xb8;
	[tilespmem:$0x14EA0] =	vst v63  }
0x6c: {  	_ =	swait.ge [sflag:s12], $0x1400  }
0x6d: {  	[sflag:s12] =	ssyncset.done $0x0  }
0x6e: {  	s31 =	sadd.s32 $0x230, s30;
	[sflag:s12] =	ssyncadd.s32 $0xFFFFEC00  }
0x6f: {  	[tilespmem:s19], [sflag:$0x3] =	stream.indirect.gather [hbm4b:s1+s15], $0x40, s31, s15, $0xb8;
	[tilespmem:$0x14EA0] =	vst v63  }
0x70: {  	_ =	swait.ge [sflag:s28], $0x1400  }
0x71: {  	[sflag:s28] =	ssyncset.done $0x0  }
0x72: {  	s31 =	sadd.s32 $0x2800, s30;
	[sflag:s28] =	ssyncadd.s32 $0xFFFFEC00  }
0x73: {  	[spmem:s2] =	stream.indirect.scatter.add.f32 [tilespmem:s21], [sflag:$0x6], $0x40, s31, s15, $0xb8;
	[tilespmem:$0x14EA0] =	vst v63  }
0x74: {  	_ =	swait.ge [sflag:s12], $0x1400  }
0x75: {  	[sflag:s12] =	ssyncset.done $0x0  }
0x76: {  	s31 =	sadd.s32 $0x280, s30;
	[sflag:s12] =	ssyncadd.s32 $0xFFFFEC00  }
0x77: {  	[tilespmem:s21], [sflag:$0x4] =	stream.indirect.gather [hbm4b:s1+s15], $0x40, s31, s15, $0xb8;
	[tilespmem:$0x14EA0] =	vst v63  }
0x78: {  	_ =	swait.ge [sflag:s29], $0x1400  }
0x79: {  	[sflag:s29] =	ssyncset.done $0x0  }
.Ltmp0:
0x7a: {  	s31 =	sadd.s32 $0x2850, s30;
	[sflag:s29] =	ssyncadd.s32 $0xFFFFEC00;
	(pc) =	sbr.rel @p1 .LBB2_2-.Ltmp0, $4  }
0x7b: {  	[spmem:s2] =	stream.indirect.scatter.add.f32 [tilespmem:s23], [sflag:$0x6], $0x40, s31, s15, $0xb8;
	[tilespmem:$0x14EA0] =	vst v63  }
0x7c: {  	_ =	swait.ge [sflag:s12], $0x1400  }
0x7d: {  	[sflag:s12] =	ssyncset.done $0x0  }
0x7e: {  	s30 =	sadd.s32 $0x2D0, s30;
	[sflag:s12] =	ssyncadd.s32 $0xFFFFEC00  }
0x7f: {  	[tilespmem:s23], [sflag:$0x5] =	stream.indirect.gather [hbm4b:s1+s15], $0x40, s30, s15, $0xb8;
	[tilespmem:$0x14EA0] =	vst v63  }
0x80: {  	_ =	swait.ge [sflag:s24], $0x1400  }
0x81: {  	[sflag:s24] =	ssyncset.done $0x0  }
0x82: {  	s22 =	simm.s32 $0x4C90;
	[sflag:s24] =	ssyncadd.s32 $0xFFFFEC00  }
0x83: {  	[spmem:s2] =	stream.indirect.scatter.add.f32 [tilespmem:s16], [sflag:$0x6], $0x40, s22, s15, $0xb8;
	[tilespmem:$0x14EA0] =	vst v63  }
0x84: {  	_ =	swait.ge [sflag:s12], $0x1400  }
0x85: {  	[sflag:s12] =	ssyncset.done $0x0  }
0x86: {  	[sflag:s12] =	ssyncadd.s32 $0xFFFFEC00  }
0x87: {  	_ =	swait.ge [sflag:s25], $0x1400  }
0x88: {  	[sflag:s25] =	ssyncset.done $0x0  }
0x89: {  	s31 =	simm.s32 $0x4CE0;
	[sflag:s25] =	ssyncadd.s32 $0xFFFFEC00  }
0x8a: {  	[spmem:s2] =	stream.indirect.scatter.add.f32 [tilespmem:s17], [sflag:$0x6], $0x40, s31, s15, $0xb8;
	[tilespmem:$0x14EA0] =	vst v63  }
0x8b: {  	_ =	swait.ge [sflag:s12], $0x1400  }
0x8c: {  	[sflag:s12] =	ssyncset.done $0x0  }
0x8d: {  	[sflag:s12] =	ssyncadd.s32 $0xFFFFEC00  }
0x8e: {  	_ =	swait.ge [sflag:s26], $0x1400  }
0x8f: {  	[sflag:s26] =	ssyncset.done $0x0  }
0x90: {  	[sflag:s26] =	ssyncadd.s32 $0xFFFFEC00  }
0x91: {  	[spmem:s2] =	stream.indirect.scatter.add.f32 [tilespmem:s19], [sflag:$0x6], $0x40, s0, s15, $0xb8;
	[tilespmem:$0x14EA0] =	vst v63  }
0x92: {  	_ =	swait.ge [sflag:s12], $0x1400  }
0x93: {  	[sflag:s12] =	ssyncset.done $0x0  }
0x94: {  	[sflag:s12] =	ssyncadd.s32 $0xFFFFEC00  }
0x95: {  	_ =	swait.ge [sflag:s28], $0x1400  }
0x96: {  	[sflag:s28] =	ssyncset.done $0x0  }
0x97: {  	[sflag:s28] =	ssyncadd.s32 $0xFFFFEC00  }
0x98: {  	[spmem:s2] =	stream.indirect.scatter.add.f32 [tilespmem:s21], [sflag:$0x6], $0x40, s13, s15, $0xb8;
	[tilespmem:$0x14EA0] =	vst v63  }
0x99: {  	_ =	swait.ge [sflag:s12], $0x1400  }
0x9a: {  	[sflag:s12] =	ssyncset.done $0x0  }
0x9b: {  	[sflag:s12] =	ssyncadd.s32 $0xFFFFEC00  }
0x9c: {  	_ =	swait.ge [sflag:s29], $0x1400  }
0x9d: {  	[sflag:s29] =	ssyncset.done $0x0  }
0x9e: {  	[sflag:s29] =	ssyncadd.s32 $0xFFFFEC00  }
0x9f: {  	[spmem:s2] =	stream.indirect.scatter.add.f32 [tilespmem:s23], [sflag:$0x6], $0x40, s18, s15, $0xb8;
	[tilespmem:$0x14EA0] =	vst v63  }
0xa0: {  	_ =	swait.ge [sflag:s12], $0x1400  }
0xa1: {  	[sflag:s12] =	ssyncset.done $0x0  }
0xa2: {  	[sflag:s12] =	ssyncadd.s32 $0xFFFFEC00  }
0xa3: {  	[bflag:$0x0] =	sbarrier.arrive $0xFFFF  }
0xa4: {  	[hbm:s8], [sflag:s5] =	dma.local [spmem:s11], $0x1380  }
0xa5: {  	s20 =	sadd.s32 $0x1, s20;
	_ =	swait.ge [sflag:s12], $0x1380  }
0xa6: {  	p1 =	sne.s32 s20, s10;
	[sflag:s12] =	ssyncset.done $0x0  }
.Ltmp1:
0xa7: {  	s22 =	simm.s32 @!p0 $0x6;
	[sflag:s12] =	ssyncadd.s32 $0xFFFFEC80;
	(pc) =	sbr.rel @p1 .LBB2_1-.Ltmp1, $4  }
0xa8: {  	[hbm:s9], [sflag:s5] =	dma.local @!p0 [spmem:s14], $0x80  }
0xa9: {  	_ =	swait.ge @!p0 [sflag:s22], $0x80  }
0xaa: {  	[sflag:s22] =	ssyncset.done @!p0 $0x0  }
0xab: {  	[sflag:s22] =	ssyncadd.s32 @!p0 $0xFFFFFF80  }
0xac: {  	_ =	sfence.sel $0x180000  }
0xad: {  	[bflag:$0x0] =	sbarrier.arrive $0xFFFF  }
0xae: {  	_ =	strace $0x9000004A  }
0xaf: {  	[bflag:$0x2] =	sbarrier.arrive $0xFFFF  }
0xb0: {  	s0 =	rddreg [dreg:$0x4]  }
0xb1: {  	s0 =	sadd.s32 @!p0 $0x100000, s0  }
0xb2: {  	[sflag:s0] =	ssyncadd.tile.s32 @!p0 $0x1;
	_ =	shalt  }
.Lfunc_end2:
_tile_overlayer_lowered:
.L_overlay_start_2:
0xb3: {  	(tag) =	ssettag $0x2  }
0xb4: {  	s0 =	rddreg [dreg:$0x0];
	s2 =	stileid.u32  }
0xb5: {  	s1 =	rddreg [dreg:$0x1];
	p0 =	sne.s32 s2, $0x0  }
0xb6: {  	s3 =	rddreg [dreg:$0x2];
	[bflag:$0x3] =	sbarrier.arrive $0xFFFF;
	s2 =	simm.s32 @!p0 $0x1C06  }
0xb7: {  	[timem:s3], [sflag:s2] =	dma.local @!p0 [hbm:s0], s1  }
0xb8: {  	s0 =	simm.s32 @!p0 $0x6  }
0xb9: {  	_ =	swait.ge @!p0 [sflag:s0], s1  }
0xba: {  	s1 =	ssub.s32 @!p0 $0x0, s1;
	[sflag:s0] =	ssyncset.done @!p0 $0x0  }
0xbb: {  	[sflag:s0] =	ssyncadd.s32 @!p0 s1  }
0xbc: {  	[bflag:$0x3] =	sbarrier.arrive $0xFFFF  }
0xbd: {  	_ =	shalt  }

// kernel: kernel.7.cloned.1.call-start
scs
__scs_entry_jumppad:
0x0: {  	(pc) =	sbr.rel $0x88, $3  }
0x1: {  	(tag) =	ssettag $0x0;
	lr =	simm.s32 $0x1  }
0x2: {  	[smem:$0x3F95] =	sst lr;
	_ =	strace $0xD0000000  }
0x3: {  	_ = 	snop  }
0x4: {  	_ = 	snop  }
0x5: {  	_ = 	snop  }
0x6: {  	_ = 	snop  }
0x7: {  	_ = 	snop  }
__scs_overlays_trampoline_lowered:
0x8: {  	[smem:$0x3FA4] =	sst s0  }
0x9: {  	[smem:$0x3FA5] =	sst s1  }
0xa: {  	[smem:$0x3FA6] =	sst s2  }
0xb: {  	[smem:$0x3FA7] =	sst s3  }
0xc: {  	[smem:$0x3FA8] =	sst s4  }
0xd: {  	[smem:$0x3FA9] =	sst s5  }
0xe: {  	[smem:$0x3FAA] =	sst s6  }
0xf: {  	[smem:$0x3FAB] =	sst s7  }
0x10: {  	[smem:$0x3FAC] =	sst s8  }
0x11: {  	[smem:$0x3FAD] =	sst s9;
	s0 =	simm.s32 @!p0 $0x0  }
0x12: {  	s1 =	sld [smem:$0x3F93];
	s0 =	simm.s32 @p0 $0x1  }
0x13: {  	[smem:$0x3FAE] =	sst s0;
	s0 =	simm.s32 @!p1 $0x0  }
0x14: {  	s2 =	sld [smem:$0x3F92];
	s0 =	simm.s32 @p1 $0x1  }
0x15: {  	[smem:$0x3FAF] =	sst s0;
	s0 =	simm.s32 @!p2 $0x0  }
0x16: {  	s3 =	sld [smem:$0x3FDB];
	s0 =	simm.s32 @p2 $0x1  }
0x17: {  	s4 =	simm.s32 $0x1BF5;
	[smem:$0x3FB1] =	sst s0  }
0x18: {  	s0 =	sld [smem:$0x3F94];
	_ =	swait.ge [sflag:s4], $0x0  }
0x19: {  	s7 =	sld [smem:$0x3F95]  }
0x1a: {  	s8 =	sadd.s32 $0xFFFFE003, lr  }
0x1b: {  	s9 =	sadd.s32 $0xFFFFFEF7, lr;
	s5 =	simm.s32 $0xFFFFFFFF;
	p2 =	slt.u32 s8, $0xFFFFF086  }
0x1c: {  	p1 =	slt.u32 s9, $0xF7A;
	s5 =	simm.s32 @!p2 $0x0  }
0x1d: {  	s5 =	simm.s32 @p1 $0x1;
	p0 =	seq.s32 s7, s2  }
0x1e: {  	s7 =	smul.u32 @!p0 $0xF7A, s2;
	p2 =	seq.s32 @!p0 s5, $0x0  }
0x1f: {  	s9 =	smul.u32 $0xF7A, s1;
	s8 =	simm.s32 @!p0 $0x1BF5;
	p2 =	por !p2, p0  }
0x20: {  	[sflag:s8] =	ssyncset.s32 @!p0 $0xFFFFF086;
	s6 =	sadd.s32 @!p0 s3, s7;
	s7 =	simm.s32 @!p0 $0x108  }
0x21: {  	s3 =	sadd.s32 s3, s9;
	s6 =	sadd.s32 @!p0 $0x88, s6;
	s7 =	simm.s32 @p2 $0x1082  }
0x22: {  	[simem:s7], [sflag:s8] =	dma.local @!p0 [hbm:s6], $0xF7A  }
0x23: {  	s9 =	sor.u32 $0xD0000000, s2;
	s6 =	simm.s32 $0x108;
	_ =	swait.ge @!p0 [sflag:s8], $0x0  }
0x24: {  	s3 =	sadd.s32 $0x88, s3;
	s6 =	simm.s32 @!p1 $0x1082;
	[sflag:s4] =	ssyncset.s32 $0xFFFFF086  }
0x25: {  	[simem:s6], [sflag:s4] =	dma.local [hbm:s3], $0xF7A  }
0x26: {  	[smem:$0x3F95] =	sst s1;
	(tag) =	ssettag s2;
	_ =	strace s9  }
0x27: {  	s1 =	sld [smem:$0x3FA5]  }
0x28: {  	s2 =	sld [smem:$0x3FA6]  }
0x29: {  	s4 =	sld [smem:$0x3FA8]  }
0x2a: {  	p0 =	seq.s32 s5, $0x0;
	s5 =	sld [smem:$0x3FA9]  }
0x2b: {  	s6 =	sld [smem:$0x3FAA]  }
0x2c: {  	s7 =	sld [smem:$0x3FAB]  }
0x2d: {  	s3 =	simm.s32 $0x108;
	s8 =	sld [smem:$0x3FAC]  }
0x2e: {  	s3 =	simm.s32 @!p0 $0x1082;
	s9 =	sld [smem:$0x3FAD]  }
0x2f: {  	lr =	sadd.s32 s0, s3;
	s0 =	sld [smem:$0x3FA4]  }
0x30: {  	s3 =	sld [smem:$0x3FA7]  }
0x31: {  	[smem:$0x3FB0] =	sst s10  }
0x32: {  	s10 =	sld [smem:$0x3FAE];
	_ =	sdelay $0x3  }
0x33: {  	p0 =	seq.s32 s10, $0x1;
	s10 =	sld [smem:$0x3FB0];
	_ =	sdelay $0x3  }
0x34: {  	[smem:$0x3FB0] =	sst s10  }
0x35: {  	s10 =	sld [smem:$0x3FAF];
	_ =	sdelay $0x3  }
0x36: {  	p1 =	seq.s32 s10, $0x1;
	s10 =	sld [smem:$0x3FB0];
	_ =	sdelay $0x3  }
0x37: {  	[smem:$0x3FB0] =	sst s10  }
0x38: {  	s10 =	sld [smem:$0x3FB1]  }
0x39: {  	_ = 	snop;
	(pc) =	sbr.ind lr, $3  }
0x3a: {  	_ = 	snop  }
0x3b: {  	_ = 	snop  }
0x3c: {  	p2 =	seq.s32 s10, $0x1;
	s10 =	sld [smem:$0x3FB0]  }
0x3d: {  	_ =	shalt  }
0x3e: {  	_ =	shalt  }
0x3f: {  	_ =	shalt  }
0x40: {  	_ =	shalt  }
0x41: {  	_ =	shalt  }
0x42: {  	_ =	shalt  }
0x43: {  	_ =	shalt  }
0x44: {  	_ =	shalt  }
0x45: {  	_ =	shalt  }
0x46: {  	_ =	shalt  }
0x47: {  	_ =	shalt  }
0x48: {  	_ =	shalt  }
0x49: {  	_ =	shalt  }
0x4a: {  	_ =	shalt  }
0x4b: {  	_ =	shalt  }
0x4c: {  	_ =	shalt  }
0x4d: {  	_ =	shalt  }
0x4e: {  	_ =	shalt  }
0x4f: {  	_ =	shalt  }
0x50: {  	_ =	shalt  }
0x51: {  	_ =	shalt  }
0x52: {  	_ =	shalt  }
0x53: {  	_ =	shalt  }
0x54: {  	_ =	shalt  }
0x55: {  	_ =	shalt  }
0x56: {  	_ =	shalt  }
0x57: {  	_ =	shalt  }
0x58: {  	_ =	shalt  }
0x59: {  	_ =	shalt  }
0x5a: {  	_ =	shalt  }
0x5b: {  	_ =	shalt  }
0x5c: {  	_ =	shalt  }
0x5d: {  	_ =	shalt  }
0x5e: {  	_ =	shalt  }
0x5f: {  	_ =	shalt  }
0x60: {  	_ =	shalt  }
0x61: {  	_ =	shalt  }
0x62: {  	_ =	shalt  }
0x63: {  	_ =	shalt  }
0x64: {  	_ =	shalt  }
0x65: {  	_ =	shalt  }
0x66: {  	_ =	shalt  }
0x67: {  	_ =	shalt  }
0x68: {  	_ =	shalt  }
0x69: {  	_ =	shalt  }
0x6a: {  	_ =	shalt  }
0x6b: {  	_ =	shalt  }
0x6c: {  	_ =	shalt  }
0x6d: {  	_ =	shalt  }
0x6e: {  	_ =	shalt  }
0x6f: {  	_ =	shalt  }
0x70: {  	_ =	shalt  }
0x71: {  	_ =	shalt  }
0x72: {  	_ =	shalt  }
0x73: {  	_ =	shalt  }
0x74: {  	_ =	shalt  }
0x75: {  	_ =	shalt  }
0x76: {  	_ =	shalt  }
0x77: {  	_ =	shalt  }
0x78: {  	_ =	shalt  }
0x79: {  	_ =	shalt  }
0x7a: {  	_ =	shalt  }
0x7b: {  	_ =	shalt  }
0x7c: {  	_ =	shalt  }
0x7d: {  	_ =	shalt  }
0x7e: {  	_ =	shalt  }
0x7f: {  	_ =	shalt  }
0x80: {  	_ =	shalt  }
0x81: {  	_ =	shalt  }
0x82: {  	_ =	shalt  }
0x83: {  	_ =	shalt  }
0x84: {  	_ =	shalt  }
0x85: {  	_ =	shalt  }
0x86: {  	_ =	shalt  }
0x87: {  	_ =	shalt  }
.Lfunc_end0:
.L_simem_size_0:
called_computation_lowered:
.L_overlay_start_0:
0x88: {  	s2 =	sld [smem:$0x3FD9]  }
0x89: {  	s3 =	sld [smem:$0x3FFE];
	_ =	sdelay $0x1  }
0x8a: {  	s1 =	srdreg.scid  }
0x8b: {  	s0 =	sand.u32 $0x1, s1  }
0x8c: {  	s14 =	sshll.u32 s0, $0xA;
	s2 =	sadd.s32 s3, s2  }
0x8d: {  	s2 =	sadd.s32 s2, s14  }
0x8e: {  	[smem:$0x3FBC] =	sst s2  }
0x8f: {  	_ = 	snop  }
0x90: {  	s2 =	sld [smem:$0x3FD0];
	_ =	sdelay $0x2  }
0x91: {  	s15 =	simm.s32 $0xA;
	s4 =	simm.s32 $0x10  }
0x92: {  	[smem:s4], [sflag:s15] =	dma.local [hbm:s2], $0x1  }
0x93: {  	_ =	swait.eq [sflag:s15], $0x1  }
0x94: {  	[sflag:s15] =	ssyncset.done $0x0  }
0x95: {  	s16 =	sld [smem:$0x10];
	[sflag:s15] =	ssyncadd.s32 $0xFFFFFFFF  }
0x96: {  	s17 =	sld [smem:$0x11];
	(tm) =	ssettm $0x1  }
0x97: {  	s18 =	sld [smem:$0x3FFB];
	_ =	sdelay $0x3  }
0x98: {  	_ =	strace s18  }
0x99: {  	s4 =	sld [smem:$0x3FFC];
	_ =	sdelay $0x3  }
0x9a: {  	_ =	strace s4  }
0x9b: {  	s4 =	sld [smem:$0x3FFD];
	_ =	sdelay $0x3  }
0x9c: {  	_ =	strace s4  }
0x9d: {  	_ =	strace $0x8FFFFFFF  }
0x9e: {  	s19 =	sld [smem:$0x3FDB];
	_ =	sdelay $0x1  }
0x9f: {  	s5 =	simm.s32 $_scs_section_size  }
0xa0: {  	s6 =	simm.s32 $_size__tile_overlayer_lowered;
	s7 =	simm.s32 $_tile_overlayer_lowered  }
0xa1: {  	s22 =	simm.s32 $0x1BFF;
	s21 =	sshll.u32 s7, $0x1;
	s4 =	sadd.s32 s5, s19  }
0xa2: {  	s8 =	simm.s32 $0x0;
	s20 =	sshll.u32 s6, $0x1;
	s6 =	sadd.s32 s21, s4  }
0xa3: {  	[timem:s8], [sflag:s22] =	dma.local [hbm:s6], s20  }
0xa4: {  	_ =	swait.ge [sflag:s22], s20  }
0xa5: {  	s5 =	ssub.s32 $0x0, s20;
	[sflag:s22] =	ssyncset.done $0x0  }
0xa6: {  	[sflag:s22] =	ssyncadd.s32 s5;
	_ =	sdelay $0x1  }
0xa7: {  	s23 =	simm.s32 $0x1B8B  }
0xa8: {  	_ =	swait.ge [sflag:s23], $0x1  }
0xa9: {  	[sflag:s23] =	ssyncset.done $0x0  }
0xaa: {  	s25 =	simm.s32 $0x1B8E;
	s24 =	sld [smem:$0x3FFE];
	[sflag:s23] =	ssyncadd.s32 $0xFFFFFFFF  }
0xab: {  	s26 =	simm.s32 $execute0_lowered;
	[smem:$0x3FD2] =	sst s25  }
0xac: {  	s6 =	sshll.u32 s26, $0x1;
	_ =	strace $0x80000046;
	[dreg:$0x1] =	wrdreg $0xFFFFFFFF  }
0xad: {  	s28 =	simm.s32 $_size_execute0_lowered;
	s4 =	sadd.s32 s4, s6;
	[dreg:$0x0] =	wrdreg $0x0  }
0xae: {  	s6 =	sshll.u32 s28, $0x1;
	[dreg:$0x2] =	wrdreg s4  }
0xaf: {  	[dreg:$0x3] =	wrdreg s6  }
0xb0: {  	[dreg:$0x4] =	wrdreg $0xC0  }
0xb1: {  	_ =	task [dreg:s8], $0x5FFFF  }
0xb2: {  	[dreg:$0x1] =	wrdreg $0xFFFFFFFF  }
0xb3: {  	[dreg:$0x0] =	wrdreg $0x60  }
0xb4: {  	[dreg:$0x2] =	wrdreg s17  }
0xb5: {  	[dreg:$0x3] =	wrdreg s16  }
0xb6: {  	[dreg:$0x4] =	wrdreg s24  }
0xb7: {  	[dreg:$0x5] =	wrdreg $0xB2200  }
0xb8: {  	[dreg:$0x6] =	wrdreg $0x153A00  }
0xb9: {  	[dreg:$0x7] =	wrdreg $0x9  }
0xba: {  	_ =	task.clear_ibuf [dreg:s8], $0x8FFFF;
	_ =	strace $0x90000046  }
0xbb: {  	s29 =	simm.s32 $0x9;
	_ =	strace $0x80000048  }
0xbc: {  	_ =	swait.ge [sflag:s29], $0x1  }
0xbd: {  	[sflag:s29] =	ssyncadd.s32 $0xFFFFFFFF  }
0xbe: {  	_ =	strace $0x90000048  }
0xbf: {  	_ =	sfence  }
0xc0: {  	s30 =	sld [smem:$0x0];
	_ =	sdelay $0x2  }
0xc1: {  	s31 =	sshll.u32 s1, $0xD;
	s1 =	sshrl.u32 s1, $0x2  }
0xc2: {  	s3 =	sand.u32 $0x4000, s31;
	s1 =	sadd.s32 s1, s30  }
0xc3: {  	s0 =	sor.u32 s3, s0;
	s1 =	sshll.u32 s1, $0x11  }
0xc4: {  	s0 =	sor.u32 s1, s0  }
0xc5: {  	s0 =	sadd.s32 $0x8F2B, s0  }
0xc6: {  	[sflag:s0] =	ssyncadd.remote.s32 $0x1  }
0xc7: {  	_ =	sfence.sel $0xFFFF  }
0xc8: {  	[dreg:$0x0] =	wrdreg $0xFFFFFFFF;
	(pc) =	sbr.abs _section_cstart, $3  }
0xc9: {  	[dreg:$0x1] =	wrdreg $0xFFFFFFFF  }
0xca: {  	_ =	task.clear_ibuf [dreg:s8], $0x2FFFF;
	_ =	strace $0x9FFFFFFF  }
0xcb: {  	(tm) =	ssettm $0x7FFFFFFF  }
tec
execute0_lowered:
.L_overlay_start_1:
0x0: {  	(tag) =	ssettag $0x1  }
0x1: {  	s1 =	rddreg [dreg:$0x0]  }
0x2: {  	s0 =	rddreg [dreg:$0x1]  }
0x3: {  	s7 =	rddreg [dreg:$0x2]  }
0x4: {  	s2 =	rddreg [dreg:$0x3]  }
0x5: {  	s3 =	rddreg [dreg:$0x4];
	s4 =	simm.s32 $0x0;
	s5 =	srdreg.scid  }
0x6: {  	s10 =	stileid.u32;
	s28 =	simm.s32 $0x8A20;
	s30 =	simm.s32 $0x9E20  }
0x7: {  	s31 =	simm.s32 $0x1;
	s29 =	simm.s32 $0x5;
	[smem:$0x7FF] =	sst s4  }
0x8: {  	s9 =	sand.u32 $0x1, s5;
	s5 =	sadd.s32 $0x2C00, s7;
	s6 =	sadd.s32 $0x2600, s7  }
0x9: {  	s11 =	sadd.s32 $0x4000, s7;
	s7 =	sadd.s32 $0x2B200, s7;
	s14 =	smul.u32 $0x9C00, s10  }
0xa: {  	s18 =	smul.u32 $0x2700, s10;
	s15 =	sshll.u32 s10, $0x6;
	s22 =	sadd.s32 $0x9C000, s2  }
0xb: {  	s23 =	sadd.s32 $0x27000, s3;
	p0 =	sne.s32 s10, $0x0;
	_ =	strace $0x80000047  }
0xc: {  	s8 =	sshll.u32 s9, $0x4;
	s19 =	smul.u32 $0x9C400, s9;
	[dreg:$0x9] =	wrdreg s22  }
0xd: {  	s12 =	ssub.s32 $0x2, s9;
	s9 =	smul.u32 $0x27100, s9;
	[dreg:$0xa] =	wrdreg s23  }
0xe: {  	s22 =	simm.s32 $0x4E20;
	s23 =	simm.s32 $0x6220;
	s8 =	sor.u32 s10, s8  }
0xf: {  	s13 =	sshrl.u32 s12, $0x1;
	s16 =	sadd.s32 s14, s2;
	s21 =	sadd.s32 s18, s3  }
0x10: {  	s8 =	smul.u32 $0x2710, s8;
	s12 =	ssub.s32 s12, s13;
	[dreg:$0x8] =	wrdreg s21  }
0x11: {  	s14 =	sadd.s32 s14, s19;
	s13 =	sadd.s32 s18, s9;
	s9 =	sshrl.u32 s9, $0x3  }
0x12: {  	s18 =	sshrl.u32 s16, $0x3;
	s21 =	simm.s32 $0x50;
	s14 =	sshrl.u32 s14, $0x3  }
0x13: {  	s13 =	sshrl.u32 s13, $0x3;
	s25 =	sadd.s32 s7, s9;
	s26 =	smax.u32 s12, $0x1  }
0x14: {  	s12 =	simm.s32 $0x4D80;
	s8 =	sshrl.u32 s8, $0x3;
	s14 =	sadd.s32 s11, s14  }
0x15: {  	s24 =	sadd.s32 s7, s13;
	[dreg:$0xf] =	wrdreg s26;
	s26 =	simm.s32 $0x4  }
0x16: {  	s13 =	simm.s32 $0x4DD0;
	s7 =	simm.s32 $0x0;
	s17 =	sadd.s32 s0, s8  }
0x17: {  	s8 =	sor.u32 $0x1C06, s15;
	[dreg:$0xb] =	wrdreg s14;
	s0 =	sshrl.u32 s19, $0x3  }
0x18: {  	[dreg:$0xc] =	wrdreg s24;
	s19 =	simm.s32 $0x6;
	s24 =	simm.s32 $0x3  }
0x19: {  	[dreg:$0x6] =	wrdreg s17;
	s20 =	sadd.s32 $0x9C40, s17;
	s0 =	sadd.s32 s11, s0  }
0x1a: {  	s11 =	simm.s32 $0x4D30;
	[dreg:$0x7] =	wrdreg s20;
	s0 =	sadd.s32 $0x13800, s0  }
0x1b: {  	s20 =	simm.s32 $0x2;
	[dreg:$0xd] =	wrdreg s0;
	s0 =	sadd.s32 $0x4E00, s25  }
0x1c: {  	v0 =	vimm.f32 $1.000000000e+00;
	s25 =	simm.s32 $0x7620;
	[dreg:$0xe] =	wrdreg s0;
	s0 =	simm.s32 $0x14EA0  }
.LBB2_1:
0x1d: {  	[spmem:s18], [sflag:s8] =	dma.local [hbm:s5], $0x1380  }
0x1e: {  	_ =	swait.ge [sflag:s19], $0x1380  }
0x1f: {  	[sflag:s19] =	ssyncset.done $0x0  }
0x20: {  	s9 =	rddreg [dreg:$0x6];
	[sflag:s19] =	ssyncadd.s32 $0xFFFFEC80  }
0x21: {  	[tilespmem:s4], [sflag:$0x6] =	stream.linear.gather [hbm4b:s9+s4], $0x2710, $0x38;
	[tilespmem:$0x17AC0] =	vst v63  }
0x22: {  	_ =	swait.ge [sflag:s19], $0x2710  }
0x23: {  	[sflag:s19] =	ssyncset.done $0x0  }
0x24: {  	s10 =	simm.s32 $0x2710;
	s16 =	rddreg [dreg:$0x7];
	[sflag:s19] =	ssyncadd.s32 $0xFFFFD8F0  }
0x25: {  	[tilespmem:s10], [sflag:$0x6] =	stream.linear.gather [hbm4b:s16+s4], $0x2710, $0x38;
	[tilespmem:$0x17AC0] =	vst v63  }
0x26: {  	_ =	swait.ge [sflag:s19], $0x2710  }
0x27: {  	[sflag:s19] =	ssyncset.done $0x0;
	s17 =	rddreg [dreg:$0x8]  }
0x28: {  	[sflag:s19] =	ssyncadd.s32 $0xFFFFD8F0;
	s14 =	sshrl.u32 s17, $0x3  }
0x29: {  	[spmem:s14], [sflag:s8] =	dma.local [hbm:s6], $0x4E0  }
0x2a: {  	_ =	swait.ge [sflag:s19], $0x4E0  }
0x2b: {  	[sflag:s19] =	ssyncset.done $0x0  }
0x2c: {  	[sflag:s19] =	ssyncadd.s32 $0xFFFFFB20  }
0x2d: {  	[tilespmem:$0x14EA0] =	vst v0  }
0x2e: {  	[tilespmem:$0x14EB0] =	vst v0  }
0x2f: {  	[tilespmem:$0x14EC0] =	vst v0  }
0x30: {  	[tilespmem:$0x14ED0] =	vst v0  }
0x31: {  	[tilespmem:$0x14EE0] =	vst v0  }
0x32: {  	[tilespmem:$0x14EF0] =	vst v0  }
0x33: {  	[tilespmem:$0x14F00] =	vst v0  }
0x34: {  	[tilespmem:$0x14F10] =	vst v0  }
0x35: {  	[tilespmem:$0x14F20] =	vst v0  }
0x36: {  	[tilespmem:$0x14F30] =	vst v0  }
0x37: {  	[tilespmem:$0x14F40] =	vst v0  }
0x38: {  	[tilespmem:$0x14F50] =	vst v0  }
0x39: {  	[tilespmem:$0x14F60] =	vst v0  }
0x3a: {  	[tilespmem:$0x14F70] =	vst v0  }
0x3b: {  	[tilespmem:$0x14F80] =	vst v0  }
0x3c: {  	[tilespmem:$0x14F90] =	vst v0  }
0x3d: {  	[tilespmem:$0x14FA0] =	vst v0  }
0x3e: {  	[tilespmem:$0x14FB0] =	vst v0  }
0x3f: {  	[tilespmem:$0x14FC0] =	vst v0  }
0x40: {  	[tilespmem:$0x14FD0] =	vst v0  }
0x41: {  	[tilespmem:$0x14FE0] =	vst v0  }
0x42: {  	[tilespmem:$0x14FF0] =	vst v0  }
0x43: {  	[tilespmem:$0x15000] =	vst v0  }
0x44: {  	[tilespmem:$0x15010] =	vst v0  }
0x45: {  	[tilespmem:$0x15020] =	vst v0  }
0x46: {  	[tilespmem:$0x15030] =	vst v0  }
0x47: {  	[tilespmem:$0x15040] =	vst v0  }
0x48: {  	[tilespmem:$0x15050] =	vst v0  }
0x49: {  	[tilespmem:$0x15060] =	vst v0  }
0x4a: {  	[tilespmem:$0x15070] =	vst v0  }
0x4b: {  	[tilespmem:$0x15080] =	vst v0  }
0x4c: {  	[tilespmem:$0x15090] =	vst v0  }
0x4d: {  	[tilespmem:$0x150A0] =	vst v0  }
0x4e: {  	[tilespmem:$0x150B0] =	vst v0  }
0x4f: {  	[tilespmem:$0x150C0] =	vst v0  }
0x50: {  	[tilespmem:$0x150D0] =	vst v0  }
0x51: {  	[tilespmem:$0x150E0] =	vst v0  }
0x52: {  	[tilespmem:$0x150F0] =	vst v0  }
0x53: {  	[tilespmem:$0x15100] =	vst v0  }
0x54: {  	[tilespmem:$0x15110] =	vst v0  }
0x55: {  	[tilespmem:$0x15120] =	vst v0  }
0x56: {  	[tilespmem:$0x15130] =	vst v0  }
0x57: {  	[tilespmem:$0x15140] =	vst v0  }
0x58: {  	[tilespmem:$0x15150] =	vst v0  }
0x59: {  	[tilespmem:$0x15160] =	vst v0  }
0x5a: {  	[tilespmem:$0x15170] =	vst v0  }
0x5b: {  	[tilespmem:$0x15180] =	vst v0  }
0x5c: {  	[tilespmem:$0x15190] =	vst v0  }
0x5d: {  	[tilespmem:$0x151A0] =	vst v0  }
0x5e: {  	[tilespmem:$0x151B0] =	vst v0  }
0x5f: {  	[tilespmem:$0x151C0] =	vst v0  }
0x60: {  	[tilespmem:$0x151D0] =	vst v0  }
0x61: {  	[tilespmem:$0x151E0] =	vst v0  }
0x62: {  	[tilespmem:$0x151F0] =	vst v0  }
0x63: {  	[tilespmem:$0x15200] =	vst v0  }
0x64: {  	[tilespmem:$0x15210] =	vst v0  }
0x65: {  	[tilespmem:$0x15220] =	vst v0  }
0x66: {  	[tilespmem:$0x15230] =	vst v0  }
0x67: {  	[tilespmem:$0x15240] =	vst v0  }
0x68: {  	[tilespmem:$0x15250] =	vst v0  }
0x69: {  	[tilespmem:$0x15260] =	vst v0  }
0x6a: {  	[tilespmem:$0x15270] =	vst v0  }
0x6b: {  	[tilespmem:$0x15280] =	vst v0  }
0x6c: {  	[tilespmem:$0x15290] =	vst v0  }
0x6d: {  	[tilespmem:$0x152A0] =	vst v0  }
0x6e: {  	[tilespmem:$0x152B0] =	vst v0  }
0x6f: {  	[tilespmem:$0x152C0] =	vst v0  }
0x70: {  	[tilespmem:$0x152D0] =	vst v0  }
0x71: {  	[tilespmem:$0x152E0] =	vst v0  }
0x72: {  	[tilespmem:$0x152F0] =	vst v0  }
0x73: {  	[tilespmem:$0x15300] =	vst v0  }
0x74: {  	[tilespmem:$0x15310] =	vst v0  }
0x75: {  	[tilespmem:$0x15320] =	vst v0  }
0x76: {  	[tilespmem:$0x15330] =	vst v0  }
0x77: {  	[tilespmem:$0x15340] =	vst v0  }
0x78: {  	[tilespmem:$0x15350] =	vst v0  }
0x79: {  	[tilespmem:$0x15360] =	vst v0  }
0x7a: {  	[tilespmem:$0x15370] =	vst v0  }
0x7b: {  	s9 =	rddreg [dreg:$0x9];
	[tilespmem:$0x15380] =	vst v0  }
0x7c: {  	s15 =	sshrl.u32 @!p0 s9, $0x3;
	s9 =	simm.s32 @!p0 $0x6;
	[tilespmem:$0x15390] =	vst v0  }
0x7d: {  	[spmem:s15], [sflag:s8] =	dma.local @!p0 [hbm:s5], $0x80  }
0x7e: {  	_ =	swait.ge @!p0 [sflag:s9], $0x80  }
0x7f: {  	[sflag:s9] =	ssyncset.done @!p0 $0x0;
	s10 =	rddreg [dreg:$0xa]  }
0x80: {  	[sflag:s9] =	ssyncadd.s32 @!p0 $0xFFFFFF80;
	s16 =	sshrl.u32 @!p0 s10, $0x3  }
0x81: {  	[spmem:s16], [sflag:s8] =	dma.local @!p0 [hbm:s6], $0x20  }
0x82: {  	_ =	swait.ge @!p0 [sflag:s9], $0x20  }
0x83: {  	[sflag:s9] =	ssyncset.done @!p0 $0x0  }
0x84: {  	[sflag:s9] =	ssyncadd.s32 @!p0 $0xFFFFFFE0  }
0x85: {  	[bflag:$0x0] =	sbarrier.arrive $0xFFFF  }
0x86: {  	[tilespmem:s22], [sflag:$0x1] =	stream.indirect.gather [hbm4b:s1+s21], $0x40, s4, s21, $0xb8;
	[tilespmem:$0x17AC0] =	vst v63  }
0x87: {  	_ = 	snop  }
0x88: {  	[tilespmem:s23], [sflag:$0x2] =	stream.indirect.gather [hbm4b:s1+s21], $0x40, s21, s21, $0xb8;
	[tilespmem:$0x17AC0] =	vst v63  }
0x89: {  	s10 =	simm.s32 $0xA0  }
0x8a: {  	[tilespmem:s25], [sflag:$0x3] =	stream.indirect.gather [hbm4b:s1+s21], $0x40, s10, s21, $0xb8;
	[tilespmem:$0x17AC0] =	vst v63  }
0x8b: {  	s17 =	simm.s32 $0xF0  }
0x8c: {  	[tilespmem:s28], [sflag:$0x4] =	stream.indirect.gather [hbm4b:s1+s21], $0x40, s17, s21, $0xb8;
	[tilespmem:$0x17AC0] =	vst v63  }
0x8d: {  	s10 =	simm.s32 $0x140  }
0x8e: {  	[tilespmem:s30], [sflag:$0x5] =	stream.indirect.gather [hbm4b:s1+s21], $0x40, s10, s21, $0xb8;
	[tilespmem:$0x17AC0] =	vst v63  }
0x8f: {  	_ =	swait.ge [sflag:s31], $0x1400  }
0x90: {  	[sflag:s31] =	ssyncset.done $0x0  }
0x91: {  	s17 =	simm.s32 $0x2710;
	[sflag:s31] =	ssyncadd.s32 $0xFFFFEC00  }
0x92: {  	[spmem:s2] =	stream.indirect.scatter.add.f32 [tilespmem:s22], [sflag:$0x6], $0x40, s17, s21, $0xb8;
	[tilespmem:$0x17AC0] =	vst v63  }
0x93: {  	_ =	swait.ge [sflag:s19], $0x1400  }
0x94: {  	[sflag:s19] =	ssyncset.done $0x0  }
0x95: {  	[sflag:s19] =	ssyncadd.s32 $0xFFFFEC00  }
0x96: {  	[spmem:s3] =	stream.indirect.scatter.add.f32 [tilespmem:s0], [sflag:$0x6], $0x10, s17, s21, $0xb8;
	[tilespmem:$0x17AC0] =	vst v63  }
0x97: {  	_ =	swait.ge [sflag:s19], $0x500  }
0x98: {  	[sflag:s19] =	ssyncset.done $0x0  }
0x99: {  	s10 =	simm.s32 $0x190;
	[sflag:s19] =	ssyncadd.s32 $0xFFFFFB00  }
0x9a: {  	[tilespmem:s22], [sflag:$0x1] =	stream.indirect.gather [hbm4b:s1+s21], $0x40, s10, s21, $0xb8;
	[tilespmem:$0x17AC0] =	vst v63  }
0x9b: {  	_ =	swait.ge [sflag:s20], $0x1400  }
0x9c: {  	[sflag:s20] =	ssyncset.done $0x0  }
0x9d: {  	s17 =	simm.s32 $0x2760;
	[sflag:s20] =	ssyncadd.s32 $0xFFFFEC00  }
0x9e: {  	[spmem:s2] =	stream.indirect.scatter.add.f32 [tilespmem:s23], [sflag:$0x6], $0x40, s17, s21, $0xb8;
	[tilespmem:$0x17AC0] =	vst v63  }
0x9f: {  	_ =	swait.ge [sflag:s19], $0x1400  }
0xa0: {  	[sflag:s19] =	ssyncset.done $0x0  }
0xa1: {  	[sflag:s19] =	ssyncadd.s32 $0xFFFFEC00  }
0xa2: {  	[spmem:s3] =	stream.indirect.scatter.add.f32 [tilespmem:s0], [sflag:$0x6], $0x10, s17, s21, $0xb8;
	[tilespmem:$0x17AC0] =	vst v63  }
0xa3: {  	_ =	swait.ge [sflag:s19], $0x500  }
0xa4: {  	[sflag:s19] =	ssyncset.done $0x0  }
0xa5: {  	s10 =	simm.s32 $0x1E0;
	[sflag:s19] =	ssyncadd.s32 $0xFFFFFB00  }
0xa6: {  	[tilespmem:s23], [sflag:$0x2] =	stream.indirect.gather [hbm4b:s1+s21], $0x40, s10, s21, $0xb8;
	[tilespmem:$0x17AC0] =	vst v63  }
0xa7: {  	_ =	swait.ge [sflag:s24], $0x1400  }
0xa8: {  	[sflag:s24] =	ssyncset.done $0x0  }
0xa9: {  	s17 =	simm.s32 $0x27B0;
	[sflag:s24] =	ssyncadd.s32 $0xFFFFEC00  }
0xaa: {  	[spmem:s2] =	stream.indirect.scatter.add.f32 [tilespmem:s25], [sflag:$0x6], $0x40, s17, s21, $0xb8;
	[tilespmem:$0x17AC0] =	vst v63  }
0xab: {  	_ =	swait.ge [sflag:s19], $0x1400  }
0xac: {  	[sflag:s19] =	ssyncset.done $0x0  }
0xad: {  	[sflag:s19] =	ssyncadd.s32 $0xFFFFEC00  }
0xae: {  	[spmem:s3] =	stream.indirect.scatter.add.f32 [tilespmem:s0], [sflag:$0x6], $0x10, s17, s21, $0xb8;
	[tilespmem:$0x17AC0] =	vst v63  }
0xaf: {  	_ =	swait.ge [sflag:s19], $0x500  }
0xb0: {  	[sflag:s19] =	ssyncset.done $0x0  }
0xb1: {  	s10 =	simm.s32 $0x230;
	[sflag:s19] =	ssyncadd.s32 $0xFFFFFB00  }
0xb2: {  	[tilespmem:s25], [sflag:$0x3] =	stream.indirect.gather [hbm4b:s1+s21], $0x40, s10, s21, $0xb8;
	[tilespmem:$0x17AC0] =	vst v63  }
0xb3: {  	_ =	swait.ge [sflag:s26], $0x1400  }
0xb4: {  	[sflag:s26] =	ssyncset.done $0x0  }
0xb5: {  	s17 =	simm.s32 $0x2800;
	[sflag:s26] =	ssyncadd.s32 $0xFFFFEC00  }
0xb6: {  	[spmem:s2] =	stream.indirect.scatter.add.f32 [tilespmem:s28], [sflag:$0x6], $0x40, s17, s21, $0xb8;
	[tilespmem:$0x17AC0] =	vst v63  }
0xb7: {  	_ =	swait.ge [sflag:s19], $0x1400  }
0xb8: {  	[sflag:s19] =	ssyncset.done $0x0  }
0xb9: {  	[sflag:s19] =	ssyncadd.s32 $0xFFFFEC00  }
0xba: {  	[spmem:s3] =	stream.indirect.scatter.add.f32 [tilespmem:s0], [sflag:$0x6], $0x10, s17, s21, $0xb8;
	[tilespmem:$0x17AC0] =	vst v63  }
0xbb: {  	_ =	swait.ge [sflag:s19], $0x500  }
0xbc: {  	[sflag:s19] =	ssyncset.done $0x0  }
0xbd: {  	s10 =	simm.s32 $0x280;
	[sflag:s19] =	ssyncadd.s32 $0xFFFFFB00  }
0xbe: {  	[tilespmem:s28], [sflag:$0x4] =	stream.indirect.gather [hbm4b:s1+s21], $0x40, s10, s21, $0xb8;
	[tilespmem:$0x17AC0] =	vst v63  }
0xbf: {  	_ =	swait.ge [sflag:s29], $0x1400  }
0xc0: {  	[sflag:s29] =	ssyncset.done $0x0  }
0xc1: {  	s17 =	simm.s32 $0x2850;
	[sflag:s29] =	ssyncadd.s32 $0xFFFFEC00  }
0xc2: {  	[spmem:s2] =	stream.indirect.scatter.add.f32 [tilespmem:s30], [sflag:$0x6], $0x40, s17, s21, $0xb8;
	[tilespmem:$0x17AC0] =	vst v63  }
0xc3: {  	_ =	swait.ge [sflag:s19], $0x1400  }
0xc4: {  	[sflag:s19] =	ssyncset.done $0x0  }
0xc5: {  	[sflag:s19] =	ssyncadd.s32 $0xFFFFEC00  }
0xc6: {  	[spmem:s3] =	stream.indirect.scatter.add.f32 [tilespmem:s0], [sflag:$0x6], $0x10, s17, s21, $0xb8;
	[tilespmem:$0x17AC0] =	vst v63  }
0xc7: {  	_ =	swait.ge [sflag:s19], $0x500  }
0xc8: {  	[sflag:s19] =	ssyncset.done $0x0  }
0xc9: {  	s9 =	simm.s32 $0x2D0;
	s17 =	simm.s32 $0x640;
	[sflag:s19] =	ssyncadd.s32 $0xFFFFFB00  }
.LBB2_2:
0xca: {  	[tilespmem:s30], [sflag:$0x5] =	stream.indirect.gather [hbm4b:s1+s21], $0x40, s9, s21, $0xb8;
	[tilespmem:$0x17AC0] =	vst v63  }
0xcb: {  	s9 =	smov.u32 s17  }
0xcc: {  	p1 =	sne.s32 s17, $0x8FC0;
	s17 =	sadd.s32 $0x640, s17;
	_ =	swait.ge [sflag:s31], $0x1400  }
0xcd: {  	s9 =	sshra.s32 s9, $0x2;
	[sflag:s31] =	ssyncset.done $0x0  }
0xce: {  	s10 =	sadd.s32 $0x2710, s9;
	[sflag:s31] =	ssyncadd.s32 $0xFFFFEC00  }
0xcf: {  	[spmem:s2] =	stream.indirect.scatter.add.f32 [tilespmem:s22], [sflag:$0x6], $0x40, s10, s21, $0xb8;
	[tilespmem:$0x17AC0] =	vst v63  }
0xd0: {  	_ =	swait.ge [sflag:s19], $0x1400  }
0xd1: {  	[sflag:s19] =	ssyncset.done $0x0  }
0xd2: {  	[sflag:s19] =	ssyncadd.s32 $0xFFFFEC00  }
0xd3: {  	[spmem:s3] =	stream.indirect.scatter.add.f32 [tilespmem:s0], [sflag:$0x6], $0x10, s10, s21, $0xb8;
	[tilespmem:$0x17AC0] =	vst v63  }
0xd4: {  	_ =	swait.ge [sflag:s19], $0x500  }
0xd5: {  	[sflag:s19] =	ssyncset.done $0x0  }
0xd6: {  	s10 =	sadd.s32 $0x190, s9;
	[sflag:s19] =	ssyncadd.s32 $0xFFFFFB00  }
0xd7: {  	[tilespmem:s22], [sflag:$0x1] =	stream.indirect.gather [hbm4b:s1+s21], $0x40, s10, s21, $0xb8;
	[tilespmem:$0x17AC0] =	vst v63  }
0xd8: {  	_ =	swait.ge [sflag:s20], $0x1400  }
0xd9: {  	[sflag:s20] =	ssyncset.done $0x0  }
0xda: {  	s10 =	sadd.s32 $0x2760, s9;
	[sflag:s20] =	ssyncadd.s32 $0xFFFFEC00  }
0xdb: {  	[spmem:s2] =	stream.indirect.scatter.add.f32 [tilespmem:s23], [sflag:$0x6], $0x40, s10, s21, $0xb8;
	[tilespmem:$0x17AC0] =	vst v63  }
0xdc: {  	_ =	swait.ge [sflag:s19], $0x1400  }
0xdd: {  	[sflag:s19] =	ssyncset.done $0x0  }
0xde: {  	[sflag:s19] =	ssyncadd.s32 $0xFFFFEC00  }
0xdf: {  	[spmem:s3] =	stream.indirect.scatter.add.f32 [tilespmem:s0], [sflag:$0x6], $0x10, s10, s21, $0xb8;
	[tilespmem:$0x17AC0] =	vst v63  }
0xe0: {  	_ =	swait.ge [sflag:s19], $0x500  }
0xe1: {  	[sflag:s19] =	ssyncset.done $0x0  }
0xe2: {  	s10 =	sadd.s32 $0x1E0, s9;
	[sflag:s19] =	ssyncadd.s32 $0xFFFFFB00  }
0xe3: {  	[tilespmem:s23], [sflag:$0x2] =	stream.indirect.gather [hbm4b:s1+s21], $0x40, s10, s21, $0xb8;
	[tilespmem:$0x17AC0] =	vst v63  }
0xe4: {  	_ =	swait.ge [sflag:s24], $0x1400  }
0xe5: {  	[sflag:s24] =	ssyncset.done $0x0  }
0xe6: {  	s10 =	sadd.s32 $0x27B0, s9;
	[sflag:s24] =	ssyncadd.s32 $0xFFFFEC00  }
0xe7: {  	[spmem:s2] =	stream.indirect.scatter.add.f32 [tilespmem:s25], [sflag:$0x6], $0x40, s10, s21, $0xb8;
	[tilespmem:$0x17AC0] =	vst v63  }
0xe8: {  	_ =	swait.ge [sflag:s19], $0x1400  }
0xe9: {  	[sflag:s19] =	ssyncset.done $0x0  }
0xea: {  	[sflag:s19] =	ssyncadd.s32 $0xFFFFEC00  }
0xeb: {  	[spmem:s3] =	stream.indirect.scatter.add.f32 [tilespmem:s0], [sflag:$0x6], $0x10, s10, s21, $0xb8;
	[tilespmem:$0x17AC0] =	vst v63  }
0xec: {  	_ =	swait.ge [sflag:s19], $0x500  }
0xed: {  	[sflag:s19] =	ssyncset.done $0x0  }
0xee: {  	s10 =	sadd.s32 $0x230, s9;
	[sflag:s19] =	ssyncadd.s32 $0xFFFFFB00  }
0xef: {  	[tilespmem:s25], [sflag:$0x3] =	stream.indirect.gather [hbm4b:s1+s21], $0x40, s10, s21, $0xb8;
	[tilespmem:$0x17AC0] =	vst v63  }
0xf0: {  	_ =	swait.ge [sflag:s26], $0x1400  }
0xf1: {  	[sflag:s26] =	ssyncset.done $0x0  }
0xf2: {  	s10 =	sadd.s32 $0x2800, s9;
	[sflag:s26] =	ssyncadd.s32 $0xFFFFEC00  }
0xf3: {  	[spmem:s2] =	stream.indirect.scatter.add.f32 [tilespmem:s28], [sflag:$0x6], $0x40, s10, s21, $0xb8;
	[tilespmem:$0x17AC0] =	vst v63  }
0xf4: {  	_ =	swait.ge [sflag:s19], $0x1400  }
0xf5: {  	[sflag:s19] =	ssyncset.done $0x0  }
0xf6: {  	[sflag:s19] =	ssyncadd.s32 $0xFFFFEC00  }
0xf7: {  	[spmem:s3] =	stream.indirect.scatter.add.f32 [tilespmem:s0], [sflag:$0x6], $0x10, s10, s21, $0xb8;
	[tilespmem:$0x17AC0] =	vst v63  }
0xf8: {  	_ =	swait.ge [sflag:s19], $0x500  }
0xf9: {  	[sflag:s19] =	ssyncset.done $0x0  }
0xfa: {  	s10 =	sadd.s32 $0x280, s9;
	[sflag:s19] =	ssyncadd.s32 $0xFFFFFB00  }
0xfb: {  	[tilespmem:s28], [sflag:$0x4] =	stream.indirect.gather [hbm4b:s1+s21], $0x40, s10, s21, $0xb8;
	[tilespmem:$0x17AC0] =	vst v63  }
0xfc: {  	_ =	swait.ge [sflag:s29], $0x1400  }
0xfd: {  	[sflag:s29] =	ssyncset.done $0x0  }
0xfe: {  	s10 =	sadd.s32 $0x2850, s9;
	[sflag:s29] =	ssyncadd.s32 $0xFFFFEC00  }
0xff: {  	[spmem:s2] =	stream.indirect.scatter.add.f32 [tilespmem:s30], [sflag:$0x6], $0x40, s10, s21, $0xb8;
	[tilespmem:$0x17AC0] =	vst v63  }
0x100: {  	_ =	swait.ge [sflag:s19], $0x1400  }
0x101: {  	[sflag:s19] =	ssyncset.done $0x0  }
.Ltmp0:
0x102: {  	[sflag:s19] =	ssyncadd.s32 $0xFFFFEC00;
	(pc) =	sbr.rel @p1 .LBB2_2-.Ltmp0, $4  }
0x103: {  	[spmem:s3] =	stream.indirect.scatter.add.f32 [tilespmem:s0], [sflag:$0x6], $0x10, s10, s21, $0xb8;
	[tilespmem:$0x17AC0] =	vst v63  }
0x104: {  	_ =	swait.ge [sflag:s19], $0x500  }
0x105: {  	[sflag:s19] =	ssyncset.done $0x0  }
0x106: {  	s9 =	sadd.s32 $0x2D0, s9;
	[sflag:s19] =	ssyncadd.s32 $0xFFFFFB00  }
0x107: {  	[tilespmem:s30], [sflag:$0x5] =	stream.indirect.gather [hbm4b:s1+s21], $0x40, s9, s21, $0xb8;
	[tilespmem:$0x17AC0] =	vst v63  }
0x108: {  	_ =	swait.ge [sflag:s31], $0x1400  }
0x109: {  	[sflag:s31] =	ssyncset.done $0x0  }
0x10a: {  	s17 =	simm.s32 $0x4C90;
	[sflag:s31] =	ssyncadd.s32 $0xFFFFEC00  }
0x10b: {  	[spmem:s2] =	stream.indirect.scatter.add.f32 [tilespmem:s22], [sflag:$0x6], $0x40, s17, s21, $0xb8;
	[tilespmem:$0x17AC0] =	vst v63  }
0x10c: {  	_ =	swait.ge [sflag:s19], $0x1400  }
0x10d: {  	[sflag:s19] =	ssyncset.done $0x0  }
0x10e: {  	[sflag:s19] =	ssyncadd.s32 $0xFFFFEC00  }
0x10f: {  	[spmem:s3] =	stream.indirect.scatter.add.f32 [tilespmem:s0], [sflag:$0x6], $0x10, s17, s21, $0xb8;
	[tilespmem:$0x17AC0] =	vst v63  }
0x110: {  	_ =	swait.ge [sflag:s19], $0x500  }
0x111: {  	[sflag:s19] =	ssyncset.done $0x0  }
0x112: {  	[sflag:s19] =	ssyncadd.s32 $0xFFFFFB00  }
0x113: {  	_ =	swait.ge [sflag:s20], $0x1400  }
0x114: {  	[sflag:s20] =	ssyncset.done $0x0  }
0x115: {  	s10 =	simm.s32 $0x4CE0;
	[sflag:s20] =	ssyncadd.s32 $0xFFFFEC00  }
0x116: {  	[spmem:s2] =	stream.indirect.scatter.add.f32 [tilespmem:s23], [sflag:$0x6], $0x40, s10, s21, $0xb8;
	[tilespmem:$0x17AC0] =	vst v63  }
0x117: {  	_ =	swait.ge [sflag:s19], $0x1400  }
0x118: {  	[sflag:s19] =	ssyncset.done $0x0  }
0x119: {  	[sflag:s19] =	ssyncadd.s32 $0xFFFFEC00  }
0x11a: {  	[spmem:s3] =	stream.indirect.scatter.add.f32 [tilespmem:s0], [sflag:$0x6], $0x10, s10, s21, $0xb8;
	[tilespmem:$0x17AC0] =	vst v63  }
0x11b: {  	_ =	swait.ge [sflag:s19], $0x500  }
0x11c: {  	[sflag:s19] =	ssyncset.done $0x0  }
0x11d: {  	[sflag:s19] =	ssyncadd.s32 $0xFFFFFB00  }
0x11e: {  	_ =	swait.ge [sflag:s24], $0x1400  }
0x11f: {  	[sflag:s24] =	ssyncset.done $0x0  }
0x120: {  	[sflag:s24] =	ssyncadd.s32 $0xFFFFEC00  }
0x121: {  	[spmem:s2] =	stream.indirect.scatter.add.f32 [tilespmem:s25], [sflag:$0x6], $0x40, s11, s21, $0xb8;
	[tilespmem:$0x17AC0] =	vst v63  }
0x122: {  	_ =	swait.ge [sflag:s19], $0x1400  }
0x123: {  	[sflag:s19] =	ssyncset.done $0x0  }
0x124: {  	[sflag:s19] =	ssyncadd.s32 $0xFFFFEC00  }
0x125: {  	[spmem:s3] =	stream.indirect.scatter.add.f32 [tilespmem:s0], [sflag:$0x6], $0x10, s11, s21, $0xb8;
	[tilespmem:$0x17AC0] =	vst v63  }
0x126: {  	_ =	swait.ge [sflag:s19], $0x500  }
0x127: {  	[sflag:s19] =	ssyncset.done $0x0  }
0x128: {  	[sflag:s19] =	ssyncadd.s32 $0xFFFFFB00  }
0x129: {  	_ =	swait.ge [sflag:s26], $0x1400  }
0x12a: {  	[sflag:s26] =	ssyncset.done $0x0  }
0x12b: {  	[sflag:s26] =	ssyncadd.s32 $0xFFFFEC00  }
0x12c: {  	[spmem:s2] =	stream.indirect.scatter.add.f32 [tilespmem:s28], [sflag:$0x6], $0x40, s12, s21, $0xb8;
	[tilespmem:$0x17AC0] =	vst v63  }
0x12d: {  	_ =	swait.ge [sflag:s19], $0x1400  }
0x12e: {  	[sflag:s19] =	ssyncset.done $0x0  }
0x12f: {  	[sflag:s19] =	ssyncadd.s32 $0xFFFFEC00  }
0x130: {  	[spmem:s3] =	stream.indirect.scatter.add.f32 [tilespmem:s0], [sflag:$0x6], $0x10, s12, s21, $0xb8;
	[tilespmem:$0x17AC0] =	vst v63  }
0x131: {  	_ =	swait.ge [sflag:s19], $0x500  }
0x132: {  	[sflag:s19] =	ssyncset.done $0x0  }
0x133: {  	[sflag:s19] =	ssyncadd.s32 $0xFFFFFB00  }
0x134: {  	_ =	swait.ge [sflag:s29], $0x1400  }
0x135: {  	[sflag:s29] =	ssyncset.done $0x0  }
0x136: {  	[sflag:s29] =	ssyncadd.s32 $0xFFFFEC00  }
0x137: {  	[spmem:s2] =	stream.indirect.scatter.add.f32 [tilespmem:s30], [sflag:$0x6], $0x40, s13, s21, $0xb8;
	[tilespmem:$0x17AC0] =	vst v63  }
0x138: {  	_ =	swait.ge [sflag:s19], $0x1400  }
0x139: {  	[sflag:s19] =	ssyncset.done $0x0  }
0x13a: {  	[sflag:s19] =	ssyncadd.s32 $0xFFFFEC00  }
0x13b: {  	[spmem:s3] =	stream.indirect.scatter.add.f32 [tilespmem:s0], [sflag:$0x6], $0x10, s13, s21, $0xb8;
	[tilespmem:$0x17AC0] =	vst v63  }
0x13c: {  	_ =	swait.ge [sflag:s19], $0x500  }
0x13d: {  	[sflag:s19] =	ssyncset.done $0x0  }
0x13e: {  	[sflag:s19] =	ssyncadd.s32 $0xFFFFFB00  }
0x13f: {  	[bflag:$0x0] =	sbarrier.arrive $0xFFFF  }
0x140: {  	s17 =	rddreg [dreg:$0xb]  }
0x141: {  	[hbm:s17], [sflag:s8] =	dma.local [spmem:s18], $0x1380  }
0x142: {  	_ =	swait.ge [sflag:s19], $0x1380  }
0x143: {  	[sflag:s19] =	ssyncset.done $0x0  }
0x144: {  	s10 =	rddreg [dreg:$0xc];
	[sflag:s19] =	ssyncadd.s32 $0xFFFFEC80  }
0x145: {  	[hbm:s10], [sflag:s8] =	dma.local [spmem:s14], $0x4E0  }
0x146: {  	_ =	swait.ge [sflag:s19], $0x4E0  }
0x147: {  	[sflag:s19] =	ssyncset.done $0x0  }
0x148: {  	s9 =	rddreg [dreg:$0xd];
	[sflag:s19] =	ssyncadd.s32 $0xFFFFFB20  }
0x149: {  	[hbm:s9], [sflag:s8] =	dma.local @!p0 [spmem:s15], $0x80  }
0x14a: {  	s9 =	simm.s32 @!p0 $0x6  }
0x14b: {  	_ =	swait.ge @!p0 [sflag:s9], $0x80  }
0x14c: {  	[sflag:s9] =	ssyncset.done @!p0 $0x0  }
0x14d: {  	s10 =	rddreg [dreg:$0xe];
	[sflag:s9] =	ssyncadd.s32 @!p0 $0xFFFFFF80  }
0x14e: {  	[hbm:s10], [sflag:s8] =	dma.local @!p0 [spmem:s16], $0x20  }
0x14f: {  	_ =	swait.ge @!p0 [sflag:s9], $0x20  }
0x150: {  	s7 =	sadd.s32 $0x1, s7;
	s17 =	rddreg [dreg:$0xf]  }
0x151: {  	p1 =	sne.s32 s7, s17  }
.Ltmp1:
0x152: {  	_ = 	snop;
	(pc) =	sbr.rel @p1 .LBB2_1-.Ltmp1, $3  }
0x153: {  	_ =	sdelay $0x1  }
0x154: {  	[sflag:s9] =	ssyncset.done @!p0 $0x0  }
0x155: {  	[sflag:s9] =	ssyncadd.s32 @!p0 $0xFFFFFFE0  }
0x156: {  	_ =	sfence.sel $0x180000  }
0x157: {  	[bflag:$0x0] =	sbarrier.arrive $0xFFFF  }
0x158: {  	_ =	strace $0x90000047  }
0x159: {  	[bflag:$0x2] =	sbarrier.arrive $0xFFFF  }
0x15a: {  	s0 =	rddreg [dreg:$0x5]  }
0x15b: {  	s0 =	sadd.s32 @!p0 $0x100000, s0  }
0x15c: {  	[sflag:s0] =	ssyncadd.tile.s32 @!p0 $0x1;
	_ =	shalt  }
.Lfunc_end2:
_tile_overlayer_lowered:
.L_overlay_start_2:
0x15d: {  	(tag) =	ssettag $0x2  }
0x15e: {  	s0 =	rddreg [dreg:$0x0];
	s2 =	stileid.u32  }
0x15f: {  	s1 =	rddreg [dreg:$0x1];
	p0 =	sne.s32 s2, $0x0  }
0x160: {  	s3 =	rddreg [dreg:$0x2];
	[bflag:$0x3] =	sbarrier.arrive $0xFFFF;
	s2 =	simm.s32 @!p0 $0x1C06  }
0x161: {  	[timem:s3], [sflag:s2] =	dma.local @!p0 [hbm:s0], s1  }
0x162: {  	s0 =	simm.s32 @!p0 $0x6  }
0x163: {  	_ =	swait.ge @!p0 [sflag:s0], s1  }
0x164: {  	s1 =	ssub.s32 @!p0 $0x0, s1;
	[sflag:s0] =	ssyncset.done @!p0 $0x0  }
0x165: {  	[sflag:s0] =	ssyncadd.s32 @!p0 s1  }
0x166: {  	[bflag:$0x3] =	sbarrier.arrive $0xFFFF  }
0x167: {  	_ =	shalt  }

</sc_bundles>
